<compile_context>
chip_gen: v7x
topology: tpu7x:2x2x1
jax: 0.10.2.dev20260603
libtpu: 0.0.44.dev20260713+nightly
codegen_flags: <defaults>
</compile_context>

<pallas_src>
import functools

import jax
import jax.numpy as jnp
from jax import lax
from jax.experimental import pallas as pl
from jax.experimental.pallas import tpu as pltpu
from jax.experimental.pallas import tpu_sc as plsc

HIDDEN_DIM = 768
N_EXP = 2
LANES = 16
N_CORES = 2
N_SUBCORES = 16
N_WORKERS = N_CORES * N_SUBCORES
CHUNK = 64
JSTEPS = HIDDEN_DIM // LANES
GROUPS = CHUNK // LANES
CHUNK_F = CHUNK * HIDDEN_DIM


_LOG2E = 1.4426950408889634
_LN2 = 0.6931471805599453
_RECIP_FACT = (1.0, 1.0, 0.5, 1.0 / 6, 1.0 / 24, 1.0 / 120, 1.0 / 720,
               1.0 / 5040)


def _sigmoid(l):
    l = jnp.clip(l, -87.0, 87.0)
    y = l * (-_LOG2E)
    k = (y + 192.5).astype(jnp.int32) - 192
    u = (y - k.astype(jnp.float32)) * _LN2
    p = jnp.full_like(u, _RECIP_FACT[7])
    for c in _RECIP_FACT[6::-1]:
        p = p * u + c
    two_k = lax.bitcast_convert_type(
        lax.shift_left(k + 127, jnp.int32(23)), jnp.float32)
    e = two_k * p
    d = 1.0 + e
    q = 1.0 / d
    q = q * (2.0 - d * q)
    q = q * (2.0 - d * q)
    return q


def _router_body(tokens_per_worker, n_chunks,
                 hs_hbm, w_hbm, b_hbm, idx_hbm, sc_hbm,
                 buf0, buf1, w0_v, w1_v, b_v, acc0_s, acc1_s,
                 idx_buf, sc_buf, sem0, sem1):
    wid = lax.axis_index("s") * N_CORES + lax.axis_index("c")
    base = wid * tokens_per_worker
    fbase = base * HIDDEN_DIM

    pltpu.sync_copy(w_hbm.at[pl.ds(0, HIDDEN_DIM)], w0_v)
    pltpu.sync_copy(w_hbm.at[pl.ds(HIDDEN_DIM, HIDDEN_DIM)], w1_v)
    pltpu.sync_copy(b_hbm, b_v)

    b0 = b_v[pl.ds(0, LANES)]
    b1 = b_v[pl.ds(LANES, LANES)]
    lane_base = lax.iota(jnp.int32, LANES) * LANES
    zero = jnp.zeros((LANES,), jnp.float32)

    pltpu.async_copy(hs_hbm.at[pl.ds(fbase, CHUNK_F)], buf0, sem0)
    pltpu.async_copy(hs_hbm.at[pl.ds(fbase + CHUNK_F, CHUNK_F)], buf1, sem1)

    def pair_body(p, carry):
        for bi, (buf, sem) in enumerate(((buf0, sem0), (buf1, sem1))):
            ci = p * 2 + bi
            coff = ci * CHUNK

            pltpu.make_async_copy(
                hs_hbm.at[pl.ds(fbase, CHUNK_F)], buf, sem).wait()

            def group_body(g, gcarry):
                row0 = g * LANES

                HALF = LANES // 2
                for half in range(2):
                    t0 = half * HALF

                    @plsc.parallel_loop(
                        0, JSTEPS, 1, unroll=2,
                        carry=(tuple(zero for _ in range(HALF)),
                               tuple(zero for _ in range(HALF))))
                    def accs(j, accs, t0=t0):
                        jj = j * LANES
                        w0j = w0_v[pl.ds(jj, LANES)]
                        w1j = w1_v[pl.ds(jj, LANES)]
                        a0, a1 = accs
                        n0 = []
                        n1 = []
                        for t in range(HALF):
                            h = buf[pl.ds(
                                (row0 + t0 + t) * HIDDEN_DIM + jj, LANES)]
                            u = lax.bitcast_convert_type(h, jnp.int32)
                            u = (u + 0x8000) & (-0x10000)
                            h = lax.bitcast_convert_type(u, jnp.float32)
                            n0.append(a0[t] + h * w0j)
                            n1.append(a1[t] + h * w1j)
                        return (tuple(n0), tuple(n1))

                    for t in range(HALF):
                        acc0_s[pl.ds((t0 + t) * LANES, LANES)] = accs[0][t]
                        acc1_s[pl.ds((t0 + t) * LANES, LANES)] = accs[1][t]
                l0 = zero
                l1 = zero
                for l in range(LANES):
                    col = lane_base + l
                    l0 = l0 + plsc.load_gather(acc0_s, [col])
                    l1 = l1 + plsc.load_gather(acc1_s, [col])

                s0 = _sigmoid(l0) + b0
                s1 = _sigmoid(l1) + b1
                pick1 = s1 > s0
                idx = pick1.astype(jnp.int32)
                sc = jnp.where(pick1, s1, s0)
                off = coff + row0
                idx_buf[pl.ds(off, LANES)] = idx
                sc_buf[pl.ds(off, LANES)] = sc
                return gcarry

            lax.fori_loop(0, GROUPS, group_body, 0)

            @pl.when(ci + 2 < n_chunks)
            def _():
                nf = fbase + (ci + 2) * CHUNK_F
                pltpu.async_copy(hs_hbm.at[pl.ds(nf, CHUNK_F)], buf, sem)
        return carry

    lax.fori_loop(0, n_chunks // 2, pair_body, 0)

    pltpu.sync_copy(idx_buf, idx_hbm.at[pl.ds(base, tokens_per_worker)])
    pltpu.sync_copy(sc_buf, sc_hbm.at[pl.ds(base, tokens_per_worker)])


@functools.cache
def _make_router(n_tokens):
    tokens_per_worker = n_tokens // N_WORKERS
    n_chunks = tokens_per_worker // CHUNK
    mesh = plsc.VectorSubcoreMesh(core_axis_name="c", subcore_axis_name="s")
    return pl.kernel(
        functools.partial(_router_body, tokens_per_worker, n_chunks),
        out_type=(jax.ShapeDtypeStruct((n_tokens,), jnp.int32),
                  jax.ShapeDtypeStruct((n_tokens,), jnp.float32)),
        mesh=mesh,
        compiler_params=pltpu.CompilerParams(needs_layout_passes=False),
        scratch_types=[
            pltpu.VMEM((CHUNK_F,), jnp.float32),
            pltpu.VMEM((CHUNK_F,), jnp.float32),
            pltpu.VMEM((HIDDEN_DIM,), jnp.float32),
            pltpu.VMEM((HIDDEN_DIM,), jnp.float32),
            pltpu.VMEM((2 * LANES,), jnp.float32),
            pltpu.VMEM((LANES * LANES,), jnp.float32),
            pltpu.VMEM((LANES * LANES,), jnp.float32),
            pltpu.VMEM((tokens_per_worker,), jnp.int32),
            pltpu.VMEM((tokens_per_worker,), jnp.float32),
            pltpu.SemaphoreType.DMA,
            pltpu.SemaphoreType.DMA,
        ],
    )


SC_TOKENS = 16384
TC_BLOCK = 2048


def _tc_body(x_ref, w_ref, b_ref, idx_ref, sc_ref):
    xb = x_ref[...].astype(jnp.bfloat16)
    wb = w_ref[...].astype(jnp.bfloat16)
    logits = lax.dot_general(xb, wb, (((1,), (1,)), ((), ())),
                             preferred_element_type=jnp.float32)
    s0 = _sigmoid(logits[:, 0]) + b_ref[0, 0]
    s1 = _sigmoid(logits[:, 1]) + b_ref[0, 1]
    pick1 = s1 > s0
    idx_ref[...] = pick1.astype(jnp.int32)
    sc_ref[...] = jnp.where(pick1, s1, s0)


@functools.cache
def _make_tc_router(n_tokens):
    grid = (n_tokens // TC_BLOCK,)
    return pl.pallas_call(
        _tc_body,
        grid=grid,
        in_specs=[
            pl.BlockSpec((TC_BLOCK, HIDDEN_DIM), lambda i: (i, 0)),
            pl.BlockSpec((N_EXP, HIDDEN_DIM), lambda i: (0, 0)),
            pl.BlockSpec(memory_space=pltpu.SMEM),
        ],
        out_specs=[
            pl.BlockSpec((TC_BLOCK,), lambda i: (i,)),
            pl.BlockSpec((TC_BLOCK,), lambda i: (i,)),
        ],
        out_shape=(jax.ShapeDtypeStruct((n_tokens,), jnp.int32),
                   jax.ShapeDtypeStruct((n_tokens,), jnp.float32)),
    )


def kernel(hidden_states, weight, e_score_correction_bias):
    n_tokens = hidden_states.shape[0] * hidden_states.shape[1]
    hs2d = hidden_states.astype(jnp.float32).reshape(n_tokens, HIDDEN_DIM)
    w32 = weight.astype(jnp.float32)
    bias = e_score_correction_bias.astype(jnp.float32)
    wu = lax.bitcast_convert_type(w32, jnp.int32)
    wu = (wu + 0x7FFF + (lax.shift_right_logical(wu, 16) & 1)) & (-0x10000)
    w_flat = lax.bitcast_convert_type(wu, jnp.float32).reshape(-1)
    b_bcast = jnp.repeat(bias, LANES)

    sc_idx, sc_sc = _make_router(SC_TOKENS)(
        hs2d[:SC_TOKENS].reshape(-1), w_flat, b_bcast)
    tc_idx, tc_sc = _make_tc_router(n_tokens - SC_TOKENS)(
        hs2d[SC_TOKENS:], w32, bias.reshape(1, N_EXP))
    return (jnp.concatenate([sc_idx, tc_idx]),
            jnp.concatenate([sc_sc, tc_sc]))

# --- scband reference (transcript-rebuilt; emitter-appended) ---
"""Pipeline reference for scband-deepseek-v3-topk-router-70841190581010 (READ-ONLY COPY).

The authoritative reference and input builder live on the scoring server;
editing this copy changes nothing except your own understanding.
"""

import jax, jax.numpy as jnp
import numpy as np

HIDDEN = 768
N_EXPERTS = 2

def setup_inputs(seed: int = 0) -> dict:
    key = jax.random.key(seed)
    k1, k2 = jax.random.split(key)
    hidden_states = jax.random.normal(k1, (4, 8192, HIDDEN), dtype=jnp.float32)
    weight = jax.random.normal(k2, (N_EXPERTS, HIDDEN), dtype=jnp.float32) * (1.0 / np.sqrt(HIDDEN))
    e_score_correction_bias = jnp.zeros((N_EXPERTS,), dtype=jnp.float32)
    return {"hidden_states": hidden_states, "weight": weight, "e_score_correction_bias": e_score_correction_bias}

def reference(hidden_states, weight, e_score_correction_bias):
    hs = hidden_states.reshape(-1, HIDDEN).astype(jnp.float32)
    router_logits = hs @ weight.astype(jnp.float32).T
    scores = jax.nn.sigmoid(router_logits)
    scores = scores + e_score_correction_bias[None, :]
    top_indices = jnp.argmax(scores, axis=-1)
    top_scores = jnp.take_along_axis(scores, top_indices[:, None], axis=1)[:, 0]
    return (top_indices, top_scores)

if __name__ == "__main__":
    import jax
    _d = setup_inputs()
    print(jax.jit(kernel)(*tuple(_d.values())))

</pallas_src>

<mosaic_0001>
#map = affine_map<(d0, d1) -> (0)>
module attributes {stable_mosaic.version = 14 : i64} {
  func.func @_router_body(%arg0: i32, %arg1: i32, %arg2: memref<12582912xf32, #tpu.memory_space<hbm>>, %arg3: memref<1536xf32, #tpu.memory_space<hbm>>, %arg4: memref<32xf32, #tpu.memory_space<hbm>>, %arg5: memref<16384xi32, #tpu.memory_space<hbm>>, %arg6: memref<16384xf32, #tpu.memory_space<hbm>>, %arg7: memref<49152xf32, #tpu.memory_space<vmem>>, %arg8: memref<49152xf32, #tpu.memory_space<vmem>>, %arg9: memref<768xf32, #tpu.memory_space<vmem>>, %arg10: memref<768xf32, #tpu.memory_space<vmem>>, %arg11: memref<32xf32, #tpu.memory_space<vmem>>, %arg12: memref<256xf32, #tpu.memory_space<vmem>>, %arg13: memref<256xf32, #tpu.memory_space<vmem>>, %arg14: memref<512xi32, #tpu.memory_space<vmem>>, %arg15: memref<512xf32, #tpu.memory_space<vmem>>, %arg16: memref<!tpu.dma_semaphore, #tpu.memory_space<semaphore_mem>>, %arg17: memref<!tpu.dma_semaphore, #tpu.memory_space<semaphore_mem>>) attributes {dimension_semantics = [#tpu.dimension_semantics<core_parallel>, #tpu.dimension_semantics<subcore_parallel>], iteration_bounds = array<i64: 2, 16>, scalar_prefetch = 0 : i64, scratch_operands = 11 : i64, tpu.core_type = #tpu.core_type<sc_vector_subcore>, window_params = [{transform_indices = #map}, {transform_indices = #map}, {transform_indices = #map}, {transform_indices = #map}, {transform_indices = #map}]} {
    %mul3A = arith.constant 2 : i32
    %mul3A_0 = arith.muli %arg1, %mul3A : i32
    %add3A = arith.addi %mul3A_0, %arg0 : i32
    %mul3A_1 = arith.constant 512 : i32
    %mul3A_2 = arith.muli %add3A, %mul3A_1 : i32
    %mul3A_3 = arith.constant 768 : i32
    %mul3A_4 = arith.muli %mul3A_2, %mul3A_3 : i32
    "tpu.region"() ({
      %run_scoped3A = tpu.sem_alloc : memref<!tpu.dma_semaphore, #tpu.memory_space<semaphore_mem>>
      %dma_start3A_22 = arith.constant 0 : i32
      %dma_start3A_23 = tpu.memref_slice %arg3[%dma_start3A_22] : memref<1536xf32, #tpu.memory_space<hbm>> -> memref<768xf32, #tpu.memory_space<hbm>>
      %dma_start3A_24 = arith.constant 0 : i32
      %dma_start3A_25 = tpu.memref_slice %arg3[%dma_start3A_24] : memref<1536xf32, #tpu.memory_space<hbm>> -> memref<768xf32, #tpu.memory_space<hbm>>
      tpu.enqueue_dma source(%dma_start3A_25 : memref<768xf32, #tpu.memory_space<hbm>>) target(%arg9 : memref<768xf32, #tpu.memory_space<vmem>>) target_semaphore(%run_scoped3A : memref<!tpu.dma_semaphore, #tpu.memory_space<semaphore_mem>>)
      %dma_wait3A = arith.constant 0 : i32
      %dma_wait3A_26 = tpu.memref_slice %arg3[%dma_wait3A] : memref<1536xf32, #tpu.memory_space<hbm>> -> memref<768xf32, #tpu.memory_space<hbm>>
      %dma_wait3A_27 = arith.constant 0 : i32
      %dma_wait3A_28 = tpu.memref_slice %arg3[%dma_wait3A_27] : memref<1536xf32, #tpu.memory_space<hbm>> -> memref<768xf32, #tpu.memory_space<hbm>>
      tpu.wait_dma2 semaphore(%run_scoped3A : memref<!tpu.dma_semaphore, #tpu.memory_space<semaphore_mem>>) src(%dma_wait3A_28 : memref<768xf32, #tpu.memory_space<hbm>>) dst(%arg9 : memref<768xf32, #tpu.memory_space<vmem>>)
      tpu.yield
    }) : () -> ()
    "tpu.region"() ({
      %run_scoped3A = tpu.sem_alloc : memref<!tpu.dma_semaphore, #tpu.memory_space<semaphore_mem>>
      %dma_start3A_22 = arith.constant 768 : i32
      %dma_start3A_23 = tpu.memref_slice %arg3[%dma_start3A_22] : memref<1536xf32, #tpu.memory_space<hbm>> -> memref<768xf32, #tpu.memory_space<hbm>>
      %dma_start3A_24 = arith.constant 768 : i32
      %dma_start3A_25 = tpu.memref_slice %arg3[%dma_start3A_24] : memref<1536xf32, #tpu.memory_space<hbm>> -> memref<768xf32, #tpu.memory_space<hbm>>
      tpu.enqueue_dma source(%dma_start3A_25 : memref<768xf32, #tpu.memory_space<hbm>>) target(%arg10 : memref<768xf32, #tpu.memory_space<vmem>>) target_semaphore(%run_scoped3A : memref<!tpu.dma_semaphore, #tpu.memory_space<semaphore_mem>>)
      %dma_wait3A = arith.constant 768 : i32
      %dma_wait3A_26 = tpu.memref_slice %arg3[%dma_wait3A] : memref<1536xf32, #tpu.memory_space<hbm>> -> memref<768xf32, #tpu.memory_space<hbm>>
      %dma_wait3A_27 = arith.constant 768 : i32
      %dma_wait3A_28 = tpu.memref_slice %arg3[%dma_wait3A_27] : memref<1536xf32, #tpu.memory_space<hbm>> -> memref<768xf32, #tpu.memory_space<hbm>>
      tpu.wait_dma2 semaphore(%run_scoped3A : memref<!tpu.dma_semaphore, #tpu.memory_space<semaphore_mem>>) src(%dma_wait3A_28 : memref<768xf32, #tpu.memory_space<hbm>>) dst(%arg10 : memref<768xf32, #tpu.memory_space<vmem>>)
      tpu.yield
    }) : () -> ()
    "tpu.region"() ({
      %run_scoped3A = tpu.sem_alloc : memref<!tpu.dma_semaphore, #tpu.memory_space<semaphore_mem>>
      tpu.enqueue_dma source(%arg4 : memref<32xf32, #tpu.memory_space<hbm>>) target(%arg11 : memref<32xf32, #tpu.memory_space<vmem>>) target_semaphore(%run_scoped3A : memref<!tpu.dma_semaphore, #tpu.memory_space<semaphore_mem>>)
      tpu.wait_dma2 semaphore(%run_scoped3A : memref<!tpu.dma_semaphore, #tpu.memory_space<semaphore_mem>>) src(%arg4 : memref<32xf32, #tpu.memory_space<hbm>>) dst(%arg11 : memref<32xf32, #tpu.memory_space<vmem>>)
      tpu.yield
    }) : () -> ()
    %get3A = arith.constant 0 : index
    %get3A_5 = tpu.vector_load %arg11[%get3A] {strides = array<i32>} : memref<32xf32, #tpu.memory_space<vmem>>, vector<16xf32>,
    %get3A_6 = arith.constant 16 : index
    %get3A_7 = tpu.vector_load %arg11[%get3A_6] {strides = array<i32>} : memref<32xf32, #tpu.memory_space<vmem>>, vector<16xf32>,
    %iota3A = tpu.iota {dimensions = array<i32: 0>} : vector<16xi32>
    %mul3A_8 = arith.constant 16 : i32
    %mul3A_9 = vector.broadcast %mul3A_8 : i32 to vector<16xi32>
    %mul3A_10 = arith.muli %iota3A, %mul3A_9 : vector<16xi32>
    %broadcast_in_dim3A = arith.constant 0.000000e+00 : f32
    %broadcast_in_dim3A_11 = vector.broadcast %broadcast_in_dim3A : f32 to vector<16xf32>
    %dma_start3A = tpu.memref_slice %arg2[%mul3A_4] : memref<12582912xf32, #tpu.memory_space<hbm>> -> memref<49152xf32, #tpu.memory_space<hbm>>
    %dma_start3A_12 = tpu.memref_slice %arg2[%mul3A_4] : memref<12582912xf32, #tpu.memory_space<hbm>> -> memref<49152xf32, #tpu.memory_space<hbm>>
    tpu.enqueue_dma source(%dma_start3A_12 : memref<49152xf32, #tpu.memory_space<hbm>>) target(%arg7 : memref<49152xf32, #tpu.memory_space<vmem>>) target_semaphore(%arg16 : memref<!tpu.dma_semaphore, #tpu.memory_space<semaphore_mem>>)
    %add3A_13 = arith.constant 49152 : i32
    %add3A_14 = arith.addi %mul3A_4, %add3A_13 : i32
    %dma_start3A_15 = tpu.memref_slice %arg2[%add3A_14] : memref<12582912xf32, #tpu.memory_space<hbm>> -> memref<49152xf32, #tpu.memory_space<hbm>>
    %dma_start3A_16 = tpu.memref_slice %arg2[%add3A_14] : memref<12582912xf32, #tpu.memory_space<hbm>> -> memref<49152xf32, #tpu.memory_space<hbm>>
    tpu.enqueue_dma source(%dma_start3A_16 : memref<49152xf32, #tpu.memory_space<hbm>>) target(%arg8 : memref<49152xf32, #tpu.memory_space<vmem>>) target_semaphore(%arg17 : memref<!tpu.dma_semaphore, #tpu.memory_space<semaphore_mem>>)
    %scan3A = arith.constant 0 : i32
    %scan3A_17 = arith.constant 0 : i32
    %scan3A_18 = arith.constant 4 : i32
    %scan3A_19 = arith.addi %scan3A_17, %scan3A_18 : i32
    %scan3A_20 = arith.constant 1 : i32
    scf.for %scan3A_22 = %scan3A_17 to %scan3A_19 step %scan3A_20  : i32 {
      %mul3A_23 = arith.constant 2 : i32
      %mul3A_24 = arith.muli %scan3A_22, %mul3A_23 : i32
      %add3A_25 = arith.constant 0 : i32
      %add3A_26 = arith.addi %mul3A_24, %add3A_25 : i32
      %mul3A_27 = arith.constant 64 : i32
      %mul3A_28 = arith.muli %add3A_26, %mul3A_27 : i32
      %dma_wait3A = tpu.memref_slice %arg2[%mul3A_4] : memref<12582912xf32, #tpu.memory_space<hbm>> -> memref<49152xf32, #tpu.memory_space<hbm>>
      %dma_wait3A_29 = tpu.memref_slice %arg2[%mul3A_4] : memref<12582912xf32, #tpu.memory_space<hbm>> -> memref<49152xf32, #tpu.memory_space<hbm>>
      tpu.wait_dma2 semaphore(%arg16 : memref<!tpu.dma_semaphore, #tpu.memory_space<semaphore_mem>>) src(%dma_wait3A_29 : memref<49152xf32, #tpu.memory_space<hbm>>) dst(%arg7 : memref<49152xf32, #tpu.memory_space<vmem>>)
      %scan3A_30 = arith.constant 0 : i32
      %scan3A_31 = arith.constant 0 : i32
      %scan3A_32 = arith.constant 4 : i32
      %scan3A_33 = arith.addi %scan3A_31, %scan3A_32 : i32
      %scan3A_34 = arith.constant 1 : i32
      scf.for %scan3A_61 = %scan3A_31 to %scan3A_33 step %scan3A_34  : i32 {
        %mul3A_62 = arith.constant 16 : i32
        %mul3A_63 = arith.muli %scan3A_61, %mul3A_62 : i32
        %parallel_loop3A = arith.constant 0 : i32
        %parallel_loop3A_64 = arith.constant 48 : i32
        %parallel_loop3A_65 = arith.constant 1 : i32
        %parallel_loop3A_66:16 = scf.for %parallel_loop3A_396 = %parallel_loop3A to %parallel_loop3A_64 step %parallel_loop3A_65 iter_args(%parallel_loop3A_397 = %broadcast_in_dim3A_11, %parallel_loop3A_398 = %broadcast_in_dim3A_11, %parallel_loop3A_399 = %broadcast_in_dim3A_11, %parallel_loop3A_400 = %broadcast_in_dim3A_11, %parallel_loop3A_401 = %broadcast_in_dim3A_11, %parallel_loop3A_402 = %broadcast_in_dim3A_11, %parallel_loop3A_403 = %broadcast_in_dim3A_11, %parallel_loop3A_404 = %broadcast_in_dim3A_11, %parallel_loop3A_405 = %broadcast_in_dim3A_11, %parallel_loop3A_406 = %broadcast_in_dim3A_11, %parallel_loop3A_407 = %broadcast_in_dim3A_11, %parallel_loop3A_408 = %broadcast_in_dim3A_11, %parallel_loop3A_409 = %broadcast_in_dim3A_11, %parallel_loop3A_410 = %broadcast_in_dim3A_11, %parallel_loop3A_411 = %broadcast_in_dim3A_11, %parallel_loop3A_412 = %broadcast_in_dim3A_11) -> (vector<16xf32>, vector<16xf32>, vector<16xf32>, vector<16xf32>, vector<16xf32>, vector<16xf32>, vector<16xf32>, vector<16xf32>, vector<16xf32>, vector<16xf32>, vector<16xf32>, vector<16xf32>, vector<16xf32>, vector<16xf32>, vector<16xf32>, vector<16xf32>)  : i32 {
          %parallel_loop3A_413 = arith.constant 16 : i32
          %parallel_loop3A_414 = arith.muli %parallel_loop3A_396, %parallel_loop3A_413 : i32
          %parallel_loop3A_415 = arith.index_cast %parallel_loop3A_414 : i32 to index
          %parallel_loop3A_416 = tpu.vector_load %arg9[%parallel_loop3A_415] {strides = array<i32>} : memref<768xf32, #tpu.memory_space<vmem>>, vector<16xf32>,
          %parallel_loop3A_417 = arith.index_cast %parallel_loop3A_414 : i32 to index
          %parallel_loop3A_418 = tpu.vector_load %arg10[%parallel_loop3A_417] {strides = array<i32>} : memref<768xf32, #tpu.memory_space<vmem>>, vector<16xf32>,
          %parallel_loop3A_419 = arith.constant 0 : i32
          %parallel_loop3A_420 = arith.addi %mul3A_63, %parallel_loop3A_419 : i32
          %parallel_loop3A_421 = arith.constant 0 : i32
          %parallel_loop3A_422 = arith.addi %parallel_loop3A_420, %parallel_loop3A_421 : i32
          %parallel_loop3A_423 = arith.constant 768 : i32
          %parallel_loop3A_424 = arith.muli %parallel_loop3A_422, %parallel_loop3A_423 : i32
          %parallel_loop3A_425 = arith.addi %parallel_loop3A_424, %parallel_loop3A_414 : i32
          %parallel_loop3A_426 = arith.index_cast %parallel_loop3A_425 : i32 to index
          %parallel_loop3A_427 = tpu.vector_load %arg7[%parallel_loop3A_426] {strides = array<i32>} : memref<49152xf32, #tpu.memory_space<vmem>>, vector<16xf32>,
          %parallel_loop3A_428 = tpu.bitcast %parallel_loop3A_427 : vector<16xf32> -> vector<16xi32>
          %parallel_loop3A_429 = arith.constant 32768 : i32
          %parallel_loop3A_430 = vector.broadcast %parallel_loop3A_429 : i32 to vector<16xi32>
          %parallel_loop3A_431 = arith.addi %parallel_loop3A_428, %parallel_loop3A_430 : vector<16xi32>
          %parallel_loop3A_432 = arith.constant -65536 : i32
          %parallel_loop3A_433 = vector.broadcast %parallel_loop3A_432 : i32 to vector<16xi32>
          %parallel_loop3A_434 = arith.andi %parallel_loop3A_431, %parallel_loop3A_433 : vector<16xi32>
          %parallel_loop3A_435 = tpu.bitcast %parallel_loop3A_434 : vector<16xi32> -> vector<16xf32>
          %parallel_loop3A_436 = arith.mulf %parallel_loop3A_435, %parallel_loop3A_416 : vector<16xf32>
          %parallel_loop3A_437 = arith.addf %parallel_loop3A_397, %parallel_loop3A_436 : vector<16xf32>
          %parallel_loop3A_438 = arith.mulf %parallel_loop3A_435, %parallel_loop3A_418 : vector<16xf32>
          %parallel_loop3A_439 = arith.addf %parallel_loop3A_405, %parallel_loop3A_438 : vector<16xf32>
          %parallel_loop3A_440 = arith.constant 0 : i32
          %parallel_loop3A_441 = arith.addi %mul3A_63, %parallel_loop3A_440 : i32
          %parallel_loop3A_442 = arith.constant 1 : i32
          %parallel_loop3A_443 = arith.addi %parallel_loop3A_441, %parallel_loop3A_442 : i32
          %parallel_loop3A_444 = arith.constant 768 : i32
          %parallel_loop3A_445 = arith.muli %parallel_loop3A_443, %parallel_loop3A_444 : i32
          %parallel_loop3A_446 = arith.addi %parallel_loop3A_445, %parallel_loop3A_414 : i32
          %parallel_loop3A_447 = arith.index_cast %parallel_loop3A_446 : i32 to index
          %parallel_loop3A_448 = tpu.vector_load %arg7[%parallel_loop3A_447] {strides = array<i32>} : memref<49152xf32, #tpu.memory_space<vmem>>, vector<16xf32>,
          %parallel_loop3A_449 = tpu.bitcast %parallel_loop3A_448 : vector<16xf32> -> vector<16xi32>
          %parallel_loop3A_450 = arith.constant 32768 : i32
          %parallel_loop3A_451 = vector.broadcast %parallel_loop3A_450 : i32 to vector<16xi32>
          %parallel_loop3A_452 = arith.addi %parallel_loop3A_449, %parallel_loop3A_451 : vector<16xi32>
          %parallel_loop3A_453 = arith.constant -65536 : i32
          %parallel_loop3A_454 = vector.broadcast %parallel_loop3A_453 : i32 to vector<16xi32>
          %parallel_loop3A_455 = arith.andi %parallel_loop3A_452, %parallel_loop3A_454 : vector<16xi32>
          %parallel_loop3A_456 = tpu.bitcast %parallel_loop3A_455 : vector<16xi32> -> vector<16xf32>
          %parallel_loop3A_457 = arith.mulf %parallel_loop3A_456, %parallel_loop3A_416 : vector<16xf32>
          %parallel_loop3A_458 = arith.addf %parallel_loop3A_398, %parallel_loop3A_457 : vector<16xf32>
          %parallel_loop3A_459 = arith.mulf %parallel_loop3A_456, %parallel_loop3A_418 : vector<16xf32>
          %parallel_loop3A_460 = arith.addf %parallel_loop3A_406, %parallel_loop3A_459 : vector<16xf32>
          %parallel_loop3A_461 = arith.constant 0 : i32
          %parallel_loop3A_462 = arith.addi %mul3A_63, %parallel_loop3A_461 : i32
          %parallel_loop3A_463 = arith.constant 2 : i32
          %parallel_loop3A_464 = arith.addi %parallel_loop3A_462, %parallel_loop3A_463 : i32
          %parallel_loop3A_465 = arith.constant 768 : i32
          %parallel_loop3A_466 = arith.muli %parallel_loop3A_464, %parallel_loop3A_465 : i32
          %parallel_loop3A_467 = arith.addi %parallel_loop3A_466, %parallel_loop3A_414 : i32
          %parallel_loop3A_468 = arith.index_cast %parallel_loop3A_467 : i32 to index
          %parallel_loop3A_469 = tpu.vector_load %arg7[%parallel_loop3A_468] {strides = array<i32>} : memref<49152xf32, #tpu.memory_space<vmem>>, vector<16xf32>,
          %parallel_loop3A_470 = tpu.bitcast %parallel_loop3A_469 : vector<16xf32> -> vector<16xi32>
          %parallel_loop3A_471 = arith.constant 32768 : i32
          %parallel_loop3A_472 = vector.broadcast %parallel_loop3A_471 : i32 to vector<16xi32>
          %parallel_loop3A_473 = arith.addi %parallel_loop3A_470, %parallel_loop3A_472 : vector<16xi32>
          %parallel_loop3A_474 = arith.constant -65536 : i32
          %parallel_loop3A_475 = vector.broadcast %parallel_loop3A_474 : i32 to vector<16xi32>
          %parallel_loop3A_476 = arith.andi %parallel_loop3A_473, %parallel_loop3A_475 : vector<16xi32>
          %parallel_loop3A_477 = tpu.bitcast %parallel_loop3A_476 : vector<16xi32> -> vector<16xf32>
          %parallel_loop3A_478 = arith.mulf %parallel_loop3A_477, %parallel_loop3A_416 : vector<16xf32>
          %parallel_loop3A_479 = arith.addf %parallel_loop3A_399, %parallel_loop3A_478 : vector<16xf32>
          %parallel_loop3A_480 = arith.mulf %parallel_loop3A_477, %parallel_loop3A_418 : vector<16xf32>
          %parallel_loop3A_481 = arith.addf %parallel_loop3A_407, %parallel_loop3A_480 : vector<16xf32>
          %parallel_loop3A_482 = arith.constant 0 : i32
          %parallel_loop3A_483 = arith.addi %mul3A_63, %parallel_loop3A_482 : i32
          %parallel_loop3A_484 = arith.constant 3 : i32
          %parallel_loop3A_485 = arith.addi %parallel_loop3A_483, %parallel_loop3A_484 : i32
          %parallel_loop3A_486 = arith.constant 768 : i32
          %parallel_loop3A_487 = arith.muli %parallel_loop3A_485, %parallel_loop3A_486 : i32
          %parallel_loop3A_488 = arith.addi %parallel_loop3A_487, %parallel_loop3A_414 : i32
          %parallel_loop3A_489 = arith.index_cast %parallel_loop3A_488 : i32 to index
          %parallel_loop3A_490 = tpu.vector_load %arg7[%parallel_loop3A_489] {strides = array<i32>} : memref<49152xf32, #tpu.memory_space<vmem>>, vector<16xf32>,
          %parallel_loop3A_491 = tpu.bitcast %parallel_loop3A_490 : vector<16xf32> -> vector<16xi32>
          %parallel_loop3A_492 = arith.constant 32768 : i32
          %parallel_loop3A_493 = vector.broadcast %parallel_loop3A_492 : i32 to vector<16xi32>
          %parallel_loop3A_494 = arith.addi %parallel_loop3A_491, %parallel_loop3A_493 : vector<16xi32>
          %parallel_loop3A_495 = arith.constant -65536 : i32
          %parallel_loop3A_496 = vector.broadcast %parallel_loop3A_495 : i32 to vector<16xi32>
          %parallel_loop3A_497 = arith.andi %parallel_loop3A_494, %parallel_loop3A_496 : vector<16xi32>
          %parallel_loop3A_498 = tpu.bitcast %parallel_loop3A_497 : vector<16xi32> -> vector<16xf32>
          %parallel_loop3A_499 = arith.mulf %parallel_loop3A_498, %parallel_loop3A_416 : vector<16xf32>
          %parallel_loop3A_500 = arith.addf %parallel_loop3A_400, %parallel_loop3A_499 : vector<16xf32>
          %parallel_loop3A_501 = arith.mulf %parallel_loop3A_498, %parallel_loop3A_418 : vector<16xf32>
          %parallel_loop3A_502 = arith.addf %parallel_loop3A_408, %parallel_loop3A_501 : vector<16xf32>
          %parallel_loop3A_503 = arith.constant 0 : i32
          %parallel_loop3A_504 = arith.addi %mul3A_63, %parallel_loop3A_503 : i32
          %parallel_loop3A_505 = arith.constant 4 : i32
          %parallel_loop3A_506 = arith.addi %parallel_loop3A_504, %parallel_loop3A_505 : i32
          %parallel_loop3A_507 = arith.constant 768 : i32
          %parallel_loop3A_508 = arith.muli %parallel_loop3A_506, %parallel_loop3A_507 : i32
          %parallel_loop3A_509 = arith.addi %parallel_loop3A_508, %parallel_loop3A_414 : i32
          %parallel_loop3A_510 = arith.index_cast %parallel_loop3A_509 : i32 to index
          %parallel_loop3A_511 = tpu.vector_load %arg7[%parallel_loop3A_510] {strides = array<i32>} : memref<49152xf32, #tpu.memory_space<vmem>>, vector<16xf32>,
          %parallel_loop3A_512 = tpu.bitcast %parallel_loop3A_511 : vector<16xf32> -> vector<16xi32>
          %parallel_loop3A_513 = arith.constant 32768 : i32
          %parallel_loop3A_514 = vector.broadcast %parallel_loop3A_513 : i32 to vector<16xi32>
          %parallel_loop3A_515 = arith.addi %parallel_loop3A_512, %parallel_loop3A_514 : vector<16xi32>
          %parallel_loop3A_516 = arith.constant -65536 : i32
          %parallel_loop3A_517 = vector.broadcast %parallel_loop3A_516 : i32 to vector<16xi32>
          %parallel_loop3A_518 = arith.andi %parallel_loop3A_515, %parallel_loop3A_517 : vector<16xi32>
          %parallel_loop3A_519 = tpu.bitcast %parallel_loop3A_518 : vector<16xi32> -> vector<16xf32>
          %parallel_loop3A_520 = arith.mulf %parallel_loop3A_519, %parallel_loop3A_416 : vector<16xf32>
          %parallel_loop3A_521 = arith.addf %parallel_loop3A_401, %parallel_loop3A_520 : vector<16xf32>
          %parallel_loop3A_522 = arith.mulf %parallel_loop3A_519, %parallel_loop3A_418 : vector<16xf32>
          %parallel_loop3A_523 = arith.addf %parallel_loop3A_409, %parallel_loop3A_522 : vector<16xf32>
          %parallel_loop3A_524 = arith.constant 0 : i32
          %parallel_loop3A_525 = arith.addi %mul3A_63, %parallel_loop3A_524 : i32
          %parallel_loop3A_526 = arith.constant 5 : i32
          %parallel_loop3A_527 = arith.addi %parallel_loop3A_525, %parallel_loop3A_526 : i32
          %parallel_loop3A_528 = arith.constant 768 : i32
          %parallel_loop3A_529 = arith.muli %parallel_loop3A_527, %parallel_loop3A_528 : i32
          %parallel_loop3A_530 = arith.addi %parallel_loop3A_529, %parallel_loop3A_414 : i32
          %parallel_loop3A_531 = arith.index_cast %parallel_loop3A_530 : i32 to index
          %parallel_loop3A_532 = tpu.vector_load %arg7[%parallel_loop3A_531] {strides = array<i32>} : memref<49152xf32, #tpu.memory_space<vmem>>, vector<16xf32>,
          %parallel_loop3A_533 = tpu.bitcast %parallel_loop3A_532 : vector<16xf32> -> vector<16xi32>
          %parallel_loop3A_534 = arith.constant 32768 : i32
          %parallel_loop3A_535 = vector.broadcast %parallel_loop3A_534 : i32 to vector<16xi32>
          %parallel_loop3A_536 = arith.addi %parallel_loop3A_533, %parallel_loop3A_535 : vector<16xi32>
          %parallel_loop3A_537 = arith.constant -65536 : i32
          %parallel_loop3A_538 = vector.broadcast %parallel_loop3A_537 : i32 to vector<16xi32>
          %parallel_loop3A_539 = arith.andi %parallel_loop3A_536, %parallel_loop3A_538 : vector<16xi32>
          %parallel_loop3A_540 = tpu.bitcast %parallel_loop3A_539 : vector<16xi32> -> vector<16xf32>
          %parallel_loop3A_541 = arith.mulf %parallel_loop3A_540, %parallel_loop3A_416 : vector<16xf32>
          %parallel_loop3A_542 = arith.addf %parallel_loop3A_402, %parallel_loop3A_541 : vector<16xf32>
          %parallel_loop3A_543 = arith.mulf %parallel_loop3A_540, %parallel_loop3A_418 : vector<16xf32>
          %parallel_loop3A_544 = arith.addf %parallel_loop3A_410, %parallel_loop3A_543 : vector<16xf32>
          %parallel_loop3A_545 = arith.constant 0 : i32
          %parallel_loop3A_546 = arith.addi %mul3A_63, %parallel_loop3A_545 : i32
          %parallel_loop3A_547 = arith.constant 6 : i32
          %parallel_loop3A_548 = arith.addi %parallel_loop3A_546, %parallel_loop3A_547 : i32
          %parallel_loop3A_549 = arith.constant 768 : i32
          %parallel_loop3A_550 = arith.muli %parallel_loop3A_548, %parallel_loop3A_549 : i32
          %parallel_loop3A_551 = arith.addi %parallel_loop3A_550, %parallel_loop3A_414 : i32
          %parallel_loop3A_552 = arith.index_cast %parallel_loop3A_551 : i32 to index
          %parallel_loop3A_553 = tpu.vector_load %arg7[%parallel_loop3A_552] {strides = array<i32>} : memref<49152xf32, #tpu.memory_space<vmem>>, vector<16xf32>,
          %parallel_loop3A_554 = tpu.bitcast %parallel_loop3A_553 : vector<16xf32> -> vector<16xi32>
          %parallel_loop3A_555 = arith.constant 32768 : i32
          %parallel_loop3A_556 = vector.broadcast %parallel_loop3A_555 : i32 to vector<16xi32>
          %parallel_loop3A_557 = arith.addi %parallel_loop3A_554, %parallel_loop3A_556 : vector<16xi32>
          %parallel_loop3A_558 = arith.constant -65536 : i32
          %parallel_loop3A_559 = vector.broadcast %parallel_loop3A_558 : i32 to vector<16xi32>
          %parallel_loop3A_560 = arith.andi %parallel_loop3A_557, %parallel_loop3A_559 : vector<16xi32>
          %parallel_loop3A_561 = tpu.bitcast %parallel_loop3A_560 : vector<16xi32> -> vector<16xf32>
          %parallel_loop3A_562 = arith.mulf %parallel_loop3A_561, %parallel_loop3A_416 : vector<16xf32>
          %parallel_loop3A_563 = arith.addf %parallel_loop3A_403, %parallel_loop3A_562 : vector<16xf32>
          %parallel_loop3A_564 = arith.mulf %parallel_loop3A_561, %parallel_loop3A_418 : vector<16xf32>
          %parallel_loop3A_565 = arith.addf %parallel_loop3A_411, %parallel_loop3A_564 : vector<16xf32>
          %parallel_loop3A_566 = arith.constant 0 : i32
          %parallel_loop3A_567 = arith.addi %mul3A_63, %parallel_loop3A_566 : i32
          %parallel_loop3A_568 = arith.constant 7 : i32
          %parallel_loop3A_569 = arith.addi %parallel_loop3A_567, %parallel_loop3A_568 : i32
          %parallel_loop3A_570 = arith.constant 768 : i32
          %parallel_loop3A_571 = arith.muli %parallel_loop3A_569, %parallel_loop3A_570 : i32
          %parallel_loop3A_572 = arith.addi %parallel_loop3A_571, %parallel_loop3A_414 : i32
          %parallel_loop3A_573 = arith.index_cast %parallel_loop3A_572 : i32 to index
          %parallel_loop3A_574 = tpu.vector_load %arg7[%parallel_loop3A_573] {strides = array<i32>} : memref<49152xf32, #tpu.memory_space<vmem>>, vector<16xf32>,
          %parallel_loop3A_575 = tpu.bitcast %parallel_loop3A_574 : vector<16xf32> -> vector<16xi32>
          %parallel_loop3A_576 = arith.constant 32768 : i32
          %parallel_loop3A_577 = vector.broadcast %parallel_loop3A_576 : i32 to vector<16xi32>
          %parallel_loop3A_578 = arith.addi %parallel_loop3A_575, %parallel_loop3A_577 : vector<16xi32>
          %parallel_loop3A_579 = arith.constant -65536 : i32
          %parallel_loop3A_580 = vector.broadcast %parallel_loop3A_579 : i32 to vector<16xi32>
          %parallel_loop3A_581 = arith.andi %parallel_loop3A_578, %parallel_loop3A_580 : vector<16xi32>
          %parallel_loop3A_582 = tpu.bitcast %parallel_loop3A_581 : vector<16xi32> -> vector<16xf32>
          %parallel_loop3A_583 = arith.mulf %parallel_loop3A_582, %parallel_loop3A_416 : vector<16xf32>
          %parallel_loop3A_584 = arith.addf %parallel_loop3A_404, %parallel_loop3A_583 : vector<16xf32>
          %parallel_loop3A_585 = arith.mulf %parallel_loop3A_582, %parallel_loop3A_418 : vector<16xf32>
          %parallel_loop3A_586 = arith.addf %parallel_loop3A_412, %parallel_loop3A_585 : vector<16xf32>
          scf.yield %parallel_loop3A_437, %parallel_loop3A_458, %parallel_loop3A_479, %parallel_loop3A_500, %parallel_loop3A_521, %parallel_loop3A_542, %parallel_loop3A_563, %parallel_loop3A_584, %parallel_loop3A_439, %parallel_loop3A_460, %parallel_loop3A_481, %parallel_loop3A_502, %parallel_loop3A_523, %parallel_loop3A_544, %parallel_loop3A_565, %parallel_loop3A_586 : vector<16xf32>, vector<16xf32>, vector<16xf32>, vector<16xf32>, vector<16xf32>, vector<16xf32>, vector<16xf32>, vector<16xf32>, vector<16xf32>, vector<16xf32>, vector<16xf32>, vector<16xf32>, vector<16xf32>, vector<16xf32>, vector<16xf32>, vector<16xf32>
        } {sc.loop_unroll_factor = 2 : i64, sc.parallel_access}
        %swap3A = arith.constant 0 : index
        %swap3A_67 = tpu.vector_load %arg12[%swap3A] {strides = array<i32>} : memref<256xf32, #tpu.memory_space<vmem>>, vector<16xf32>,
        tpu.vector_store %arg12[%swap3A], %parallel_loop3A_66#0 {strides = array<i32>} : memref<256xf32, #tpu.memory_space<vmem>>, vector<16xf32>,
        %swap3A_68 = arith.constant 0 : index
        %swap3A_69 = tpu.vector_load %arg13[%swap3A_68] {strides = array<i32>} : memref<256xf32, #tpu.memory_space<vmem>>, vector<16xf32>,
        tpu.vector_store %arg13[%swap3A_68], %parallel_loop3A_66#8 {strides = array<i32>} : memref<256xf32, #tpu.memory_space<vmem>>, vector<16xf32>,
        %swap3A_70 = arith.constant 16 : index
        %swap3A_71 = tpu.vector_load %arg12[%swap3A_70] {strides = array<i32>} : memref<256xf32, #tpu.memory_space<vmem>>, vector<16xf32>,
        tpu.vector_store %arg12[%swap3A_70], %parallel_loop3A_66#1 {strides = array<i32>} : memref<256xf32, #tpu.memory_space<vmem>>, vector<16xf32>,
        %swap3A_72 = arith.constant 16 : index
        %swap3A_73 = tpu.vector_load %arg13[%swap3A_72] {strides = array<i32>} : memref<256xf32, #tpu.memory_space<vmem>>, vector<16xf32>,
        tpu.vector_store %arg13[%swap3A_72], %parallel_loop3A_66#9 {strides = array<i32>} : memref<256xf32, #tpu.memory_space<vmem>>, vector<16xf32>,
        %swap3A_74 = arith.constant 32 : index
        %swap3A_75 = tpu.vector_load %arg12[%swap3A_74] {strides = array<i32>} : memref<256xf32, #tpu.memory_space<vmem>>, vector<16xf32>,
        tpu.vector_store %arg12[%swap3A_74], %parallel_loop3A_66#2 {strides = array<i32>} : memref<256xf32, #tpu.memory_space<vmem>>, vector<16xf32>,
        %swap3A_76 = arith.constant 32 : index
        %swap3A_77 = tpu.vector_load %arg13[%swap3A_76] {strides = array<i32>} : memref<256xf32, #tpu.memory_space<vmem>>, vector<16xf32>,
        tpu.vector_store %arg13[%swap3A_76], %parallel_loop3A_66#10 {strides = array<i32>} : memref<256xf32, #tpu.memory_space<vmem>>, vector<16xf32>,
        %swap3A_78 = arith.constant 48 : index
        %swap3A_79 = tpu.vector_load %arg12[%swap3A_78] {strides = array<i32>} : memref<256xf32, #tpu.memory_space<vmem>>, vector<16xf32>,
        tpu.vector_store %arg12[%swap3A_78], %parallel_loop3A_66#3 {strides = array<i32>} : memref<256xf32, #tpu.memory_space<vmem>>, vector<16xf32>,
        %swap3A_80 = arith.constant 48 : index
        %swap3A_81 = tpu.vector_load %arg13[%swap3A_80] {strides = array<i32>} : memref<256xf32, #tpu.memory_space<vmem>>, vector<16xf32>,
        tpu.vector_store %arg13[%swap3A_80], %parallel_loop3A_66#11 {strides = array<i32>} : memref<256xf32, #tpu.memory_space<vmem>>, vector<16xf32>,
        %swap3A_82 = arith.constant 64 : index
        %swap3A_83 = tpu.vector_load %arg12[%swap3A_82] {strides = array<i32>} : memref<256xf32, #tpu.memory_space<vmem>>, vector<16xf32>,
        tpu.vector_store %arg12[%swap3A_82], %parallel_loop3A_66#4 {strides = array<i32>} : memref<256xf32, #tpu.memory_space<vmem>>, vector<16xf32>,
        %swap3A_84 = arith.constant 64 : index
        %swap3A_85 = tpu.vector_load %arg13[%swap3A_84] {strides = array<i32>} : memref<256xf32, #tpu.memory_space<vmem>>, vector<16xf32>,
        tpu.vector_store %arg13[%swap3A_84], %parallel_loop3A_66#12 {strides = array<i32>} : memref<256xf32, #tpu.memory_space<vmem>>, vector<16xf32>,
        %swap3A_86 = arith.constant 80 : index
        %swap3A_87 = tpu.vector_load %arg12[%swap3A_86] {strides = array<i32>} : memref<256xf32, #tpu.memory_space<vmem>>, vector<16xf32>,
        tpu.vector_store %arg12[%swap3A_86], %parallel_loop3A_66#5 {strides = array<i32>} : memref<256xf32, #tpu.memory_space<vmem>>, vector<16xf32>,
        %swap3A_88 = arith.constant 80 : index
        %swap3A_89 = tpu.vector_load %arg13[%swap3A_88] {strides = array<i32>} : memref<256xf32, #tpu.memory_space<vmem>>, vector<16xf32>,
        tpu.vector_store %arg13[%swap3A_88], %parallel_loop3A_66#13 {strides = array<i32>} : memref<256xf32, #tpu.memory_space<vmem>>, vector<16xf32>,
        %swap3A_90 = arith.constant 96 : index
        %swap3A_91 = tpu.vector_load %arg12[%swap3A_90] {strides = array<i32>} : memref<256xf32, #tpu.memory_space<vmem>>, vector<16xf32>,
        tpu.vector_store %arg12[%swap3A_90], %parallel_loop3A_66#6 {strides = array<i32>} : memref<256xf32, #tpu.memory_space<vmem>>, vector<16xf32>,
        %swap3A_92 = arith.constant 96 : index
        %swap3A_93 = tpu.vector_load %arg13[%swap3A_92] {strides = array<i32>} : memref<256xf32, #tpu.memory_space<vmem>>, vector<16xf32>,
        tpu.vector_store %arg13[%swap3A_92], %parallel_loop3A_66#14 {strides = array<i32>} : memref<256xf32, #tpu.memory_space<vmem>>, vector<16xf32>,
        %swap3A_94 = arith.constant 112 : index
        %swap3A_95 = tpu.vector_load %arg12[%swap3A_94] {strides = array<i32>} : memref<256xf32, #tpu.memory_space<vmem>>, vector<16xf32>,
        tpu.vector_store %arg12[%swap3A_94], %parallel_loop3A_66#7 {strides = array<i32>} : memref<256xf32, #tpu.memory_space<vmem>>, vector<16xf32>,
        %swap3A_96 = arith.constant 112 : index
        %swap3A_97 = tpu.vector_load %arg13[%swap3A_96] {strides = array<i32>} : memref<256xf32, #tpu.memory_space<vmem>>, vector<16xf32>,
        tpu.vector_store %arg13[%swap3A_96], %parallel_loop3A_66#15 {strides = array<i32>} : memref<256xf32, #tpu.memory_space<vmem>>, vector<16xf32>,
        %parallel_loop3A_98 = arith.constant 0 : i32
        %parallel_loop3A_99 = arith.constant 48 : i32
        %parallel_loop3A_100 = arith.constant 1 : i32
        %parallel_loop3A_101:16 = scf.for %parallel_loop3A_396 = %parallel_loop3A_98 to %parallel_loop3A_99 step %parallel_loop3A_100 iter_args(%parallel_loop3A_397 = %broadcast_in_dim3A_11, %parallel_loop3A_398 = %broadcast_in_dim3A_11, %parallel_loop3A_399 = %broadcast_in_dim3A_11, %parallel_loop3A_400 = %broadcast_in_dim3A_11, %parallel_loop3A_401 = %broadcast_in_dim3A_11, %parallel_loop3A_402 = %broadcast_in_dim3A_11, %parallel_loop3A_403 = %broadcast_in_dim3A_11, %parallel_loop3A_404 = %broadcast_in_dim3A_11, %parallel_loop3A_405 = %broadcast_in_dim3A_11, %parallel_loop3A_406 = %broadcast_in_dim3A_11, %parallel_loop3A_407 = %broadcast_in_dim3A_11, %parallel_loop3A_408 = %broadcast_in_dim3A_11, %parallel_loop3A_409 = %broadcast_in_dim3A_11, %parallel_loop3A_410 = %broadcast_in_dim3A_11, %parallel_loop3A_411 = %broadcast_in_dim3A_11, %parallel_loop3A_412 = %broadcast_in_dim3A_11) -> (vector<16xf32>, vector<16xf32>, vector<16xf32>, vector<16xf32>, vector<16xf32>, vector<16xf32>, vector<16xf32>, vector<16xf32>, vector<16xf32>, vector<16xf32>, vector<16xf32>, vector<16xf32>, vector<16xf32>, vector<16xf32>, vector<16xf32>, vector<16xf32>)  : i32 {
          %parallel_loop3A_413 = arith.constant 16 : i32
          %parallel_loop3A_414 = arith.muli %parallel_loop3A_396, %parallel_loop3A_413 : i32
          %parallel_loop3A_415 = arith.index_cast %parallel_loop3A_414 : i32 to index
          %parallel_loop3A_416 = tpu.vector_load %arg9[%parallel_loop3A_415] {strides = array<i32>} : memref<768xf32, #tpu.memory_space<vmem>>, vector<16xf32>,
          %parallel_loop3A_417 = arith.index_cast %parallel_loop3A_414 : i32 to index
          %parallel_loop3A_418 = tpu.vector_load %arg10[%parallel_loop3A_417] {strides = array<i32>} : memref<768xf32, #tpu.memory_space<vmem>>, vector<16xf32>,
          %parallel_loop3A_419 = arith.constant 8 : i32
          %parallel_loop3A_420 = arith.addi %mul3A_63, %parallel_loop3A_419 : i32
          %parallel_loop3A_421 = arith.constant 0 : i32
          %parallel_loop3A_422 = arith.addi %parallel_loop3A_420, %parallel_loop3A_421 : i32
          %parallel_loop3A_423 = arith.constant 768 : i32
          %parallel_loop3A_424 = arith.muli %parallel_loop3A_422, %parallel_loop3A_423 : i32
          %parallel_loop3A_425 = arith.addi %parallel_loop3A_424, %parallel_loop3A_414 : i32
          %parallel_loop3A_426 = arith.index_cast %parallel_loop3A_425 : i32 to index
          %parallel_loop3A_427 = tpu.vector_load %arg7[%parallel_loop3A_426] {strides = array<i32>} : memref<49152xf32, #tpu.memory_space<vmem>>, vector<16xf32>,
          %parallel_loop3A_428 = tpu.bitcast %parallel_loop3A_427 : vector<16xf32> -> vector<16xi32>
          %parallel_loop3A_429 = arith.constant 32768 : i32
          %parallel_loop3A_430 = vector.broadcast %parallel_loop3A_429 : i32 to vector<16xi32>
          %parallel_loop3A_431 = arith.addi %parallel_loop3A_428, %parallel_loop3A_430 : vector<16xi32>
          %parallel_loop3A_432 = arith.constant -65536 : i32
          %parallel_loop3A_433 = vector.broadcast %parallel_loop3A_432 : i32 to vector<16xi32>
          %parallel_loop3A_434 = arith.andi %parallel_loop3A_431, %parallel_loop3A_433 : vector<16xi32>
          %parallel_loop3A_435 = tpu.bitcast %parallel_loop3A_434 : vector<16xi32> -> vector<16xf32>
          %parallel_loop3A_436 = arith.mulf %parallel_loop3A_435, %parallel_loop3A_416 : vector<16xf32>
          %parallel_loop3A_437 = arith.addf %parallel_loop3A_397, %parallel_loop3A_436 : vector<16xf32>
          %parallel_loop3A_438 = arith.mulf %parallel_loop3A_435, %parallel_loop3A_418 : vector<16xf32>
          %parallel_loop3A_439 = arith.addf %parallel_loop3A_405, %parallel_loop3A_438 : vector<16xf32>
          %parallel_loop3A_440 = arith.constant 8 : i32
          %parallel_loop3A_441 = arith.addi %mul3A_63, %parallel_loop3A_440 : i32
          %parallel_loop3A_442 = arith.constant 1 : i32
          %parallel_loop3A_443 = arith.addi %parallel_loop3A_441, %parallel_loop3A_442 : i32
          %parallel_loop3A_444 = arith.constant 768 : i32
          %parallel_loop3A_445 = arith.muli %parallel_loop3A_443, %parallel_loop3A_444 : i32
          %parallel_loop3A_446 = arith.addi %parallel_loop3A_445, %parallel_loop3A_414 : i32
          %parallel_loop3A_447 = arith.index_cast %parallel_loop3A_446 : i32 to index
          %parallel_loop3A_448 = tpu.vector_load %arg7[%parallel_loop3A_447] {strides = array<i32>} : memref<49152xf32, #tpu.memory_space<vmem>>, vector<16xf32>,
          %parallel_loop3A_449 = tpu.bitcast %parallel_loop3A_448 : vector<16xf32> -> vector<16xi32>
          %parallel_loop3A_450 = arith.constant 32768 : i32
          %parallel_loop3A_451 = vector.broadcast %parallel_loop3A_450 : i32 to vector<16xi32>
          %parallel_loop3A_452 = arith.addi %parallel_loop3A_449, %parallel_loop3A_451 : vector<16xi32>
          %parallel_loop3A_453 = arith.constant -65536 : i32
          %parallel_loop3A_454 = vector.broadcast %parallel_loop3A_453 : i32 to vector<16xi32>
          %parallel_loop3A_455 = arith.andi %parallel_loop3A_452, %parallel_loop3A_454 : vector<16xi32>
          %parallel_loop3A_456 = tpu.bitcast %parallel_loop3A_455 : vector<16xi32> -> vector<16xf32>
          %parallel_loop3A_457 = arith.mulf %parallel_loop3A_456, %parallel_loop3A_416 : vector<16xf32>
          %parallel_loop3A_458 = arith.addf %parallel_loop3A_398, %parallel_loop3A_457 : vector<16xf32>
          %parallel_loop3A_459 = arith.mulf %parallel_loop3A_456, %parallel_loop3A_418 : vector<16xf32>
          %parallel_loop3A_460 = arith.addf %parallel_loop3A_406, %parallel_loop3A_459 : vector<16xf32>
          %parallel_loop3A_461 = arith.constant 8 : i32
          %parallel_loop3A_462 = arith.addi %mul3A_63, %parallel_loop3A_461 : i32
          %parallel_loop3A_463 = arith.constant 2 : i32
          %parallel_loop3A_464 = arith.addi %parallel_loop3A_462, %parallel_loop3A_463 : i32
          %parallel_loop3A_465 = arith.constant 768 : i32
          %parallel_loop3A_466 = arith.muli %parallel_loop3A_464, %parallel_loop3A_465 : i32
          %parallel_loop3A_467 = arith.addi %parallel_loop3A_466, %parallel_loop3A_414 : i32
          %parallel_loop3A_468 = arith.index_cast %parallel_loop3A_467 : i32 to index
          %parallel_loop3A_469 = tpu.vector_load %arg7[%parallel_loop3A_468] {strides = array<i32>} : memref<49152xf32, #tpu.memory_space<vmem>>, vector<16xf32>,
          %parallel_loop3A_470 = tpu.bitcast %parallel_loop3A_469 : vector<16xf32> -> vector<16xi32>
          %parallel_loop3A_471 = arith.constant 32768 : i32
          %parallel_loop3A_472 = vector.broadcast %parallel_loop3A_471 : i32 to vector<16xi32>
          %parallel_loop3A_473 = arith.addi %parallel_loop3A_470, %parallel_loop3A_472 : vector<16xi32>
          %parallel_loop3A_474 = arith.constant -65536 : i32
          %parallel_loop3A_475 = vector.broadcast %parallel_loop3A_474 : i32 to vector<16xi32>
          %parallel_loop3A_476 = arith.andi %parallel_loop3A_473, %parallel_loop3A_475 : vector<16xi32>
          %parallel_loop3A_477 = tpu.bitcast %parallel_loop3A_476 : vector<16xi32> -> vector<16xf32>
          %parallel_loop3A_478 = arith.mulf %parallel_loop3A_477, %parallel_loop3A_416 : vector<16xf32>
          %parallel_loop3A_479 = arith.addf %parallel_loop3A_399, %parallel_loop3A_478 : vector<16xf32>
          %parallel_loop3A_480 = arith.mulf %parallel_loop3A_477, %parallel_loop3A_418 : vector<16xf32>
          %parallel_loop3A_481 = arith.addf %parallel_loop3A_407, %parallel_loop3A_480 : vector<16xf32>
          %parallel_loop3A_482 = arith.constant 8 : i32
          %parallel_loop3A_483 = arith.addi %mul3A_63, %parallel_loop3A_482 : i32
          %parallel_loop3A_484 = arith.constant 3 : i32
          %parallel_loop3A_485 = arith.addi %parallel_loop3A_483, %parallel_loop3A_484 : i32
          %parallel_loop3A_486 = arith.constant 768 : i32
          %parallel_loop3A_487 = arith.muli %parallel_loop3A_485, %parallel_loop3A_486 : i32
          %parallel_loop3A_488 = arith.addi %parallel_loop3A_487, %parallel_loop3A_414 : i32
          %parallel_loop3A_489 = arith.index_cast %parallel_loop3A_488 : i32 to index
          %parallel_loop3A_490 = tpu.vector_load %arg7[%parallel_loop3A_489] {strides = array<i32>} : memref<49152xf32, #tpu.memory_space<vmem>>, vector<16xf32>,
          %parallel_loop3A_491 = tpu.bitcast %parallel_loop3A_490 : vector<16xf32> -> vector<16xi32>
          %parallel_loop3A_492 = arith.constant 32768 : i32
          %parallel_loop3A_493 = vector.broadcast %parallel_loop3A_492 : i32 to vector<16xi32>
          %parallel_loop3A_494 = arith.addi %parallel_loop3A_491, %parallel_loop3A_493 : vector<16xi32>
          %parallel_loop3A_495 = arith.constant -65536 : i32
          %parallel_loop3A_496 = vector.broadcast %parallel_loop3A_495 : i32 to vector<16xi32>
          %parallel_loop3A_497 = arith.andi %parallel_loop3A_494, %parallel_loop3A_496 : vector<16xi32>
          %parallel_loop3A_498 = tpu.bitcast %parallel_loop3A_497 : vector<16xi32> -> vector<16xf32>
          %parallel_loop3A_499 = arith.mulf %parallel_loop3A_498, %parallel_loop3A_416 : vector<16xf32>
          %parallel_loop3A_500 = arith.addf %parallel_loop3A_400, %parallel_loop3A_499 : vector<16xf32>
          %parallel_loop3A_501 = arith.mulf %parallel_loop3A_498, %parallel_loop3A_418 : vector<16xf32>
          %parallel_loop3A_502 = arith.addf %parallel_loop3A_408, %parallel_loop3A_501 : vector<16xf32>
          %parallel_loop3A_503 = arith.constant 8 : i32
          %parallel_loop3A_504 = arith.addi %mul3A_63, %parallel_loop3A_503 : i32
          %parallel_loop3A_505 = arith.constant 4 : i32
          %parallel_loop3A_506 = arith.addi %parallel_loop3A_504, %parallel_loop3A_505 : i32
          %parallel_loop3A_507 = arith.constant 768 : i32
          %parallel_loop3A_508 = arith.muli %parallel_loop3A_506, %parallel_loop3A_507 : i32
          %parallel_loop3A_509 = arith.addi %parallel_loop3A_508, %parallel_loop3A_414 : i32
          %parallel_loop3A_510 = arith.index_cast %parallel_loop3A_509 : i32 to index
          %parallel_loop3A_511 = tpu.vector_load %arg7[%parallel_loop3A_510] {strides = array<i32>} : memref<49152xf32, #tpu.memory_space<vmem>>, vector<16xf32>,
          %parallel_loop3A_512 = tpu.bitcast %parallel_loop3A_511 : vector<16xf32> -> vector<16xi32>
          %parallel_loop3A_513 = arith.constant 32768 : i32
          %parallel_loop3A_514 = vector.broadcast %parallel_loop3A_513 : i32 to vector<16xi32>
          %parallel_loop3A_515 = arith.addi %parallel_loop3A_512, %parallel_loop3A_514 : vector<16xi32>
          %parallel_loop3A_516 = arith.constant -65536 : i32
          %parallel_loop3A_517 = vector.broadcast %parallel_loop3A_516 : i32 to vector<16xi32>
          %parallel_loop3A_518 = arith.andi %parallel_loop3A_515, %parallel_loop3A_517 : vector<16xi32>
          %parallel_loop3A_519 = tpu.bitcast %parallel_loop3A_518 : vector<16xi32> -> vector<16xf32>
          %parallel_loop3A_520 = arith.mulf %parallel_loop3A_519, %parallel_loop3A_416 : vector<16xf32>
          %parallel_loop3A_521 = arith.addf %parallel_loop3A_401, %parallel_loop3A_520 : vector<16xf32>
          %parallel_loop3A_522 = arith.mulf %parallel_loop3A_519, %parallel_loop3A_418 : vector<16xf32>
          %parallel_loop3A_523 = arith.addf %parallel_loop3A_409, %parallel_loop3A_522 : vector<16xf32>
          %parallel_loop3A_524 = arith.constant 8 : i32
          %parallel_loop3A_525 = arith.addi %mul3A_63, %parallel_loop3A_524 : i32
          %parallel_loop3A_526 = arith.constant 5 : i32
          %parallel_loop3A_527 = arith.addi %parallel_loop3A_525, %parallel_loop3A_526 : i32
          %parallel_loop3A_528 = arith.constant 768 : i32
          %parallel_loop3A_529 = arith.muli %parallel_loop3A_527, %parallel_loop3A_528 : i32
          %parallel_loop3A_530 = arith.addi %parallel_loop3A_529, %parallel_loop3A_414 : i32
          %parallel_loop3A_531 = arith.index_cast %parallel_loop3A_530 : i32 to index
          %parallel_loop3A_532 = tpu.vector_load %arg7[%parallel_loop3A_531] {strides = array<i32>} : memref<49152xf32, #tpu.memory_space<vmem>>, vector<16xf32>,
          %parallel_loop3A_533 = tpu.bitcast %parallel_loop3A_532 : vector<16xf32> -> vector<16xi32>
          %parallel_loop3A_534 = arith.constant 32768 : i32
          %parallel_loop3A_535 = vector.broadcast %parallel_loop3A_534 : i32 to vector<16xi32>
          %parallel_loop3A_536 = arith.addi %parallel_loop3A_533, %parallel_loop3A_535 : vector<16xi32>
          %parallel_loop3A_537 = arith.constant -65536 : i32
          %parallel_loop3A_538 = vector.broadcast %parallel_loop3A_537 : i32 to vector<16xi32>
          %parallel_loop3A_539 = arith.andi %parallel_loop3A_536, %parallel_loop3A_538 : vector<16xi32>
          %parallel_loop3A_540 = tpu.bitcast %parallel_loop3A_539 : vector<16xi32> -> vector<16xf32>
          %parallel_loop3A_541 = arith.mulf %parallel_loop3A_540, %parallel_loop3A_416 : vector<16xf32>
          %parallel_loop3A_542 = arith.addf %parallel_loop3A_402, %parallel_loop3A_541 : vector<16xf32>
          %parallel_loop3A_543 = arith.mulf %parallel_loop3A_540, %parallel_loop3A_418 : vector<16xf32>
          %parallel_loop3A_544 = arith.addf %parallel_loop3A_410, %parallel_loop3A_543 : vector<16xf32>
          %parallel_loop3A_545 = arith.constant 8 : i32
          %parallel_loop3A_546 = arith.addi %mul3A_63, %parallel_loop3A_545 : i32
          %parallel_loop3A_547 = arith.constant 6 : i32
          %parallel_loop3A_548 = arith.addi %parallel_loop3A_546, %parallel_loop3A_547 : i32
          %parallel_loop3A_549 = arith.constant 768 : i32
          %parallel_loop3A_550 = arith.muli %parallel_loop3A_548, %parallel_loop3A_549 : i32
          %parallel_loop3A_551 = arith.addi %parallel_loop3A_550, %parallel_loop3A_414 : i32
          %parallel_loop3A_552 = arith.index_cast %parallel_loop3A_551 : i32 to index
          %parallel_loop3A_553 = tpu.vector_load %arg7[%parallel_loop3A_552] {strides = array<i32>} : memref<49152xf32, #tpu.memory_space<vmem>>, vector<16xf32>,
          %parallel_loop3A_554 = tpu.bitcast %parallel_loop3A_553 : vector<16xf32> -> vector<16xi32>
          %parallel_loop3A_555 = arith.constant 32768 : i32
          %parallel_loop3A_556 = vector.broadcast %parallel_loop3A_555 : i32 to vector<16xi32>
          %parallel_loop3A_557 = arith.addi %parallel_loop3A_554, %parallel_loop3A_556 : vector<16xi32>
          %parallel_loop3A_558 = arith.constant -65536 : i32
          %parallel_loop3A_559 = vector.broadcast %parallel_loop3A_558 : i32 to vector<16xi32>
          %parallel_loop3A_560 = arith.andi %parallel_loop3A_557, %parallel_loop3A_559 : vector<16xi32>
          %parallel_loop3A_561 = tpu.bitcast %parallel_loop3A_560 : vector<16xi32> -> vector<16xf32>
          %parallel_loop3A_562 = arith.mulf %parallel_loop3A_561, %parallel_loop3A_416 : vector<16xf32>
          %parallel_loop3A_563 = arith.addf %parallel_loop3A_403, %parallel_loop3A_562 : vector<16xf32>
          %parallel_loop3A_564 = arith.mulf %parallel_loop3A_561, %parallel_loop3A_418 : vector<16xf32>
          %parallel_loop3A_565 = arith.addf %parallel_loop3A_411, %parallel_loop3A_564 : vector<16xf32>
          %parallel_loop3A_566 = arith.constant 8 : i32
          %parallel_loop3A_567 = arith.addi %mul3A_63, %parallel_loop3A_566 : i32
          %parallel_loop3A_568 = arith.constant 7 : i32
          %parallel_loop3A_569 = arith.addi %parallel_loop3A_567, %parallel_loop3A_568 : i32
          %parallel_loop3A_570 = arith.constant 768 : i32
          %parallel_loop3A_571 = arith.muli %parallel_loop3A_569, %parallel_loop3A_570 : i32
          %parallel_loop3A_572 = arith.addi %parallel_loop3A_571, %parallel_loop3A_414 : i32
          %parallel_loop3A_573 = arith.index_cast %parallel_loop3A_572 : i32 to index
          %parallel_loop3A_574 = tpu.vector_load %arg7[%parallel_loop3A_573] {strides = array<i32>} : memref<49152xf32, #tpu.memory_space<vmem>>, vector<16xf32>,
          %parallel_loop3A_575 = tpu.bitcast %parallel_loop3A_574 : vector<16xf32> -> vector<16xi32>
          %parallel_loop3A_576 = arith.constant 32768 : i32
          %parallel_loop3A_577 = vector.broadcast %parallel_loop3A_576 : i32 to vector<16xi32>
          %parallel_loop3A_578 = arith.addi %parallel_loop3A_575, %parallel_loop3A_577 : vector<16xi32>
          %parallel_loop3A_579 = arith.constant -65536 : i32
          %parallel_loop3A_580 = vector.broadcast %parallel_loop3A_579 : i32 to vector<16xi32>
          %parallel_loop3A_581 = arith.andi %parallel_loop3A_578, %parallel_loop3A_580 : vector<16xi32>
          %parallel_loop3A_582 = tpu.bitcast %parallel_loop3A_581 : vector<16xi32> -> vector<16xf32>
          %parallel_loop3A_583 = arith.mulf %parallel_loop3A_582, %parallel_loop3A_416 : vector<16xf32>
          %parallel_loop3A_584 = arith.addf %parallel_loop3A_404, %parallel_loop3A_583 : vector<16xf32>
          %parallel_loop3A_585 = arith.mulf %parallel_loop3A_582, %parallel_loop3A_418 : vector<16xf32>
          %parallel_loop3A_586 = arith.addf %parallel_loop3A_412, %parallel_loop3A_585 : vector<16xf32>
          scf.yield %parallel_loop3A_437, %parallel_loop3A_458, %parallel_loop3A_479, %parallel_loop3A_500, %parallel_loop3A_521, %parallel_loop3A_542, %parallel_loop3A_563, %parallel_loop3A_584, %parallel_loop3A_439, %parallel_loop3A_460, %parallel_loop3A_481, %parallel_loop3A_502, %parallel_loop3A_523, %parallel_loop3A_544, %parallel_loop3A_565, %parallel_loop3A_586 : vector<16xf32>, vector<16xf32>, vector<16xf32>, vector<16xf32>, vector<16xf32>, vector<16xf32>, vector<16xf32>, vector<16xf32>, vector<16xf32>, vector<16xf32>, vector<16xf32>, vector<16xf32>, vector<16xf32>, vector<16xf32>, vector<16xf32>, vector<16xf32>
        } {sc.loop_unroll_factor = 2 : i64, sc.parallel_access}
        %swap3A_102 = arith.constant 128 : index
        %swap3A_103 = tpu.vector_load %arg12[%swap3A_102] {strides = array<i32>} : memref<256xf32, #tpu.memory_space<vmem>>, vector<16xf32>,
        tpu.vector_store %arg12[%swap3A_102], %parallel_loop3A_101#0 {strides = array<i32>} : memref<256xf32, #tpu.memory_space<vmem>>, vector<16xf32>,
        %swap3A_104 = arith.constant 128 : index
        %swap3A_105 = tpu.vector_load %arg13[%swap3A_104] {strides = array<i32>} : memref<256xf32, #tpu.memory_space<vmem>>, vector<16xf32>,
        tpu.vector_store %arg13[%swap3A_104], %parallel_loop3A_101#8 {strides = array<i32>} : memref<256xf32, #tpu.memory_space<vmem>>, vector<16xf32>,
        %swap3A_106 = arith.constant 144 : index
        %swap3A_107 = tpu.vector_load %arg12[%swap3A_106] {strides = array<i32>} : memref<256xf32, #tpu.memory_space<vmem>>, vector<16xf32>,
        tpu.vector_store %arg12[%swap3A_106], %parallel_loop3A_101#1 {strides = array<i32>} : memref<256xf32, #tpu.memory_space<vmem>>, vector<16xf32>,
        %swap3A_108 = arith.constant 144 : index
        %swap3A_109 = tpu.vector_load %arg13[%swap3A_108] {strides = array<i32>} : memref<256xf32, #tpu.memory_space<vmem>>, vector<16xf32>,
        tpu.vector_store %arg13[%swap3A_108], %parallel_loop3A_101#9 {strides = array<i32>} : memref<256xf32, #tpu.memory_space<vmem>>, vector<16xf32>,
        %swap3A_110 = arith.constant 160 : index
        %swap3A_111 = tpu.vector_load %arg12[%swap3A_110] {strides = array<i32>} : memref<256xf32, #tpu.memory_space<vmem>>, vector<16xf32>,
        tpu.vector_store %arg12[%swap3A_110], %parallel_loop3A_101#2 {strides = array<i32>} : memref<256xf32, #tpu.memory_space<vmem>>, vector<16xf32>,
        %swap3A_112 = arith.constant 160 : index
        %swap3A_113 = tpu.vector_load %arg13[%swap3A_112] {strides = array<i32>} : memref<256xf32, #tpu.memory_space<vmem>>, vector<16xf32>,
        tpu.vector_store %arg13[%swap3A_112], %parallel_loop3A_101#10 {strides = array<i32>} : memref<256xf32, #tpu.memory_space<vmem>>, vector<16xf32>,
        %swap3A_114 = arith.constant 176 : index
        %swap3A_115 = tpu.vector_load %arg12[%swap3A_114] {strides = array<i32>} : memref<256xf32, #tpu.memory_space<vmem>>, vector<16xf32>,
        tpu.vector_store %arg12[%swap3A_114], %parallel_loop3A_101#3 {strides = array<i32>} : memref<256xf32, #tpu.memory_space<vmem>>, vector<16xf32>,
        %swap3A_116 = arith.constant 176 : index
        %swap3A_117 = tpu.vector_load %arg13[%swap3A_116] {strides = array<i32>} : memref<256xf32, #tpu.memory_space<vmem>>, vector<16xf32>,
        tpu.vector_store %arg13[%swap3A_116], %parallel_loop3A_101#11 {strides = array<i32>} : memref<256xf32, #tpu.memory_space<vmem>>, vector<16xf32>,
        %swap3A_118 = arith.constant 192 : index
        %swap3A_119 = tpu.vector_load %arg12[%swap3A_118] {strides = array<i32>} : memref<256xf32, #tpu.memory_space<vmem>>, vector<16xf32>,
        tpu.vector_store %arg12[%swap3A_118], %parallel_loop3A_101#4 {strides = array<i32>} : memref<256xf32, #tpu.memory_space<vmem>>, vector<16xf32>,
        %swap3A_120 = arith.constant 192 : index
        %swap3A_121 = tpu.vector_load %arg13[%swap3A_120] {strides = array<i32>} : memref<256xf32, #tpu.memory_space<vmem>>, vector<16xf32>,
        tpu.vector_store %arg13[%swap3A_120], %parallel_loop3A_101#12 {strides = array<i32>} : memref<256xf32, #tpu.memory_space<vmem>>, vector<16xf32>,
        %swap3A_122 = arith.constant 208 : index
        %swap3A_123 = tpu.vector_load %arg12[%swap3A_122] {strides = array<i32>} : memref<256xf32, #tpu.memory_space<vmem>>, vector<16xf32>,
        tpu.vector_store %arg12[%swap3A_122], %parallel_loop3A_101#5 {strides = array<i32>} : memref<256xf32, #tpu.memory_space<vmem>>, vector<16xf32>,
        %swap3A_124 = arith.constant 208 : index
        %swap3A_125 = tpu.vector_load %arg13[%swap3A_124] {strides = array<i32>} : memref<256xf32, #tpu.memory_space<vmem>>, vector<16xf32>,
        tpu.vector_store %arg13[%swap3A_124], %parallel_loop3A_101#13 {strides = array<i32>} : memref<256xf32, #tpu.memory_space<vmem>>, vector<16xf32>,
        %swap3A_126 = arith.constant 224 : index
        %swap3A_127 = tpu.vector_load %arg12[%swap3A_126] {strides = array<i32>} : memref<256xf32, #tpu.memory_space<vmem>>, vector<16xf32>,
        tpu.vector_store %arg12[%swap3A_126], %parallel_loop3A_101#6 {strides = array<i32>} : memref<256xf32, #tpu.memory_space<vmem>>, vector<16xf32>,
        %swap3A_128 = arith.constant 224 : index
        %swap3A_129 = tpu.vector_load %arg13[%swap3A_128] {strides = array<i32>} : memref<256xf32, #tpu.memory_space<vmem>>, vector<16xf32>,
        tpu.vector_store %arg13[%swap3A_128], %parallel_loop3A_101#14 {strides = array<i32>} : memref<256xf32, #tpu.memory_space<vmem>>, vector<16xf32>,
        %swap3A_130 = arith.constant 240 : index
        %swap3A_131 = tpu.vector_load %arg12[%swap3A_130] {strides = array<i32>} : memref<256xf32, #tpu.memory_space<vmem>>, vector<16xf32>,
        tpu.vector_store %arg12[%swap3A_130], %parallel_loop3A_101#7 {strides = array<i32>} : memref<256xf32, #tpu.memory_space<vmem>>, vector<16xf32>,
        %swap3A_132 = arith.constant 240 : index
        %swap3A_133 = tpu.vector_load %arg13[%swap3A_132] {strides = array<i32>} : memref<256xf32, #tpu.memory_space<vmem>>, vector<16xf32>,
        tpu.vector_store %arg13[%swap3A_132], %parallel_loop3A_101#15 {strides = array<i32>} : memref<256xf32, #tpu.memory_space<vmem>>, vector<16xf32>,
        %add3A_134 = arith.constant 0 : i32
        %add3A_135 = vector.broadcast %add3A_134 : i32 to vector<16xi32>
        %add3A_136 = arith.addi %mul3A_10, %add3A_135 : vector<16xi32>
        %gather3A = tpu.vector_load_idx %arg12[%add3A_136] : memref<256xf32, #tpu.memory_space<vmem>>[vector<16xi32>], vector<16xf32>,
        %add3A_137 = arith.addf %broadcast_in_dim3A_11, %gather3A : vector<16xf32>
        %gather3A_138 = tpu.vector_load_idx %arg13[%add3A_136] : memref<256xf32, #tpu.memory_space<vmem>>[vector<16xi32>], vector<16xf32>,
        %add3A_139 = arith.addf %broadcast_in_dim3A_11, %gather3A_138 : vector<16xf32>
        %add3A_140 = arith.constant 1 : i32
        %add3A_141 = vector.broadcast %add3A_140 : i32 to vector<16xi32>
        %add3A_142 = arith.addi %mul3A_10, %add3A_141 : vector<16xi32>
        %gather3A_143 = tpu.vector_load_idx %arg12[%add3A_142] : memref<256xf32, #tpu.memory_space<vmem>>[vector<16xi32>], vector<16xf32>,
        %add3A_144 = arith.addf %add3A_137, %gather3A_143 : vector<16xf32>
        %gather3A_145 = tpu.vector_load_idx %arg13[%add3A_142] : memref<256xf32, #tpu.memory_space<vmem>>[vector<16xi32>], vector<16xf32>,
        %add3A_146 = arith.addf %add3A_139, %gather3A_145 : vector<16xf32>
        %add3A_147 = arith.constant 2 : i32
        %add3A_148 = vector.broadcast %add3A_147 : i32 to vector<16xi32>
        %add3A_149 = arith.addi %mul3A_10, %add3A_148 : vector<16xi32>
        %gather3A_150 = tpu.vector_load_idx %arg12[%add3A_149] : memref<256xf32, #tpu.memory_space<vmem>>[vector<16xi32>], vector<16xf32>,
        %add3A_151 = arith.addf %add3A_144, %gather3A_150 : vector<16xf32>
        %gather3A_152 = tpu.vector_load_idx %arg13[%add3A_149] : memref<256xf32, #tpu.memory_space<vmem>>[vector<16xi32>], vector<16xf32>,
        %add3A_153 = arith.addf %add3A_146, %gather3A_152 : vector<16xf32>
        %add3A_154 = arith.constant 3 : i32
        %add3A_155 = vector.broadcast %add3A_154 : i32 to vector<16xi32>
        %add3A_156 = arith.addi %mul3A_10, %add3A_155 : vector<16xi32>
        %gather3A_157 = tpu.vector_load_idx %arg12[%add3A_156] : memref<256xf32, #tpu.memory_space<vmem>>[vector<16xi32>], vector<16xf32>,
        %add3A_158 = arith.addf %add3A_151, %gather3A_157 : vector<16xf32>
        %gather3A_159 = tpu.vector_load_idx %arg13[%add3A_156] : memref<256xf32, #tpu.memory_space<vmem>>[vector<16xi32>], vector<16xf32>,
        %add3A_160 = arith.addf %add3A_153, %gather3A_159 : vector<16xf32>
        %add3A_161 = arith.constant 4 : i32
        %add3A_162 = vector.broadcast %add3A_161 : i32 to vector<16xi32>
        %add3A_163 = arith.addi %mul3A_10, %add3A_162 : vector<16xi32>
        %gather3A_164 = tpu.vector_load_idx %arg12[%add3A_163] : memref<256xf32, #tpu.memory_space<vmem>>[vector<16xi32>], vector<16xf32>,
        %add3A_165 = arith.addf %add3A_158, %gather3A_164 : vector<16xf32>
        %gather3A_166 = tpu.vector_load_idx %arg13[%add3A_163] : memref<256xf32, #tpu.memory_space<vmem>>[vector<16xi32>], vector<16xf32>,
        %add3A_167 = arith.addf %add3A_160, %gather3A_166 : vector<16xf32>
        %add3A_168 = arith.constant 5 : i32
        %add3A_169 = vector.broadcast %add3A_168 : i32 to vector<16xi32>
        %add3A_170 = arith.addi %mul3A_10, %add3A_169 : vector<16xi32>
        %gather3A_171 = tpu.vector_load_idx %arg12[%add3A_170] : memref<256xf32, #tpu.memory_space<vmem>>[vector<16xi32>], vector<16xf32>,
        %add3A_172 = arith.addf %add3A_165, %gather3A_171 : vector<16xf32>
        %gather3A_173 = tpu.vector_load_idx %arg13[%add3A_170] : memref<256xf32, #tpu.memory_space<vmem>>[vector<16xi32>], vector<16xf32>,
        %add3A_174 = arith.addf %add3A_167, %gather3A_173 : vector<16xf32>
        %add3A_175 = arith.constant 6 : i32
        %add3A_176 = vector.broadcast %add3A_175 : i32 to vector<16xi32>
        %add3A_177 = arith.addi %mul3A_10, %add3A_176 : vector<16xi32>
        %gather3A_178 = tpu.vector_load_idx %arg12[%add3A_177] : memref<256xf32, #tpu.memory_space<vmem>>[vector<16xi32>], vector<16xf32>,
        %add3A_179 = arith.addf %add3A_172, %gather3A_178 : vector<16xf32>
        %gather3A_180 = tpu.vector_load_idx %arg13[%add3A_177] : memref<256xf32, #tpu.memory_space<vmem>>[vector<16xi32>], vector<16xf32>,
        %add3A_181 = arith.addf %add3A_174, %gather3A_180 : vector<16xf32>
        %add3A_182 = arith.constant 7 : i32
        %add3A_183 = vector.broadcast %add3A_182 : i32 to vector<16xi32>
        %add3A_184 = arith.addi %mul3A_10, %add3A_183 : vector<16xi32>
        %gather3A_185 = tpu.vector_load_idx %arg12[%add3A_184] : memref<256xf32, #tpu.memory_space<vmem>>[vector<16xi32>], vector<16xf32>,
        %add3A_186 = arith.addf %add3A_179, %gather3A_185 : vector<16xf32>
        %gather3A_187 = tpu.vector_load_idx %arg13[%add3A_184] : memref<256xf32, #tpu.memory_space<vmem>>[vector<16xi32>], vector<16xf32>,
        %add3A_188 = arith.addf %add3A_181, %gather3A_187 : vector<16xf32>
        %add3A_189 = arith.constant 8 : i32
        %add3A_190 = vector.broadcast %add3A_189 : i32 to vector<16xi32>
        %add3A_191 = arith.addi %mul3A_10, %add3A_190 : vector<16xi32>
        %gather3A_192 = tpu.vector_load_idx %arg12[%add3A_191] : memref<256xf32, #tpu.memory_space<vmem>>[vector<16xi32>], vector<16xf32>,
        %add3A_193 = arith.addf %add3A_186, %gather3A_192 : vector<16xf32>
        %gather3A_194 = tpu.vector_load_idx %arg13[%add3A_191] : memref<256xf32, #tpu.memory_space<vmem>>[vector<16xi32>], vector<16xf32>,
        %add3A_195 = arith.addf %add3A_188, %gather3A_194 : vector<16xf32>
        %add3A_196 = arith.constant 9 : i32
        %add3A_197 = vector.broadcast %add3A_196 : i32 to vector<16xi32>
        %add3A_198 = arith.addi %mul3A_10, %add3A_197 : vector<16xi32>
        %gather3A_199 = tpu.vector_load_idx %arg12[%add3A_198] : memref<256xf32, #tpu.memory_space<vmem>>[vector<16xi32>], vector<16xf32>,
        %add3A_200 = arith.addf %add3A_193, %gather3A_199 : vector<16xf32>
        %gather3A_201 = tpu.vector_load_idx %arg13[%add3A_198] : memref<256xf32, #tpu.memory_space<vmem>>[vector<16xi32>], vector<16xf32>,
        %add3A_202 = arith.addf %add3A_195, %gather3A_201 : vector<16xf32>
        %add3A_203 = arith.constant 10 : i32
        %add3A_204 = vector.broadcast %add3A_203 : i32 to vector<16xi32>
        %add3A_205 = arith.addi %mul3A_10, %add3A_204 : vector<16xi32>
        %gather3A_206 = tpu.vector_load_idx %arg12[%add3A_205] : memref<256xf32, #tpu.memory_space<vmem>>[vector<16xi32>], vector<16xf32>,
        %add3A_207 = arith.addf %add3A_200, %gather3A_206 : vector<16xf32>
        %gather3A_208 = tpu.vector_load_idx %arg13[%add3A_205] : memref<256xf32, #tpu.memory_space<vmem>>[vector<16xi32>], vector<16xf32>,
        %add3A_209 = arith.addf %add3A_202, %gather3A_208 : vector<16xf32>
        %add3A_210 = arith.constant 11 : i32
        %add3A_211 = vector.broadcast %add3A_210 : i32 to vector<16xi32>
        %add3A_212 = arith.addi %mul3A_10, %add3A_211 : vector<16xi32>
        %gather3A_213 = tpu.vector_load_idx %arg12[%add3A_212] : memref<256xf32, #tpu.memory_space<vmem>>[vector<16xi32>], vector<16xf32>,
        %add3A_214 = arith.addf %add3A_207, %gather3A_213 : vector<16xf32>
        %gather3A_215 = tpu.vector_load_idx %arg13[%add3A_212] : memref<256xf32, #tpu.memory_space<vmem>>[vector<16xi32>], vector<16xf32>,
        %add3A_216 = arith.addf %add3A_209, %gather3A_215 : vector<16xf32>
        %add3A_217 = arith.constant 12 : i32
        %add3A_218 = vector.broadcast %add3A_217 : i32 to vector<16xi32>
        %add3A_219 = arith.addi %mul3A_10, %add3A_218 : vector<16xi32>
        %gather3A_220 = tpu.vector_load_idx %arg12[%add3A_219] : memref<256xf32, #tpu.memory_space<vmem>>[vector<16xi32>], vector<16xf32>,
        %add3A_221 = arith.addf %add3A_214, %gather3A_220 : vector<16xf32>
        %gather3A_222 = tpu.vector_load_idx %arg13[%add3A_219] : memref<256xf32, #tpu.memory_space<vmem>>[vector<16xi32>], vector<16xf32>,
        %add3A_223 = arith.addf %add3A_216, %gather3A_222 : vector<16xf32>
        %add3A_224 = arith.constant 13 : i32
        %add3A_225 = vector.broadcast %add3A_224 : i32 to vector<16xi32>
        %add3A_226 = arith.addi %mul3A_10, %add3A_225 : vector<16xi32>
        %gather3A_227 = tpu.vector_load_idx %arg12[%add3A_226] : memref<256xf32, #tpu.memory_space<vmem>>[vector<16xi32>], vector<16xf32>,
        %add3A_228 = arith.addf %add3A_221, %gather3A_227 : vector<16xf32>
        %gather3A_229 = tpu.vector_load_idx %arg13[%add3A_226] : memref<256xf32, #tpu.memory_space<vmem>>[vector<16xi32>], vector<16xf32>,
        %add3A_230 = arith.addf %add3A_223, %gather3A_229 : vector<16xf32>
        %add3A_231 = arith.constant 14 : i32
        %add3A_232 = vector.broadcast %add3A_231 : i32 to vector<16xi32>
        %add3A_233 = arith.addi %mul3A_10, %add3A_232 : vector<16xi32>
        %gather3A_234 = tpu.vector_load_idx %arg12[%add3A_233] : memref<256xf32, #tpu.memory_space<vmem>>[vector<16xi32>], vector<16xf32>,
        %add3A_235 = arith.addf %add3A_228, %gather3A_234 : vector<16xf32>
        %gather3A_236 = tpu.vector_load_idx %arg13[%add3A_233] : memref<256xf32, #tpu.memory_space<vmem>>[vector<16xi32>], vector<16xf32>,
        %add3A_237 = arith.addf %add3A_230, %gather3A_236 : vector<16xf32>
        %add3A_238 = arith.constant 15 : i32
        %add3A_239 = vector.broadcast %add3A_238 : i32 to vector<16xi32>
        %add3A_240 = arith.addi %mul3A_10, %add3A_239 : vector<16xi32>
        %gather3A_241 = tpu.vector_load_idx %arg12[%add3A_240] : memref<256xf32, #tpu.memory_space<vmem>>[vector<16xi32>], vector<16xf32>,
        %add3A_242 = arith.addf %add3A_235, %gather3A_241 : vector<16xf32>
        %gather3A_243 = tpu.vector_load_idx %arg13[%add3A_240] : memref<256xf32, #tpu.memory_space<vmem>>[vector<16xi32>], vector<16xf32>,
        %add3A_244 = arith.addf %add3A_237, %gather3A_243 : vector<16xf32>
        %jit3A = arith.constant -8.700000e+01 : f32
        %jit3A_245 = arith.constant 8.700000e+01 : f32
        %max3A = vector.broadcast %jit3A : f32 to vector<16xf32>
        %max3A_246 = arith.maximumf %max3A, %add3A_242 : vector<16xf32>
        %min3A = vector.broadcast %jit3A_245 : f32 to vector<16xf32>
        %min3A_247 = arith.minimumf %min3A, %max3A_246 : vector<16xf32>
        %mul3A_248 = arith.constant -1.44269502 : f32
        %mul3A_249 = vector.broadcast %mul3A_248 : f32 to vector<16xf32>
        %mul3A_250 = arith.mulf %min3A_247, %mul3A_249 : vector<16xf32>
        %add3A_251 = arith.constant 1.925000e+02 : f32
        %add3A_252 = vector.broadcast %add3A_251 : f32 to vector<16xf32>
        %add3A_253 = arith.addf %mul3A_250, %add3A_252 : vector<16xf32>
        %convert_element_type3A_254 = arith.fptosi %add3A_253 : vector<16xf32> to vector<16xi32>
        %sub3A = arith.constant 192 : i32
        %sub3A_255 = vector.broadcast %sub3A : i32 to vector<16xi32>
        %sub3A_256 = arith.subi %convert_element_type3A_254, %sub3A_255 : vector<16xi32>
        %convert_element_type3A_257 = arith.sitofp %sub3A_256 : vector<16xi32> to vector<16xf32>
        %sub3A_258 = arith.subf %mul3A_250, %convert_element_type3A_257 : vector<16xf32>
        %mul3A_259 = arith.constant 0.693147182 : f32
        %mul3A_260 = vector.broadcast %mul3A_259 : f32 to vector<16xf32>
        %mul3A_261 = arith.mulf %sub3A_258, %mul3A_260 : vector<16xf32>
        %broadcast_in_dim3A_262 = arith.constant 1.98412701E-4 : f32
        %broadcast_in_dim3A_263 = vector.broadcast %broadcast_in_dim3A_262 : f32 to vector<16xf32>
        %mul3A_264 = arith.mulf %broadcast_in_dim3A_263, %mul3A_261 : vector<16xf32>
        %add3A_265 = arith.constant 0.00138888892 : f32
        %add3A_266 = vector.broadcast %add3A_265 : f32 to vector<16xf32>
        %add3A_267 = arith.addf %mul3A_264, %add3A_266 : vector<16xf32>
        %mul3A_268 = arith.mulf %add3A_267, %mul3A_261 : vector<16xf32>
        %add3A_269 = arith.constant 0.00833333377 : f32
        %add3A_270 = vector.broadcast %add3A_269 : f32 to vector<16xf32>
        %add3A_271 = arith.addf %mul3A_268, %add3A_270 : vector<16xf32>
        %mul3A_272 = arith.mulf %add3A_271, %mul3A_261 : vector<16xf32>
        %add3A_273 = arith.constant 0.0416666679 : f32
        %add3A_274 = vector.broadcast %add3A_273 : f32 to vector<16xf32>
        %add3A_275 = arith.addf %mul3A_272, %add3A_274 : vector<16xf32>
        %mul3A_276 = arith.mulf %add3A_275, %mul3A_261 : vector<16xf32>
        %add3A_277 = arith.constant 0.166666672 : f32
        %add3A_278 = vector.broadcast %add3A_277 : f32 to vector<16xf32>
        %add3A_279 = arith.addf %mul3A_276, %add3A_278 : vector<16xf32>
        %mul3A_280 = arith.mulf %add3A_279, %mul3A_261 : vector<16xf32>
        %add3A_281 = arith.constant 5.000000e-01 : f32
        %add3A_282 = vector.broadcast %add3A_281 : f32 to vector<16xf32>
        %add3A_283 = arith.addf %mul3A_280, %add3A_282 : vector<16xf32>
        %mul3A_284 = arith.mulf %add3A_283, %mul3A_261 : vector<16xf32>
        %add3A_285 = arith.constant 1.000000e+00 : f32
        %add3A_286 = vector.broadcast %add3A_285 : f32 to vector<16xf32>
        %add3A_287 = arith.addf %mul3A_284, %add3A_286 : vector<16xf32>
        %mul3A_288 = arith.mulf %add3A_287, %mul3A_261 : vector<16xf32>
        %add3A_289 = arith.constant 1.000000e+00 : f32
        %add3A_290 = vector.broadcast %add3A_289 : f32 to vector<16xf32>
        %add3A_291 = arith.addf %mul3A_288, %add3A_290 : vector<16xf32>
        %add3A_292 = arith.constant 127 : i32
        %add3A_293 = vector.broadcast %add3A_292 : i32 to vector<16xi32>
        %add3A_294 = arith.addi %sub3A_256, %add3A_293 : vector<16xi32>
        %shift_left3A = arith.constant 23 : i32
        %shift_left3A_295 = vector.broadcast %shift_left3A : i32 to vector<16xi32>
        %shift_left3A_296 = arith.shli %add3A_294, %shift_left3A_295 : vector<16xi32>
        %bitcast_convert_type3A = tpu.bitcast %shift_left3A_296 : vector<16xi32> -> vector<16xf32>
        %mul3A_297 = arith.mulf %bitcast_convert_type3A, %add3A_291 : vector<16xf32>
        %add3A_298 = arith.constant 1.000000e+00 : f32
        %add3A_299 = vector.broadcast %add3A_298 : f32 to vector<16xf32>
        %add3A_300 = arith.addf %add3A_299, %mul3A_297 : vector<16xf32>
        %div3A = arith.constant 1.000000e+00 : f32
        %div3A_301 = vector.broadcast %div3A : f32 to vector<16xf32>
        %div3A_302 = arith.divf %div3A_301, %add3A_300 : vector<16xf32>
        %mul3A_303 = arith.mulf %add3A_300, %div3A_302 : vector<16xf32>
        %sub3A_304 = arith.constant 2.000000e+00 : f32
        %sub3A_305 = vector.broadcast %sub3A_304 : f32 to vector<16xf32>
        %sub3A_306 = arith.subf %sub3A_305, %mul3A_303 : vector<16xf32>
        %mul3A_307 = arith.mulf %div3A_302, %sub3A_306 : vector<16xf32>
        %mul3A_308 = arith.mulf %add3A_300, %mul3A_307 : vector<16xf32>
        %sub3A_309 = arith.constant 2.000000e+00 : f32
        %sub3A_310 = vector.broadcast %sub3A_309 : f32 to vector<16xf32>
        %sub3A_311 = arith.subf %sub3A_310, %mul3A_308 : vector<16xf32>
        %mul3A_312 = arith.mulf %mul3A_307, %sub3A_311 : vector<16xf32>
        %add3A_313 = arith.addf %mul3A_312, %get3A_5 : vector<16xf32>
        %jit3A_314 = arith.constant -8.700000e+01 : f32
        %jit3A_315 = arith.constant 8.700000e+01 : f32
        %max3A_316 = vector.broadcast %jit3A_314 : f32 to vector<16xf32>
        %max3A_317 = arith.maximumf %max3A_316, %add3A_244 : vector<16xf32>
        %min3A_318 = vector.broadcast %jit3A_315 : f32 to vector<16xf32>
        %min3A_319 = arith.minimumf %min3A_318, %max3A_317 : vector<16xf32>
        %mul3A_320 = arith.constant -1.44269502 : f32
        %mul3A_321 = vector.broadcast %mul3A_320 : f32 to vector<16xf32>
        %mul3A_322 = arith.mulf %min3A_319, %mul3A_321 : vector<16xf32>
        %add3A_323 = arith.constant 1.925000e+02 : f32
        %add3A_324 = vector.broadcast %add3A_323 : f32 to vector<16xf32>
        %add3A_325 = arith.addf %mul3A_322, %add3A_324 : vector<16xf32>
        %convert_element_type3A_326 = arith.fptosi %add3A_325 : vector<16xf32> to vector<16xi32>
        %sub3A_327 = arith.constant 192 : i32
        %sub3A_328 = vector.broadcast %sub3A_327 : i32 to vector<16xi32>
        %sub3A_329 = arith.subi %convert_element_type3A_326, %sub3A_328 : vector<16xi32>
        %convert_element_type3A_330 = arith.sitofp %sub3A_329 : vector<16xi32> to vector<16xf32>
        %sub3A_331 = arith.subf %mul3A_322, %convert_element_type3A_330 : vector<16xf32>
        %mul3A_332 = arith.constant 0.693147182 : f32
        %mul3A_333 = vector.broadcast %mul3A_332 : f32 to vector<16xf32>
        %mul3A_334 = arith.mulf %sub3A_331, %mul3A_333 : vector<16xf32>
        %broadcast_in_dim3A_335 = arith.constant 1.98412701E-4 : f32
        %broadcast_in_dim3A_336 = vector.broadcast %broadcast_in_dim3A_335 : f32 to vector<16xf32>
        %mul3A_337 = arith.mulf %broadcast_in_dim3A_336, %mul3A_334 : vector<16xf32>
        %add3A_338 = arith.constant 0.00138888892 : f32
        %add3A_339 = vector.broadcast %add3A_338 : f32 to vector<16xf32>
        %add3A_340 = arith.addf %mul3A_337, %add3A_339 : vector<16xf32>
        %mul3A_341 = arith.mulf %add3A_340, %mul3A_334 : vector<16xf32>
        %add3A_342 = arith.constant 0.00833333377 : f32
        %add3A_343 = vector.broadcast %add3A_342 : f32 to vector<16xf32>
        %add3A_344 = arith.addf %mul3A_341, %add3A_343 : vector<16xf32>
        %mul3A_345 = arith.mulf %add3A_344, %mul3A_334 : vector<16xf32>
        %add3A_346 = arith.constant 0.0416666679 : f32
        %add3A_347 = vector.broadcast %add3A_346 : f32 to vector<16xf32>
        %add3A_348 = arith.addf %mul3A_345, %add3A_347 : vector<16xf32>
        %mul3A_349 = arith.mulf %add3A_348, %mul3A_334 : vector<16xf32>
        %add3A_350 = arith.constant 0.166666672 : f32
        %add3A_351 = vector.broadcast %add3A_350 : f32 to vector<16xf32>
        %add3A_352 = arith.addf %mul3A_349, %add3A_351 : vector<16xf32>
        %mul3A_353 = arith.mulf %add3A_352, %mul3A_334 : vector<16xf32>
        %add3A_354 = arith.constant 5.000000e-01 : f32
        %add3A_355 = vector.broadcast %add3A_354 : f32 to vector<16xf32>
        %add3A_356 = arith.addf %mul3A_353, %add3A_355 : vector<16xf32>
        %mul3A_357 = arith.mulf %add3A_356, %mul3A_334 : vector<16xf32>
        %add3A_358 = arith.constant 1.000000e+00 : f32
        %add3A_359 = vector.broadcast %add3A_358 : f32 to vector<16xf32>
        %add3A_360 = arith.addf %mul3A_357, %add3A_359 : vector<16xf32>
        %mul3A_361 = arith.mulf %add3A_360, %mul3A_334 : vector<16xf32>
        %add3A_362 = arith.constant 1.000000e+00 : f32
        %add3A_363 = vector.broadcast %add3A_362 : f32 to vector<16xf32>
        %add3A_364 = arith.addf %mul3A_361, %add3A_363 : vector<16xf32>
        %add3A_365 = arith.constant 127 : i32
        %add3A_366 = vector.broadcast %add3A_365 : i32 to vector<16xi32>
        %add3A_367 = arith.addi %sub3A_329, %add3A_366 : vector<16xi32>
        %shift_left3A_368 = arith.constant 23 : i32
        %shift_left3A_369 = vector.broadcast %shift_left3A_368 : i32 to vector<16xi32>
        %shift_left3A_370 = arith.shli %add3A_367, %shift_left3A_369 : vector<16xi32>
        %bitcast_convert_type3A_371 = tpu.bitcast %shift_left3A_370 : vector<16xi32> -> vector<16xf32>
        %mul3A_372 = arith.mulf %bitcast_convert_type3A_371, %add3A_364 : vector<16xf32>
        %add3A_373 = arith.constant 1.000000e+00 : f32
        %add3A_374 = vector.broadcast %add3A_373 : f32 to vector<16xf32>
        %add3A_375 = arith.addf %add3A_374, %mul3A_372 : vector<16xf32>
        %div3A_376 = arith.constant 1.000000e+00 : f32
        %div3A_377 = vector.broadcast %div3A_376 : f32 to vector<16xf32>
        %div3A_378 = arith.divf %div3A_377, %add3A_375 : vector<16xf32>
        %mul3A_379 = arith.mulf %add3A_375, %div3A_378 : vector<16xf32>
        %sub3A_380 = arith.constant 2.000000e+00 : f32
        %sub3A_381 = vector.broadcast %sub3A_380 : f32 to vector<16xf32>
        %sub3A_382 = arith.subf %sub3A_381, %mul3A_379 : vector<16xf32>
        %mul3A_383 = arith.mulf %div3A_378, %sub3A_382 : vector<16xf32>
        %mul3A_384 = arith.mulf %add3A_375, %mul3A_383 : vector<16xf32>
        %sub3A_385 = arith.constant 2.000000e+00 : f32
        %sub3A_386 = vector.broadcast %sub3A_385 : f32 to vector<16xf32>
        %sub3A_387 = arith.subf %sub3A_386, %mul3A_384 : vector<16xf32>
        %mul3A_388 = arith.mulf %mul3A_383, %sub3A_387 : vector<16xf32>
        %add3A_389 = arith.addf %mul3A_388, %get3A_7 : vector<16xf32>
        %gt3A = arith.cmpf ogt, %add3A_389, %add3A_313 : vector<16xf32>
        %convert_element_type3A_390 = arith.extui %gt3A : vector<16xi1> to vector<16xi32>
        %select_n3A = arith.select %gt3A, %add3A_389, %add3A_313 : vector<16xi1>, vector<16xf32>
        %add3A_391 = arith.addi %mul3A_28, %mul3A_63 : i32
        %swap3A_392 = arith.index_cast %add3A_391 : i32 to index
        %swap3A_393 = tpu.vector_load %arg14[%swap3A_392] {strides = array<i32>} : memref<512xi32, #tpu.memory_space<vmem>>, vector<16xi32>,
        tpu.vector_store %arg14[%swap3A_392], %convert_element_type3A_390 {strides = array<i32>} : memref<512xi32, #tpu.memory_space<vmem>>, vector<16xi32>,
        %swap3A_394 = arith.index_cast %add3A_391 : i32 to index
        %swap3A_395 = tpu.vector_load %arg15[%swap3A_394] {strides = array<i32>} : memref<512xf32, #tpu.memory_space<vmem>>, vector<16xf32>,
        tpu.vector_store %arg15[%swap3A_394], %select_n3A {strides = array<i32>} : memref<512xf32, #tpu.memory_space<vmem>>, vector<16xf32>,
      }
      %scan3A_35 = arith.constant 4 : i32
      %add3A_36 = arith.constant 2 : i32
      %add3A_37 = arith.addi %add3A_26, %add3A_36 : i32
      %lt3A = arith.constant 8 : i32
      %lt3A_38 = arith.cmpi slt, %add3A_37, %lt3A : i32
      %convert_element_type3A = arith.extui %lt3A_38 : i1 to i32
      %cond3A = arith.constant 0 : i32
      %cond3A_39 = arith.cmpi ne, %convert_element_type3A, %cond3A : i32
      scf.if %cond3A_39 {
        %add3A_61 = arith.constant 2 : i32
        %add3A_62 = arith.addi %add3A_26, %add3A_61 : i32
        %mul3A_63 = arith.constant 49152 : i32
        %mul3A_64 = arith.muli %add3A_62, %mul3A_63 : i32
        %add3A_65 = arith.addi %mul3A_4, %mul3A_64 : i32
        %dma_start3A_66 = tpu.memref_slice %arg2[%add3A_65] : memref<12582912xf32, #tpu.memory_space<hbm>> -> memref<49152xf32, #tpu.memory_space<hbm>>
        %dma_start3A_67 = tpu.memref_slice %arg2[%add3A_65] : memref<12582912xf32, #tpu.memory_space<hbm>> -> memref<49152xf32, #tpu.memory_space<hbm>>
        tpu.enqueue_dma source(%dma_start3A_67 : memref<49152xf32, #tpu.memory_space<hbm>>) target(%arg7 : memref<49152xf32, #tpu.memory_space<vmem>>) target_semaphore(%arg16 : memref<!tpu.dma_semaphore, #tpu.memory_space<semaphore_mem>>)
      } else {
      }
      %mul3A_40 = arith.constant 2 : i32
      %mul3A_41 = arith.muli %scan3A_22, %mul3A_40 : i32
      %add3A_42 = arith.constant 1 : i32
      %add3A_43 = arith.addi %mul3A_41, %add3A_42 : i32
      %mul3A_44 = arith.constant 64 : i32
      %mul3A_45 = arith.muli %add3A_43, %mul3A_44 : i32
      %dma_wait3A_46 = tpu.memref_slice %arg2[%mul3A_4] : memref<12582912xf32, #tpu.memory_space<hbm>> -> memref<49152xf32, #tpu.memory_space<hbm>>
      %dma_wait3A_47 = tpu.memref_slice %arg2[%mul3A_4] : memref<12582912xf32, #tpu.memory_space<hbm>> -> memref<49152xf32, #tpu.memory_space<hbm>>
      tpu.wait_dma2 semaphore(%arg17 : memref<!tpu.dma_semaphore, #tpu.memory_space<semaphore_mem>>) src(%dma_wait3A_47 : memref<49152xf32, #tpu.memory_space<hbm>>) dst(%arg8 : memref<49152xf32, #tpu.memory_space<vmem>>)
      %scan3A_48 = arith.constant 0 : i32
      %scan3A_49 = arith.constant 0 : i32
      %scan3A_50 = arith.constant 4 : i32
      %scan3A_51 = arith.addi %scan3A_49, %scan3A_50 : i32
      %scan3A_52 = arith.constant 1 : i32
      scf.for %scan3A_61 = %scan3A_49 to %scan3A_51 step %scan3A_52  : i32 {
        %mul3A_62 = arith.constant 16 : i32
        %mul3A_63 = arith.muli %scan3A_61, %mul3A_62 : i32
        %parallel_loop3A = arith.constant 0 : i32
        %parallel_loop3A_64 = arith.constant 48 : i32
        %parallel_loop3A_65 = arith.constant 1 : i32
        %parallel_loop3A_66:16 = scf.for %parallel_loop3A_396 = %parallel_loop3A to %parallel_loop3A_64 step %parallel_loop3A_65 iter_args(%parallel_loop3A_397 = %broadcast_in_dim3A_11, %parallel_loop3A_398 = %broadcast_in_dim3A_11, %parallel_loop3A_399 = %broadcast_in_dim3A_11, %parallel_loop3A_400 = %broadcast_in_dim3A_11, %parallel_loop3A_401 = %broadcast_in_dim3A_11, %parallel_loop3A_402 = %broadcast_in_dim3A_11, %parallel_loop3A_403 = %broadcast_in_dim3A_11, %parallel_loop3A_404 = %broadcast_in_dim3A_11, %parallel_loop3A_405 = %broadcast_in_dim3A_11, %parallel_loop3A_406 = %broadcast_in_dim3A_11, %parallel_loop3A_407 = %broadcast_in_dim3A_11, %parallel_loop3A_408 = %broadcast_in_dim3A_11, %parallel_loop3A_409 = %broadcast_in_dim3A_11, %parallel_loop3A_410 = %broadcast_in_dim3A_11, %parallel_loop3A_411 = %broadcast_in_dim3A_11, %parallel_loop3A_412 = %broadcast_in_dim3A_11) -> (vector<16xf32>, vector<16xf32>, vector<16xf32>, vector<16xf32>, vector<16xf32>, vector<16xf32>, vector<16xf32>, vector<16xf32>, vector<16xf32>, vector<16xf32>, vector<16xf32>, vector<16xf32>, vector<16xf32>, vector<16xf32>, vector<16xf32>, vector<16xf32>)  : i32 {
          %parallel_loop3A_413 = arith.constant 16 : i32
          %parallel_loop3A_414 = arith.muli %parallel_loop3A_396, %parallel_loop3A_413 : i32
          %parallel_loop3A_415 = arith.index_cast %parallel_loop3A_414 : i32 to index
          %parallel_loop3A_416 = tpu.vector_load %arg9[%parallel_loop3A_415] {strides = array<i32>} : memref<768xf32, #tpu.memory_space<vmem>>, vector<16xf32>,
          %parallel_loop3A_417 = arith.index_cast %parallel_loop3A_414 : i32 to index
          %parallel_loop3A_418 = tpu.vector_load %arg10[%parallel_loop3A_417] {strides = array<i32>} : memref<768xf32, #tpu.memory_space<vmem>>, vector<16xf32>,
          %parallel_loop3A_419 = arith.constant 0 : i32
          %parallel_loop3A_420 = arith.addi %mul3A_63, %parallel_loop3A_419 : i32
          %parallel_loop3A_421 = arith.constant 0 : i32
          %parallel_loop3A_422 = arith.addi %parallel_loop3A_420, %parallel_loop3A_421 : i32
          %parallel_loop3A_423 = arith.constant 768 : i32
          %parallel_loop3A_424 = arith.muli %parallel_loop3A_422, %parallel_loop3A_423 : i32
          %parallel_loop3A_425 = arith.addi %parallel_loop3A_424, %parallel_loop3A_414 : i32
          %parallel_loop3A_426 = arith.index_cast %parallel_loop3A_425 : i32 to index
          %parallel_loop3A_427 = tpu.vector_load %arg8[%parallel_loop3A_426] {strides = array<i32>} : memref<49152xf32, #tpu.memory_space<vmem>>, vector<16xf32>,
          %parallel_loop3A_428 = tpu.bitcast %parallel_loop3A_427 : vector<16xf32> -> vector<16xi32>
          %parallel_loop3A_429 = arith.constant 32768 : i32
          %parallel_loop3A_430 = vector.broadcast %parallel_loop3A_429 : i32 to vector<16xi32>
          %parallel_loop3A_431 = arith.addi %parallel_loop3A_428, %parallel_loop3A_430 : vector<16xi32>
          %parallel_loop3A_432 = arith.constant -65536 : i32
          %parallel_loop3A_433 = vector.broadcast %parallel_loop3A_432 : i32 to vector<16xi32>
          %parallel_loop3A_434 = arith.andi %parallel_loop3A_431, %parallel_loop3A_433 : vector<16xi32>
          %parallel_loop3A_435 = tpu.bitcast %parallel_loop3A_434 : vector<16xi32> -> vector<16xf32>
          %parallel_loop3A_436 = arith.mulf %parallel_loop3A_435, %parallel_loop3A_416 : vector<16xf32>
          %parallel_loop3A_437 = arith.addf %parallel_loop3A_397, %parallel_loop3A_436 : vector<16xf32>
          %parallel_loop3A_438 = arith.mulf %parallel_loop3A_435, %parallel_loop3A_418 : vector<16xf32>
          %parallel_loop3A_439 = arith.addf %parallel_loop3A_405, %parallel_loop3A_438 : vector<16xf32>
          %parallel_loop3A_440 = arith.constant 0 : i32
          %parallel_loop3A_441 = arith.addi %mul3A_63, %parallel_loop3A_440 : i32
          %parallel_loop3A_442 = arith.constant 1 : i32
          %parallel_loop3A_443 = arith.addi %parallel_loop3A_441, %parallel_loop3A_442 : i32
          %parallel_loop3A_444 = arith.constant 768 : i32
          %parallel_loop3A_445 = arith.muli %parallel_loop3A_443, %parallel_loop3A_444 : i32
          %parallel_loop3A_446 = arith.addi %parallel_loop3A_445, %parallel_loop3A_414 : i32
          %parallel_loop3A_447 = arith.index_cast %parallel_loop3A_446 : i32 to index
          %parallel_loop3A_448 = tpu.vector_load %arg8[%parallel_loop3A_447] {strides = array<i32>} : memref<49152xf32, #tpu.memory_space<vmem>>, vector<16xf32>,
          %parallel_loop3A_449 = tpu.bitcast %parallel_loop3A_448 : vector<16xf32> -> vector<16xi32>
          %parallel_loop3A_450 = arith.constant 32768 : i32
          %parallel_loop3A_451 = vector.broadcast %parallel_loop3A_450 : i32 to vector<16xi32>
          %parallel_loop3A_452 = arith.addi %parallel_loop3A_449, %parallel_loop3A_451 : vector<16xi32>
          %parallel_loop3A_453 = arith.constant -65536 : i32
          %parallel_loop3A_454 = vector.broadcast %parallel_loop3A_453 : i32 to vector<16xi32>
          %parallel_loop3A_455 = arith.andi %parallel_loop3A_452, %parallel_loop3A_454 : vector<16xi32>
          %parallel_loop3A_456 = tpu.bitcast %parallel_loop3A_455 : vector<16xi32> -> vector<16xf32>
          %parallel_loop3A_457 = arith.mulf %parallel_loop3A_456, %parallel_loop3A_416 : vector<16xf32>
          %parallel_loop3A_458 = arith.addf %parallel_loop3A_398, %parallel_loop3A_457 : vector<16xf32>
          %parallel_loop3A_459 = arith.mulf %parallel_loop3A_456, %parallel_loop3A_418 : vector<16xf32>
          %parallel_loop3A_460 = arith.addf %parallel_loop3A_406, %parallel_loop3A_459 : vector<16xf32>
          %parallel_loop3A_461 = arith.constant 0 : i32
          %parallel_loop3A_462 = arith.addi %mul3A_63, %parallel_loop3A_461 : i32
          %parallel_loop3A_463 = arith.constant 2 : i32
          %parallel_loop3A_464 = arith.addi %parallel_loop3A_462, %parallel_loop3A_463 : i32
          %parallel_loop3A_465 = arith.constant 768 : i32
          %parallel_loop3A_466 = arith.muli %parallel_loop3A_464, %parallel_loop3A_465 : i32
          %parallel_loop3A_467 = arith.addi %parallel_loop3A_466, %parallel_loop3A_414 : i32
          %parallel_loop3A_468 = arith.index_cast %parallel_loop3A_467 : i32 to index
          %parallel_loop3A_469 = tpu.vector_load %arg8[%parallel_loop3A_468] {strides = array<i32>} : memref<49152xf32, #tpu.memory_space<vmem>>, vector<16xf32>,
          %parallel_loop3A_470 = tpu.bitcast %parallel_loop3A_469 : vector<16xf32> -> vector<16xi32>
          %parallel_loop3A_471 = arith.constant 32768 : i32
          %parallel_loop3A_472 = vector.broadcast %parallel_loop3A_471 : i32 to vector<16xi32>
          %parallel_loop3A_473 = arith.addi %parallel_loop3A_470, %parallel_loop3A_472 : vector<16xi32>
          %parallel_loop3A_474 = arith.constant -65536 : i32
          %parallel_loop3A_475 = vector.broadcast %parallel_loop3A_474 : i32 to vector<16xi32>
          %parallel_loop3A_476 = arith.andi %parallel_loop3A_473, %parallel_loop3A_475 : vector<16xi32>
          %parallel_loop3A_477 = tpu.bitcast %parallel_loop3A_476 : vector<16xi32> -> vector<16xf32>
          %parallel_loop3A_478 = arith.mulf %parallel_loop3A_477, %parallel_loop3A_416 : vector<16xf32>
          %parallel_loop3A_479 = arith.addf %parallel_loop3A_399, %parallel_loop3A_478 : vector<16xf32>
          %parallel_loop3A_480 = arith.mulf %parallel_loop3A_477, %parallel_loop3A_418 : vector<16xf32>
          %parallel_loop3A_481 = arith.addf %parallel_loop3A_407, %parallel_loop3A_480 : vector<16xf32>
          %parallel_loop3A_482 = arith.constant 0 : i32
          %parallel_loop3A_483 = arith.addi %mul3A_63, %parallel_loop3A_482 : i32
          %parallel_loop3A_484 = arith.constant 3 : i32
          %parallel_loop3A_485 = arith.addi %parallel_loop3A_483, %parallel_loop3A_484 : i32
          %parallel_loop3A_486 = arith.constant 768 : i32
          %parallel_loop3A_487 = arith.muli %parallel_loop3A_485, %parallel_loop3A_486 : i32
          %parallel_loop3A_488 = arith.addi %parallel_loop3A_487, %parallel_loop3A_414 : i32
          %parallel_loop3A_489 = arith.index_cast %parallel_loop3A_488 : i32 to index
          %parallel_loop3A_490 = tpu.vector_load %arg8[%parallel_loop3A_489] {strides = array<i32>} : memref<49152xf32, #tpu.memory_space<vmem>>, vector<16xf32>,
          %parallel_loop3A_491 = tpu.bitcast %parallel_loop3A_490 : vector<16xf32> -> vector<16xi32>
          %parallel_loop3A_492 = arith.constant 32768 : i32
          %parallel_loop3A_493 = vector.broadcast %parallel_loop3A_492 : i32 to vector<16xi32>
          %parallel_loop3A_494 = arith.addi %parallel_loop3A_491, %parallel_loop3A_493 : vector<16xi32>
          %parallel_loop3A_495 = arith.constant -65536 : i32
          %parallel_loop3A_496 = vector.broadcast %parallel_loop3A_495 : i32 to vector<16xi32>
          %parallel_loop3A_497 = arith.andi %parallel_loop3A_494, %parallel_loop3A_496 : vector<16xi32>
          %parallel_loop3A_498 = tpu.bitcast %parallel_loop3A_497 : vector<16xi32> -> vector<16xf32>
          %parallel_loop3A_499 = arith.mulf %parallel_loop3A_498, %parallel_loop3A_416 : vector<16xf32>
          %parallel_loop3A_500 = arith.addf %parallel_loop3A_400, %parallel_loop3A_499 : vector<16xf32>
          %parallel_loop3A_501 = arith.mulf %parallel_loop3A_498, %parallel_loop3A_418 : vector<16xf32>
          %parallel_loop3A_502 = arith.addf %parallel_loop3A_408, %parallel_loop3A_501 : vector<16xf32>
          %parallel_loop3A_503 = arith.constant 0 : i32
          %parallel_loop3A_504 = arith.addi %mul3A_63, %parallel_loop3A_503 : i32
          %parallel_loop3A_505 = arith.constant 4 : i32
          %parallel_loop3A_506 = arith.addi %parallel_loop3A_504, %parallel_loop3A_505 : i32
          %parallel_loop3A_507 = arith.constant 768 : i32
          %parallel_loop3A_508 = arith.muli %parallel_loop3A_506, %parallel_loop3A_507 : i32
          %parallel_loop3A_509 = arith.addi %parallel_loop3A_508, %parallel_loop3A_414 : i32
          %parallel_loop3A_510 = arith.index_cast %parallel_loop3A_509 : i32 to index
          %parallel_loop3A_511 = tpu.vector_load %arg8[%parallel_loop3A_510] {strides = array<i32>} : memref<49152xf32, #tpu.memory_space<vmem>>, vector<16xf32>,
          %parallel_loop3A_512 = tpu.bitcast %parallel_loop3A_511 : vector<16xf32> -> vector<16xi32>
          %parallel_loop3A_513 = arith.constant 32768 : i32
          %parallel_loop3A_514 = vector.broadcast %parallel_loop3A_513 : i32 to vector<16xi32>
          %parallel_loop3A_515 = arith.addi %parallel_loop3A_512, %parallel_loop3A_514 : vector<16xi32>
          %parallel_loop3A_516 = arith.constant -65536 : i32
          %parallel_loop3A_517 = vector.broadcast %parallel_loop3A_516 : i32 to vector<16xi32>
          %parallel_loop3A_518 = arith.andi %parallel_loop3A_515, %parallel_loop3A_517 : vector<16xi32>
          %parallel_loop3A_519 = tpu.bitcast %parallel_loop3A_518 : vector<16xi32> -> vector<16xf32>
          %parallel_loop3A_520 = arith.mulf %parallel_loop3A_519, %parallel_loop3A_416 : vector<16xf32>
          %parallel_loop3A_521 = arith.addf %parallel_loop3A_401, %parallel_loop3A_520 : vector<16xf32>
          %parallel_loop3A_522 = arith.mulf %parallel_loop3A_519, %parallel_loop3A_418 : vector<16xf32>
          %parallel_loop3A_523 = arith.addf %parallel_loop3A_409, %parallel_loop3A_522 : vector<16xf32>
          %parallel_loop3A_524 = arith.constant 0 : i32
          %parallel_loop3A_525 = arith.addi %mul3A_63, %parallel_loop3A_524 : i32
          %parallel_loop3A_526 = arith.constant 5 : i32
          %parallel_loop3A_527 = arith.addi %parallel_loop3A_525, %parallel_loop3A_526 : i32
          %parallel_loop3A_528 = arith.constant 768 : i32
          %parallel_loop3A_529 = arith.muli %parallel_loop3A_527, %parallel_loop3A_528 : i32
          %parallel_loop3A_530 = arith.addi %parallel_loop3A_529, %parallel_loop3A_414 : i32
          %parallel_loop3A_531 = arith.index_cast %parallel_loop3A_530 : i32 to index
          %parallel_loop3A_532 = tpu.vector_load %arg8[%parallel_loop3A_531] {strides = array<i32>} : memref<49152xf32, #tpu.memory_space<vmem>>, vector<16xf32>,
          %parallel_loop3A_533 = tpu.bitcast %parallel_loop3A_532 : vector<16xf32> -> vector<16xi32>
          %parallel_loop3A_534 = arith.constant 32768 : i32
          %parallel_loop3A_535 = vector.broadcast %parallel_loop3A_534 : i32 to vector<16xi32>
          %parallel_loop3A_536 = arith.addi %parallel_loop3A_533, %parallel_loop3A_535 : vector<16xi32>
          %parallel_loop3A_537 = arith.constant -65536 : i32
          %parallel_loop3A_538 = vector.broadcast %parallel_loop3A_537 : i32 to vector<16xi32>
          %parallel_loop3A_539 = arith.andi %parallel_loop3A_536, %parallel_loop3A_538 : vector<16xi32>
          %parallel_loop3A_540 = tpu.bitcast %parallel_loop3A_539 : vector<16xi32> -> vector<16xf32>
          %parallel_loop3A_541 = arith.mulf %parallel_loop3A_540, %parallel_loop3A_416 : vector<16xf32>
          %parallel_loop3A_542 = arith.addf %parallel_loop3A_402, %parallel_loop3A_541 : vector<16xf32>
          %parallel_loop3A_543 = arith.mulf %parallel_loop3A_540, %parallel_loop3A_418 : vector<16xf32>
          %parallel_loop3A_544 = arith.addf %parallel_loop3A_410, %parallel_loop3A_543 : vector<16xf32>
          %parallel_loop3A_545 = arith.constant 0 : i32
          %parallel_loop3A_546 = arith.addi %mul3A_63, %parallel_loop3A_545 : i32
          %parallel_loop3A_547 = arith.constant 6 : i32
          %parallel_loop3A_548 = arith.addi %parallel_loop3A_546, %parallel_loop3A_547 : i32
          %parallel_loop3A_549 = arith.constant 768 : i32
          %parallel_loop3A_550 = arith.muli %parallel_loop3A_548, %parallel_loop3A_549 : i32
          %parallel_loop3A_551 = arith.addi %parallel_loop3A_550, %parallel_loop3A_414 : i32
          %parallel_loop3A_552 = arith.index_cast %parallel_loop3A_551 : i32 to index
          %parallel_loop3A_553 = tpu.vector_load %arg8[%parallel_loop3A_552] {strides = array<i32>} : memref<49152xf32, #tpu.memory_space<vmem>>, vector<16xf32>,
          %parallel_loop3A_554 = tpu.bitcast %parallel_loop3A_553 : vector<16xf32> -> vector<16xi32>
          %parallel_loop3A_555 = arith.constant 32768 : i32
          %parallel_loop3A_556 = vector.broadcast %parallel_loop3A_555 : i32 to vector<16xi32>
          %parallel_loop3A_557 = arith.addi %parallel_loop3A_554, %parallel_loop3A_556 : vector<16xi32>
          %parallel_loop3A_558 = arith.constant -65536 : i32
          %parallel_loop3A_559 = vector.broadcast %parallel_loop3A_558 : i32 to vector<16xi32>
          %parallel_loop3A_560 = arith.andi %parallel_loop3A_557, %parallel_loop3A_559 : vector<16xi32>
          %parallel_loop3A_561 = tpu.bitcast %parallel_loop3A_560 : vector<16xi32> -> vector<16xf32>
          %parallel_loop3A_562 = arith.mulf %parallel_loop3A_561, %parallel_loop3A_416 : vector<16xf32>
          %parallel_loop3A_563 = arith.addf %parallel_loop3A_403, %parallel_loop3A_562 : vector<16xf32>
          %parallel_loop3A_564 = arith.mulf %parallel_loop3A_561, %parallel_loop3A_418 : vector<16xf32>
          %parallel_loop3A_565 = arith.addf %parallel_loop3A_411, %parallel_loop3A_564 : vector<16xf32>
          %parallel_loop3A_566 = arith.constant 0 : i32
          %parallel_loop3A_567 = arith.addi %mul3A_63, %parallel_loop3A_566 : i32
          %parallel_loop3A_568 = arith.constant 7 : i32
          %parallel_loop3A_569 = arith.addi %parallel_loop3A_567, %parallel_loop3A_568 : i32
          %parallel_loop3A_570 = arith.constant 768 : i32
          %parallel_loop3A_571 = arith.muli %parallel_loop3A_569, %parallel_loop3A_570 : i32
          %parallel_loop3A_572 = arith.addi %parallel_loop3A_571, %parallel_loop3A_414 : i32
          %parallel_loop3A_573 = arith.index_cast %parallel_loop3A_572 : i32 to index
          %parallel_loop3A_574 = tpu.vector_load %arg8[%parallel_loop3A_573] {strides = array<i32>} : memref<49152xf32, #tpu.memory_space<vmem>>, vector<16xf32>,
          %parallel_loop3A_575 = tpu.bitcast %parallel_loop3A_574 : vector<16xf32> -> vector<16xi32>
          %parallel_loop3A_576 = arith.constant 32768 : i32
          %parallel_loop3A_577 = vector.broadcast %parallel_loop3A_576 : i32 to vector<16xi32>
          %parallel_loop3A_578 = arith.addi %parallel_loop3A_575, %parallel_loop3A_577 : vector<16xi32>
          %parallel_loop3A_579 = arith.constant -65536 : i32
          %parallel_loop3A_580 = vector.broadcast %parallel_loop3A_579 : i32 to vector<16xi32>
          %parallel_loop3A_581 = arith.andi %parallel_loop3A_578, %parallel_loop3A_580 : vector<16xi32>
          %parallel_loop3A_582 = tpu.bitcast %parallel_loop3A_581 : vector<16xi32> -> vector<16xf32>
          %parallel_loop3A_583 = arith.mulf %parallel_loop3A_582, %parallel_loop3A_416 : vector<16xf32>
          %parallel_loop3A_584 = arith.addf %parallel_loop3A_404, %parallel_loop3A_583 : vector<16xf32>
          %parallel_loop3A_585 = arith.mulf %parallel_loop3A_582, %parallel_loop3A_418 : vector<16xf32>
          %parallel_loop3A_586 = arith.addf %parallel_loop3A_412, %parallel_loop3A_585 : vector<16xf32>
          scf.yield %parallel_loop3A_437, %parallel_loop3A_458, %parallel_loop3A_479, %parallel_loop3A_500, %parallel_loop3A_521, %parallel_loop3A_542, %parallel_loop3A_563, %parallel_loop3A_584, %parallel_loop3A_439, %parallel_loop3A_460, %parallel_loop3A_481, %parallel_loop3A_502, %parallel_loop3A_523, %parallel_loop3A_544, %parallel_loop3A_565, %parallel_loop3A_586 : vector<16xf32>, vector<16xf32>, vector<16xf32>, vector<16xf32>, vector<16xf32>, vector<16xf32>, vector<16xf32>, vector<16xf32>, vector<16xf32>, vector<16xf32>, vector<16xf32>, vector<16xf32>, vector<16xf32>, vector<16xf32>, vector<16xf32>, vector<16xf32>
        } {sc.loop_unroll_factor = 2 : i64, sc.parallel_access}
        %swap3A = arith.constant 0 : index
        %swap3A_67 = tpu.vector_load %arg12[%swap3A] {strides = array<i32>} : memref<256xf32, #tpu.memory_space<vmem>>, vector<16xf32>,
        tpu.vector_store %arg12[%swap3A], %parallel_loop3A_66#0 {strides = array<i32>} : memref<256xf32, #tpu.memory_space<vmem>>, vector<16xf32>,
        %swap3A_68 = arith.constant 0 : index
        %swap3A_69 = tpu.vector_load %arg13[%swap3A_68] {strides = array<i32>} : memref<256xf32, #tpu.memory_space<vmem>>, vector<16xf32>,
        tpu.vector_store %arg13[%swap3A_68], %parallel_loop3A_66#8 {strides = array<i32>} : memref<256xf32, #tpu.memory_space<vmem>>, vector<16xf32>,
        %swap3A_70 = arith.constant 16 : index
        %swap3A_71 = tpu.vector_load %arg12[%swap3A_70] {strides = array<i32>} : memref<256xf32, #tpu.memory_space<vmem>>, vector<16xf32>,
        tpu.vector_store %arg12[%swap3A_70], %parallel_loop3A_66#1 {strides = array<i32>} : memref<256xf32, #tpu.memory_space<vmem>>, vector<16xf32>,
        %swap3A_72 = arith.constant 16 : index
        %swap3A_73 = tpu.vector_load %arg13[%swap3A_72] {strides = array<i32>} : memref<256xf32, #tpu.memory_space<vmem>>, vector<16xf32>,
        tpu.vector_store %arg13[%swap3A_72], %parallel_loop3A_66#9 {strides = array<i32>} : memref<256xf32, #tpu.memory_space<vmem>>, vector<16xf32>,
        %swap3A_74 = arith.constant 32 : index
        %swap3A_75 = tpu.vector_load %arg12[%swap3A_74] {strides = array<i32>} : memref<256xf32, #tpu.memory_space<vmem>>, vector<16xf32>,
        tpu.vector_store %arg12[%swap3A_74], %parallel_loop3A_66#2 {strides = array<i32>} : memref<256xf32, #tpu.memory_space<vmem>>, vector<16xf32>,
        %swap3A_76 = arith.constant 32 : index
        %swap3A_77 = tpu.vector_load %arg13[%swap3A_76] {strides = array<i32>} : memref<256xf32, #tpu.memory_space<vmem>>, vector<16xf32>,
        tpu.vector_store %arg13[%swap3A_76], %parallel_loop3A_66#10 {strides = array<i32>} : memref<256xf32, #tpu.memory_space<vmem>>, vector<16xf32>,
        %swap3A_78 = arith.constant 48 : index
        %swap3A_79 = tpu.vector_load %arg12[%swap3A_78] {strides = array<i32>} : memref<256xf32, #tpu.memory_space<vmem>>, vector<16xf32>,
        tpu.vector_store %arg12[%swap3A_78], %parallel_loop3A_66#3 {strides = array<i32>} : memref<256xf32, #tpu.memory_space<vmem>>, vector<16xf32>,
        %swap3A_80 = arith.constant 48 : index
        %swap3A_81 = tpu.vector_load %arg13[%swap3A_80] {strides = array<i32>} : memref<256xf32, #tpu.memory_space<vmem>>, vector<16xf32>,
        tpu.vector_store %arg13[%swap3A_80], %parallel_loop3A_66#11 {strides = array<i32>} : memref<256xf32, #tpu.memory_space<vmem>>, vector<16xf32>,
        %swap3A_82 = arith.constant 64 : index
        %swap3A_83 = tpu.vector_load %arg12[%swap3A_82] {strides = array<i32>} : memref<256xf32, #tpu.memory_space<vmem>>, vector<16xf32>,
        tpu.vector_store %arg12[%swap3A_82], %parallel_loop3A_66#4 {strides = array<i32>} : memref<256xf32, #tpu.memory_space<vmem>>, vector<16xf32>,
        %swap3A_84 = arith.constant 64 : index
        %swap3A_85 = tpu.vector_load %arg13[%swap3A_84] {strides = array<i32>} : memref<256xf32, #tpu.memory_space<vmem>>, vector<16xf32>,
        tpu.vector_store %arg13[%swap3A_84], %parallel_loop3A_66#12 {strides = array<i32>} : memref<256xf32, #tpu.memory_space<vmem>>, vector<16xf32>,
        %swap3A_86 = arith.constant 80 : index
        %swap3A_87 = tpu.vector_load %arg12[%swap3A_86] {strides = array<i32>} : memref<256xf32, #tpu.memory_space<vmem>>, vector<16xf32>,
        tpu.vector_store %arg12[%swap3A_86], %parallel_loop3A_66#5 {strides = array<i32>} : memref<256xf32, #tpu.memory_space<vmem>>, vector<16xf32>,
        %swap3A_88 = arith.constant 80 : index
        %swap3A_89 = tpu.vector_load %arg13[%swap3A_88] {strides = array<i32>} : memref<256xf32, #tpu.memory_space<vmem>>, vector<16xf32>,
        tpu.vector_store %arg13[%swap3A_88], %parallel_loop3A_66#13 {strides = array<i32>} : memref<256xf32, #tpu.memory_space<vmem>>, vector<16xf32>,
        %swap3A_90 = arith.constant 96 : index
        %swap3A_91 = tpu.vector_load %arg12[%swap3A_90] {strides = array<i32>} : memref<256xf32, #tpu.memory_space<vmem>>, vector<16xf32>,
        tpu.vector_store %arg12[%swap3A_90], %parallel_loop3A_66#6 {strides = array<i32>} : memref<256xf32, #tpu.memory_space<vmem>>, vector<16xf32>,
        %swap3A_92 = arith.constant 96 : index
        %swap3A_93 = tpu.vector_load %arg13[%swap3A_92] {strides = array<i32>} : memref<256xf32, #tpu.memory_space<vmem>>, vector<16xf32>,
        tpu.vector_store %arg13[%swap3A_92], %parallel_loop3A_66#14 {strides = array<i32>} : memref<256xf32, #tpu.memory_space<vmem>>, vector<16xf32>,
        %swap3A_94 = arith.constant 112 : index
        %swap3A_95 = tpu.vector_load %arg12[%swap3A_94] {strides = array<i32>} : memref<256xf32, #tpu.memory_space<vmem>>, vector<16xf32>,
        tpu.vector_store %arg12[%swap3A_94], %parallel_loop3A_66#7 {strides = array<i32>} : memref<256xf32, #tpu.memory_space<vmem>>, vector<16xf32>,
        %swap3A_96 = arith.constant 112 : index
        %swap3A_97 = tpu.vector_load %arg13[%swap3A_96] {strides = array<i32>} : memref<256xf32, #tpu.memory_space<vmem>>, vector<16xf32>,
        tpu.vector_store %arg13[%swap3A_96], %parallel_loop3A_66#15 {strides = array<i32>} : memref<256xf32, #tpu.memory_space<vmem>>, vector<16xf32>,
        %parallel_loop3A_98 = arith.constant 0 : i32
        %parallel_loop3A_99 = arith.constant 48 : i32
        %parallel_loop3A_100 = arith.constant 1 : i32
        %parallel_loop3A_101:16 = scf.for %parallel_loop3A_396 = %parallel_loop3A_98 to %parallel_loop3A_99 step %parallel_loop3A_100 iter_args(%parallel_loop3A_397 = %broadcast_in_dim3A_11, %parallel_loop3A_398 = %broadcast_in_dim3A_11, %parallel_loop3A_399 = %broadcast_in_dim3A_11, %parallel_loop3A_400 = %broadcast_in_dim3A_11, %parallel_loop3A_401 = %broadcast_in_dim3A_11, %parallel_loop3A_402 = %broadcast_in_dim3A_11, %parallel_loop3A_403 = %broadcast_in_dim3A_11, %parallel_loop3A_404 = %broadcast_in_dim3A_11, %parallel_loop3A_405 = %broadcast_in_dim3A_11, %parallel_loop3A_406 = %broadcast_in_dim3A_11, %parallel_loop3A_407 = %broadcast_in_dim3A_11, %parallel_loop3A_408 = %broadcast_in_dim3A_11, %parallel_loop3A_409 = %broadcast_in_dim3A_11, %parallel_loop3A_410 = %broadcast_in_dim3A_11, %parallel_loop3A_411 = %broadcast_in_dim3A_11, %parallel_loop3A_412 = %broadcast_in_dim3A_11) -> (vector<16xf32>, vector<16xf32>, vector<16xf32>, vector<16xf32>, vector<16xf32>, vector<16xf32>, vector<16xf32>, vector<16xf32>, vector<16xf32>, vector<16xf32>, vector<16xf32>, vector<16xf32>, vector<16xf32>, vector<16xf32>, vector<16xf32>, vector<16xf32>)  : i32 {
          %parallel_loop3A_413 = arith.constant 16 : i32
          %parallel_loop3A_414 = arith.muli %parallel_loop3A_396, %parallel_loop3A_413 : i32
          %parallel_loop3A_415 = arith.index_cast %parallel_loop3A_414 : i32 to index
          %parallel_loop3A_416 = tpu.vector_load %arg9[%parallel_loop3A_415] {strides = array<i32>} : memref<768xf32, #tpu.memory_space<vmem>>, vector<16xf32>,
          %parallel_loop3A_417 = arith.index_cast %parallel_loop3A_414 : i32 to index
          %parallel_loop3A_418 = tpu.vector_load %arg10[%parallel_loop3A_417] {strides = array<i32>} : memref<768xf32, #tpu.memory_space<vmem>>, vector<16xf32>,
          %parallel_loop3A_419 = arith.constant 8 : i32
          %parallel_loop3A_420 = arith.addi %mul3A_63, %parallel_loop3A_419 : i32
          %parallel_loop3A_421 = arith.constant 0 : i32
          %parallel_loop3A_422 = arith.addi %parallel_loop3A_420, %parallel_loop3A_421 : i32
          %parallel_loop3A_423 = arith.constant 768 : i32
          %parallel_loop3A_424 = arith.muli %parallel_loop3A_422, %parallel_loop3A_423 : i32
          %parallel_loop3A_425 = arith.addi %parallel_loop3A_424, %parallel_loop3A_414 : i32
          %parallel_loop3A_426 = arith.index_cast %parallel_loop3A_425 : i32 to index
          %parallel_loop3A_427 = tpu.vector_load %arg8[%parallel_loop3A_426] {strides = array<i32>} : memref<49152xf32, #tpu.memory_space<vmem>>, vector<16xf32>,
          %parallel_loop3A_428 = tpu.bitcast %parallel_loop3A_427 : vector<16xf32> -> vector<16xi32>
          %parallel_loop3A_429 = arith.constant 32768 : i32
          %parallel_loop3A_430 = vector.broadcast %parallel_loop3A_429 : i32 to vector<16xi32>
          %parallel_loop3A_431 = arith.addi %parallel_loop3A_428, %parallel_loop3A_430 : vector<16xi32>
          %parallel_loop3A_432 = arith.constant -65536 : i32
          %parallel_loop3A_433 = vector.broadcast %parallel_loop3A_432 : i32 to vector<16xi32>
          %parallel_loop3A_434 = arith.andi %parallel_loop3A_431, %parallel_loop3A_433 : vector<16xi32>
          %parallel_loop3A_435 = tpu.bitcast %parallel_loop3A_434 : vector<16xi32> -> vector<16xf32>
          %parallel_loop3A_436 = arith.mulf %parallel_loop3A_435, %parallel_loop3A_416 : vector<16xf32>
          %parallel_loop3A_437 = arith.addf %parallel_loop3A_397, %parallel_loop3A_436 : vector<16xf32>
          %parallel_loop3A_438 = arith.mulf %parallel_loop3A_435, %parallel_loop3A_418 : vector<16xf32>
          %parallel_loop3A_439 = arith.addf %parallel_loop3A_405, %parallel_loop3A_438 : vector<16xf32>
          %parallel_loop3A_440 = arith.constant 8 : i32
          %parallel_loop3A_441 = arith.addi %mul3A_63, %parallel_loop3A_440 : i32
          %parallel_loop3A_442 = arith.constant 1 : i32
          %parallel_loop3A_443 = arith.addi %parallel_loop3A_441, %parallel_loop3A_442 : i32
          %parallel_loop3A_444 = arith.constant 768 : i32
          %parallel_loop3A_445 = arith.muli %parallel_loop3A_443, %parallel_loop3A_444 : i32
          %parallel_loop3A_446 = arith.addi %parallel_loop3A_445, %parallel_loop3A_414 : i32
          %parallel_loop3A_447 = arith.index_cast %parallel_loop3A_446 : i32 to index
          %parallel_loop3A_448 = tpu.vector_load %arg8[%parallel_loop3A_447] {strides = array<i32>} : memref<49152xf32, #tpu.memory_space<vmem>>, vector<16xf32>,
          %parallel_loop3A_449 = tpu.bitcast %parallel_loop3A_448 : vector<16xf32> -> vector<16xi32>
          %parallel_loop3A_450 = arith.constant 32768 : i32
          %parallel_loop3A_451 = vector.broadcast %parallel_loop3A_450 : i32 to vector<16xi32>
          %parallel_loop3A_452 = arith.addi %parallel_loop3A_449, %parallel_loop3A_451 : vector<16xi32>
          %parallel_loop3A_453 = arith.constant -65536 : i32
          %parallel_loop3A_454 = vector.broadcast %parallel_loop3A_453 : i32 to vector<16xi32>
          %parallel_loop3A_455 = arith.andi %parallel_loop3A_452, %parallel_loop3A_454 : vector<16xi32>
          %parallel_loop3A_456 = tpu.bitcast %parallel_loop3A_455 : vector<16xi32> -> vector<16xf32>
          %parallel_loop3A_457 = arith.mulf %parallel_loop3A_456, %parallel_loop3A_416 : vector<16xf32>
          %parallel_loop3A_458 = arith.addf %parallel_loop3A_398, %parallel_loop3A_457 : vector<16xf32>
          %parallel_loop3A_459 = arith.mulf %parallel_loop3A_456, %parallel_loop3A_418 : vector<16xf32>
          %parallel_loop3A_460 = arith.addf %parallel_loop3A_406, %parallel_loop3A_459 : vector<16xf32>
          %parallel_loop3A_461 = arith.constant 8 : i32
          %parallel_loop3A_462 = arith.addi %mul3A_63, %parallel_loop3A_461 : i32
          %parallel_loop3A_463 = arith.constant 2 : i32
          %parallel_loop3A_464 = arith.addi %parallel_loop3A_462, %parallel_loop3A_463 : i32
          %parallel_loop3A_465 = arith.constant 768 : i32
          %parallel_loop3A_466 = arith.muli %parallel_loop3A_464, %parallel_loop3A_465 : i32
          %parallel_loop3A_467 = arith.addi %parallel_loop3A_466, %parallel_loop3A_414 : i32
          %parallel_loop3A_468 = arith.index_cast %parallel_loop3A_467 : i32 to index
          %parallel_loop3A_469 = tpu.vector_load %arg8[%parallel_loop3A_468] {strides = array<i32>} : memref<49152xf32, #tpu.memory_space<vmem>>, vector<16xf32>,
          %parallel_loop3A_470 = tpu.bitcast %parallel_loop3A_469 : vector<16xf32> -> vector<16xi32>
          %parallel_loop3A_471 = arith.constant 32768 : i32
          %parallel_loop3A_472 = vector.broadcast %parallel_loop3A_471 : i32 to vector<16xi32>
          %parallel_loop3A_473 = arith.addi %parallel_loop3A_470, %parallel_loop3A_472 : vector<16xi32>
          %parallel_loop3A_474 = arith.constant -65536 : i32
          %parallel_loop3A_475 = vector.broadcast %parallel_loop3A_474 : i32 to vector<16xi32>
          %parallel_loop3A_476 = arith.andi %parallel_loop3A_473, %parallel_loop3A_475 : vector<16xi32>
          %parallel_loop3A_477 = tpu.bitcast %parallel_loop3A_476 : vector<16xi32> -> vector<16xf32>
          %parallel_loop3A_478 = arith.mulf %parallel_loop3A_477, %parallel_loop3A_416 : vector<16xf32>
          %parallel_loop3A_479 = arith.addf %parallel_loop3A_399, %parallel_loop3A_478 : vector<16xf32>
          %parallel_loop3A_480 = arith.mulf %parallel_loop3A_477, %parallel_loop3A_418 : vector<16xf32>
          %parallel_loop3A_481 = arith.addf %parallel_loop3A_407, %parallel_loop3A_480 : vector<16xf32>
          %parallel_loop3A_482 = arith.constant 8 : i32
          %parallel_loop3A_483 = arith.addi %mul3A_63, %parallel_loop3A_482 : i32
          %parallel_loop3A_484 = arith.constant 3 : i32
          %parallel_loop3A_485 = arith.addi %parallel_loop3A_483, %parallel_loop3A_484 : i32
          %parallel_loop3A_486 = arith.constant 768 : i32
          %parallel_loop3A_487 = arith.muli %parallel_loop3A_485, %parallel_loop3A_486 : i32
          %parallel_loop3A_488 = arith.addi %parallel_loop3A_487, %parallel_loop3A_414 : i32
          %parallel_loop3A_489 = arith.index_cast %parallel_loop3A_488 : i32 to index
          %parallel_loop3A_490 = tpu.vector_load %arg8[%parallel_loop3A_489] {strides = array<i32>} : memref<49152xf32, #tpu.memory_space<vmem>>, vector<16xf32>,
          %parallel_loop3A_491 = tpu.bitcast %parallel_loop3A_490 : vector<16xf32> -> vector<16xi32>
          %parallel_loop3A_492 = arith.constant 32768 : i32
          %parallel_loop3A_493 = vector.broadcast %parallel_loop3A_492 : i32 to vector<16xi32>
          %parallel_loop3A_494 = arith.addi %parallel_loop3A_491, %parallel_loop3A_493 : vector<16xi32>
          %parallel_loop3A_495 = arith.constant -65536 : i32
          %parallel_loop3A_496 = vector.broadcast %parallel_loop3A_495 : i32 to vector<16xi32>
          %parallel_loop3A_497 = arith.andi %parallel_loop3A_494, %parallel_loop3A_496 : vector<16xi32>
          %parallel_loop3A_498 = tpu.bitcast %parallel_loop3A_497 : vector<16xi32> -> vector<16xf32>
          %parallel_loop3A_499 = arith.mulf %parallel_loop3A_498, %parallel_loop3A_416 : vector<16xf32>
          %parallel_loop3A_500 = arith.addf %parallel_loop3A_400, %parallel_loop3A_499 : vector<16xf32>
          %parallel_loop3A_501 = arith.mulf %parallel_loop3A_498, %parallel_loop3A_418 : vector<16xf32>
          %parallel_loop3A_502 = arith.addf %parallel_loop3A_408, %parallel_loop3A_501 : vector<16xf32>
          %parallel_loop3A_503 = arith.constant 8 : i32
          %parallel_loop3A_504 = arith.addi %mul3A_63, %parallel_loop3A_503 : i32
          %parallel_loop3A_505 = arith.constant 4 : i32
          %parallel_loop3A_506 = arith.addi %parallel_loop3A_504, %parallel_loop3A_505 : i32
          %parallel_loop3A_507 = arith.constant 768 : i32
          %parallel_loop3A_508 = arith.muli %parallel_loop3A_506, %parallel_loop3A_507 : i32
          %parallel_loop3A_509 = arith.addi %parallel_loop3A_508, %parallel_loop3A_414 : i32
          %parallel_loop3A_510 = arith.index_cast %parallel_loop3A_509 : i32 to index
          %parallel_loop3A_511 = tpu.vector_load %arg8[%parallel_loop3A_510] {strides = array<i32>} : memref<49152xf32, #tpu.memory_space<vmem>>, vector<16xf32>,
          %parallel_loop3A_512 = tpu.bitcast %parallel_loop3A_511 : vector<16xf32> -> vector<16xi32>
          %parallel_loop3A_513 = arith.constant 32768 : i32
          %parallel_loop3A_514 = vector.broadcast %parallel_loop3A_513 : i32 to vector<16xi32>
          %parallel_loop3A_515 = arith.addi %parallel_loop3A_512, %parallel_loop3A_514 : vector<16xi32>
          %parallel_loop3A_516 = arith.constant -65536 : i32
          %parallel_loop3A_517 = vector.broadcast %parallel_loop3A_516 : i32 to vector<16xi32>
          %parallel_loop3A_518 = arith.andi %parallel_loop3A_515, %parallel_loop3A_517 : vector<16xi32>
          %parallel_loop3A_519 = tpu.bitcast %parallel_loop3A_518 : vector<16xi32> -> vector<16xf32>
          %parallel_loop3A_520 = arith.mulf %parallel_loop3A_519, %parallel_loop3A_416 : vector<16xf32>
          %parallel_loop3A_521 = arith.addf %parallel_loop3A_401, %parallel_loop3A_520 : vector<16xf32>
          %parallel_loop3A_522 = arith.mulf %parallel_loop3A_519, %parallel_loop3A_418 : vector<16xf32>
          %parallel_loop3A_523 = arith.addf %parallel_loop3A_409, %parallel_loop3A_522 : vector<16xf32>
          %parallel_loop3A_524 = arith.constant 8 : i32
          %parallel_loop3A_525 = arith.addi %mul3A_63, %parallel_loop3A_524 : i32
          %parallel_loop3A_526 = arith.constant 5 : i32
          %parallel_loop3A_527 = arith.addi %parallel_loop3A_525, %parallel_loop3A_526 : i32
          %parallel_loop3A_528 = arith.constant 768 : i32
          %parallel_loop3A_529 = arith.muli %parallel_loop3A_527, %parallel_loop3A_528 : i32
          %parallel_loop3A_530 = arith.addi %parallel_loop3A_529, %parallel_loop3A_414 : i32
          %parallel_loop3A_531 = arith.index_cast %parallel_loop3A_530 : i32 to index
          %parallel_loop3A_532 = tpu.vector_load %arg8[%parallel_loop3A_531] {strides = array<i32>} : memref<49152xf32, #tpu.memory_space<vmem>>, vector<16xf32>,
          %parallel_loop3A_533 = tpu.bitcast %parallel_loop3A_532 : vector<16xf32> -> vector<16xi32>
          %parallel_loop3A_534 = arith.constant 32768 : i32
          %parallel_loop3A_535 = vector.broadcast %parallel_loop3A_534 : i32 to vector<16xi32>
          %parallel_loop3A_536 = arith.addi %parallel_loop3A_533, %parallel_loop3A_535 : vector<16xi32>
          %parallel_loop3A_537 = arith.constant -65536 : i32
          %parallel_loop3A_538 = vector.broadcast %parallel_loop3A_537 : i32 to vector<16xi32>
          %parallel_loop3A_539 = arith.andi %parallel_loop3A_536, %parallel_loop3A_538 : vector<16xi32>
          %parallel_loop3A_540 = tpu.bitcast %parallel_loop3A_539 : vector<16xi32> -> vector<16xf32>
          %parallel_loop3A_541 = arith.mulf %parallel_loop3A_540, %parallel_loop3A_416 : vector<16xf32>
          %parallel_loop3A_542 = arith.addf %parallel_loop3A_402, %parallel_loop3A_541 : vector<16xf32>
          %parallel_loop3A_543 = arith.mulf %parallel_loop3A_540, %parallel_loop3A_418 : vector<16xf32>
          %parallel_loop3A_544 = arith.addf %parallel_loop3A_410, %parallel_loop3A_543 : vector<16xf32>
          %parallel_loop3A_545 = arith.constant 8 : i32
          %parallel_loop3A_546 = arith.addi %mul3A_63, %parallel_loop3A_545 : i32
          %parallel_loop3A_547 = arith.constant 6 : i32
          %parallel_loop3A_548 = arith.addi %parallel_loop3A_546, %parallel_loop3A_547 : i32
          %parallel_loop3A_549 = arith.constant 768 : i32
          %parallel_loop3A_550 = arith.muli %parallel_loop3A_548, %parallel_loop3A_549 : i32
          %parallel_loop3A_551 = arith.addi %parallel_loop3A_550, %parallel_loop3A_414 : i32
          %parallel_loop3A_552 = arith.index_cast %parallel_loop3A_551 : i32 to index
          %parallel_loop3A_553 = tpu.vector_load %arg8[%parallel_loop3A_552] {strides = array<i32>} : memref<49152xf32, #tpu.memory_space<vmem>>, vector<16xf32>,
          %parallel_loop3A_554 = tpu.bitcast %parallel_loop3A_553 : vector<16xf32> -> vector<16xi32>
          %parallel_loop3A_555 = arith.constant 32768 : i32
          %parallel_loop3A_556 = vector.broadcast %parallel_loop3A_555 : i32 to vector<16xi32>
          %parallel_loop3A_557 = arith.addi %parallel_loop3A_554, %parallel_loop3A_556 : vector<16xi32>
          %parallel_loop3A_558 = arith.constant -65536 : i32
          %parallel_loop3A_559 = vector.broadcast %parallel_loop3A_558 : i32 to vector<16xi32>
          %parallel_loop3A_560 = arith.andi %parallel_loop3A_557, %parallel_loop3A_559 : vector<16xi32>
          %parallel_loop3A_561 = tpu.bitcast %parallel_loop3A_560 : vector<16xi32> -> vector<16xf32>
          %parallel_loop3A_562 = arith.mulf %parallel_loop3A_561, %parallel_loop3A_416 : vector<16xf32>
          %parallel_loop3A_563 = arith.addf %parallel_loop3A_403, %parallel_loop3A_562 : vector<16xf32>
          %parallel_loop3A_564 = arith.mulf %parallel_loop3A_561, %parallel_loop3A_418 : vector<16xf32>
          %parallel_loop3A_565 = arith.addf %parallel_loop3A_411, %parallel_loop3A_564 : vector<16xf32>
          %parallel_loop3A_566 = arith.constant 8 : i32
          %parallel_loop3A_567 = arith.addi %mul3A_63, %parallel_loop3A_566 : i32
          %parallel_loop3A_568 = arith.constant 7 : i32
          %parallel_loop3A_569 = arith.addi %parallel_loop3A_567, %parallel_loop3A_568 : i32
          %parallel_loop3A_570 = arith.constant 768 : i32
          %parallel_loop3A_571 = arith.muli %parallel_loop3A_569, %parallel_loop3A_570 : i32
          %parallel_loop3A_572 = arith.addi %parallel_loop3A_571, %parallel_loop3A_414 : i32
          %parallel_loop3A_573 = arith.index_cast %parallel_loop3A_572 : i32 to index
          %parallel_loop3A_574 = tpu.vector_load %arg8[%parallel_loop3A_573] {strides = array<i32>} : memref<49152xf32, #tpu.memory_space<vmem>>, vector<16xf32>,
          %parallel_loop3A_575 = tpu.bitcast %parallel_loop3A_574 : vector<16xf32> -> vector<16xi32>
          %parallel_loop3A_576 = arith.constant 32768 : i32
          %parallel_loop3A_577 = vector.broadcast %parallel_loop3A_576 : i32 to vector<16xi32>
          %parallel_loop3A_578 = arith.addi %parallel_loop3A_575, %parallel_loop3A_577 : vector<16xi32>
          %parallel_loop3A_579 = arith.constant -65536 : i32
          %parallel_loop3A_580 = vector.broadcast %parallel_loop3A_579 : i32 to vector<16xi32>
          %parallel_loop3A_581 = arith.andi %parallel_loop3A_578, %parallel_loop3A_580 : vector<16xi32>
          %parallel_loop3A_582 = tpu.bitcast %parallel_loop3A_581 : vector<16xi32> -> vector<16xf32>
          %parallel_loop3A_583 = arith.mulf %parallel_loop3A_582, %parallel_loop3A_416 : vector<16xf32>
          %parallel_loop3A_584 = arith.addf %parallel_loop3A_404, %parallel_loop3A_583 : vector<16xf32>
          %parallel_loop3A_585 = arith.mulf %parallel_loop3A_582, %parallel_loop3A_418 : vector<16xf32>
          %parallel_loop3A_586 = arith.addf %parallel_loop3A_412, %parallel_loop3A_585 : vector<16xf32>
          scf.yield %parallel_loop3A_437, %parallel_loop3A_458, %parallel_loop3A_479, %parallel_loop3A_500, %parallel_loop3A_521, %parallel_loop3A_542, %parallel_loop3A_563, %parallel_loop3A_584, %parallel_loop3A_439, %parallel_loop3A_460, %parallel_loop3A_481, %parallel_loop3A_502, %parallel_loop3A_523, %parallel_loop3A_544, %parallel_loop3A_565, %parallel_loop3A_586 : vector<16xf32>, vector<16xf32>, vector<16xf32>, vector<16xf32>, vector<16xf32>, vector<16xf32>, vector<16xf32>, vector<16xf32>, vector<16xf32>, vector<16xf32>, vector<16xf32>, vector<16xf32>, vector<16xf32>, vector<16xf32>, vector<16xf32>, vector<16xf32>
        } {sc.loop_unroll_factor = 2 : i64, sc.parallel_access}
        %swap3A_102 = arith.constant 128 : index
        %swap3A_103 = tpu.vector_load %arg12[%swap3A_102] {strides = array<i32>} : memref<256xf32, #tpu.memory_space<vmem>>, vector<16xf32>,
        tpu.vector_store %arg12[%swap3A_102], %parallel_loop3A_101#0 {strides = array<i32>} : memref<256xf32, #tpu.memory_space<vmem>>, vector<16xf32>,
        %swap3A_104 = arith.constant 128 : index
        %swap3A_105 = tpu.vector_load %arg13[%swap3A_104] {strides = array<i32>} : memref<256xf32, #tpu.memory_space<vmem>>, vector<16xf32>,
        tpu.vector_store %arg13[%swap3A_104], %parallel_loop3A_101#8 {strides = array<i32>} : memref<256xf32, #tpu.memory_space<vmem>>, vector<16xf32>,
        %swap3A_106 = arith.constant 144 : index
        %swap3A_107 = tpu.vector_load %arg12[%swap3A_106] {strides = array<i32>} : memref<256xf32, #tpu.memory_space<vmem>>, vector<16xf32>,
        tpu.vector_store %arg12[%swap3A_106], %parallel_loop3A_101#1 {strides = array<i32>} : memref<256xf32, #tpu.memory_space<vmem>>, vector<16xf32>,
        %swap3A_108 = arith.constant 144 : index
        %swap3A_109 = tpu.vector_load %arg13[%swap3A_108] {strides = array<i32>} : memref<256xf32, #tpu.memory_space<vmem>>, vector<16xf32>,
        tpu.vector_store %arg13[%swap3A_108], %parallel_loop3A_101#9 {strides = array<i32>} : memref<256xf32, #tpu.memory_space<vmem>>, vector<16xf32>,
        %swap3A_110 = arith.constant 160 : index
        %swap3A_111 = tpu.vector_load %arg12[%swap3A_110] {strides = array<i32>} : memref<256xf32, #tpu.memory_space<vmem>>, vector<16xf32>,
        tpu.vector_store %arg12[%swap3A_110], %parallel_loop3A_101#2 {strides = array<i32>} : memref<256xf32, #tpu.memory_space<vmem>>, vector<16xf32>,
        %swap3A_112 = arith.constant 160 : index
        %swap3A_113 = tpu.vector_load %arg13[%swap3A_112] {strides = array<i32>} : memref<256xf32, #tpu.memory_space<vmem>>, vector<16xf32>,
        tpu.vector_store %arg13[%swap3A_112], %parallel_loop3A_101#10 {strides = array<i32>} : memref<256xf32, #tpu.memory_space<vmem>>, vector<16xf32>,
        %swap3A_114 = arith.constant 176 : index
        %swap3A_115 = tpu.vector_load %arg12[%swap3A_114] {strides = array<i32>} : memref<256xf32, #tpu.memory_space<vmem>>, vector<16xf32>,
        tpu.vector_store %arg12[%swap3A_114], %parallel_loop3A_101#3 {strides = array<i32>} : memref<256xf32, #tpu.memory_space<vmem>>, vector<16xf32>,
        %swap3A_116 = arith.constant 176 : index
        %swap3A_117 = tpu.vector_load %arg13[%swap3A_116] {strides = array<i32>} : memref<256xf32, #tpu.memory_space<vmem>>, vector<16xf32>,
        tpu.vector_store %arg13[%swap3A_116], %parallel_loop3A_101#11 {strides = array<i32>} : memref<256xf32, #tpu.memory_space<vmem>>, vector<16xf32>,
        %swap3A_118 = arith.constant 192 : index
        %swap3A_119 = tpu.vector_load %arg12[%swap3A_118] {strides = array<i32>} : memref<256xf32, #tpu.memory_space<vmem>>, vector<16xf32>,
        tpu.vector_store %arg12[%swap3A_118], %parallel_loop3A_101#4 {strides = array<i32>} : memref<256xf32, #tpu.memory_space<vmem>>, vector<16xf32>,
        %swap3A_120 = arith.constant 192 : index
        %swap3A_121 = tpu.vector_load %arg13[%swap3A_120] {strides = array<i32>} : memref<256xf32, #tpu.memory_space<vmem>>, vector<16xf32>,
        tpu.vector_store %arg13[%swap3A_120], %parallel_loop3A_101#12 {strides = array<i32>} : memref<256xf32, #tpu.memory_space<vmem>>, vector<16xf32>,
        %swap3A_122 = arith.constant 208 : index
        %swap3A_123 = tpu.vector_load %arg12[%swap3A_122] {strides = array<i32>} : memref<256xf32, #tpu.memory_space<vmem>>, vector<16xf32>,
        tpu.vector_store %arg12[%swap3A_122], %parallel_loop3A_101#5 {strides = array<i32>} : memref<256xf32, #tpu.memory_space<vmem>>, vector<16xf32>,
        %swap3A_124 = arith.constant 208 : index
        %swap3A_125 = tpu.vector_load %arg13[%swap3A_124] {strides = array<i32>} : memref<256xf32, #tpu.memory_space<vmem>>, vector<16xf32>,
        tpu.vector_store %arg13[%swap3A_124], %parallel_loop3A_101#13 {strides = array<i32>} : memref<256xf32, #tpu.memory_space<vmem>>, vector<16xf32>,
        %swap3A_126 = arith.constant 224 : index
        %swap3A_127 = tpu.vector_load %arg12[%swap3A_126] {strides = array<i32>} : memref<256xf32, #tpu.memory_space<vmem>>, vector<16xf32>,
        tpu.vector_store %arg12[%swap3A_126], %parallel_loop3A_101#6 {strides = array<i32>} : memref<256xf32, #tpu.memory_space<vmem>>, vector<16xf32>,
        %swap3A_128 = arith.constant 224 : index
        %swap3A_129 = tpu.vector_load %arg13[%swap3A_128] {strides = array<i32>} : memref<256xf32, #tpu.memory_space<vmem>>, vector<16xf32>,
        tpu.vector_store %arg13[%swap3A_128], %parallel_loop3A_101#14 {strides = array<i32>} : memref<256xf32, #tpu.memory_space<vmem>>, vector<16xf32>,
        %swap3A_130 = arith.constant 240 : index
        %swap3A_131 = tpu.vector_load %arg12[%swap3A_130] {strides = array<i32>} : memref<256xf32, #tpu.memory_space<vmem>>, vector<16xf32>,
        tpu.vector_store %arg12[%swap3A_130], %parallel_loop3A_101#7 {strides = array<i32>} : memref<256xf32, #tpu.memory_space<vmem>>, vector<16xf32>,
        %swap3A_132 = arith.constant 240 : index
        %swap3A_133 = tpu.vector_load %arg13[%swap3A_132] {strides = array<i32>} : memref<256xf32, #tpu.memory_space<vmem>>, vector<16xf32>,
        tpu.vector_store %arg13[%swap3A_132], %parallel_loop3A_101#15 {strides = array<i32>} : memref<256xf32, #tpu.memory_space<vmem>>, vector<16xf32>,
        %add3A_134 = arith.constant 0 : i32
        %add3A_135 = vector.broadcast %add3A_134 : i32 to vector<16xi32>
        %add3A_136 = arith.addi %mul3A_10, %add3A_135 : vector<16xi32>
        %gather3A = tpu.vector_load_idx %arg12[%add3A_136] : memref<256xf32, #tpu.memory_space<vmem>>[vector<16xi32>], vector<16xf32>,
        %add3A_137 = arith.addf %broadcast_in_dim3A_11, %gather3A : vector<16xf32>
        %gather3A_138 = tpu.vector_load_idx %arg13[%add3A_136] : memref<256xf32, #tpu.memory_space<vmem>>[vector<16xi32>], vector<16xf32>,
        %add3A_139 = arith.addf %broadcast_in_dim3A_11, %gather3A_138 : vector<16xf32>
        %add3A_140 = arith.constant 1 : i32
        %add3A_141 = vector.broadcast %add3A_140 : i32 to vector<16xi32>
        %add3A_142 = arith.addi %mul3A_10, %add3A_141 : vector<16xi32>
        %gather3A_143 = tpu.vector_load_idx %arg12[%add3A_142] : memref<256xf32, #tpu.memory_space<vmem>>[vector<16xi32>], vector<16xf32>,
        %add3A_144 = arith.addf %add3A_137, %gather3A_143 : vector<16xf32>
        %gather3A_145 = tpu.vector_load_idx %arg13[%add3A_142] : memref<256xf32, #tpu.memory_space<vmem>>[vector<16xi32>], vector<16xf32>,
        %add3A_146 = arith.addf %add3A_139, %gather3A_145 : vector<16xf32>
        %add3A_147 = arith.constant 2 : i32
        %add3A_148 = vector.broadcast %add3A_147 : i32 to vector<16xi32>
        %add3A_149 = arith.addi %mul3A_10, %add3A_148 : vector<16xi32>
        %gather3A_150 = tpu.vector_load_idx %arg12[%add3A_149] : memref<256xf32, #tpu.memory_space<vmem>>[vector<16xi32>], vector<16xf32>,
        %add3A_151 = arith.addf %add3A_144, %gather3A_150 : vector<16xf32>
        %gather3A_152 = tpu.vector_load_idx %arg13[%add3A_149] : memref<256xf32, #tpu.memory_space<vmem>>[vector<16xi32>], vector<16xf32>,
        %add3A_153 = arith.addf %add3A_146, %gather3A_152 : vector<16xf32>
        %add3A_154 = arith.constant 3 : i32
        %add3A_155 = vector.broadcast %add3A_154 : i32 to vector<16xi32>
        %add3A_156 = arith.addi %mul3A_10, %add3A_155 : vector<16xi32>
        %gather3A_157 = tpu.vector_load_idx %arg12[%add3A_156] : memref<256xf32, #tpu.memory_space<vmem>>[vector<16xi32>], vector<16xf32>,
        %add3A_158 = arith.addf %add3A_151, %gather3A_157 : vector<16xf32>
        %gather3A_159 = tpu.vector_load_idx %arg13[%add3A_156] : memref<256xf32, #tpu.memory_space<vmem>>[vector<16xi32>], vector<16xf32>,
        %add3A_160 = arith.addf %add3A_153, %gather3A_159 : vector<16xf32>
        %add3A_161 = arith.constant 4 : i32
        %add3A_162 = vector.broadcast %add3A_161 : i32 to vector<16xi32>
        %add3A_163 = arith.addi %mul3A_10, %add3A_162 : vector<16xi32>
        %gather3A_164 = tpu.vector_load_idx %arg12[%add3A_163] : memref<256xf32, #tpu.memory_space<vmem>>[vector<16xi32>], vector<16xf32>,
        %add3A_165 = arith.addf %add3A_158, %gather3A_164 : vector<16xf32>
        %gather3A_166 = tpu.vector_load_idx %arg13[%add3A_163] : memref<256xf32, #tpu.memory_space<vmem>>[vector<16xi32>], vector<16xf32>,
        %add3A_167 = arith.addf %add3A_160, %gather3A_166 : vector<16xf32>
        %add3A_168 = arith.constant 5 : i32
        %add3A_169 = vector.broadcast %add3A_168 : i32 to vector<16xi32>
        %add3A_170 = arith.addi %mul3A_10, %add3A_169 : vector<16xi32>
        %gather3A_171 = tpu.vector_load_idx %arg12[%add3A_170] : memref<256xf32, #tpu.memory_space<vmem>>[vector<16xi32>], vector<16xf32>,
        %add3A_172 = arith.addf %add3A_165, %gather3A_171 : vector<16xf32>
        %gather3A_173 = tpu.vector_load_idx %arg13[%add3A_170] : memref<256xf32, #tpu.memory_space<vmem>>[vector<16xi32>], vector<16xf32>,
        %add3A_174 = arith.addf %add3A_167, %gather3A_173 : vector<16xf32>
        %add3A_175 = arith.constant 6 : i32
        %add3A_176 = vector.broadcast %add3A_175 : i32 to vector<16xi32>
        %add3A_177 = arith.addi %mul3A_10, %add3A_176 : vector<16xi32>
        %gather3A_178 = tpu.vector_load_idx %arg12[%add3A_177] : memref<256xf32, #tpu.memory_space<vmem>>[vector<16xi32>], vector<16xf32>,
        %add3A_179 = arith.addf %add3A_172, %gather3A_178 : vector<16xf32>
        %gather3A_180 = tpu.vector_load_idx %arg13[%add3A_177] : memref<256xf32, #tpu.memory_space<vmem>>[vector<16xi32>], vector<16xf32>,
        %add3A_181 = arith.addf %add3A_174, %gather3A_180 : vector<16xf32>
        %add3A_182 = arith.constant 7 : i32
        %add3A_183 = vector.broadcast %add3A_182 : i32 to vector<16xi32>
        %add3A_184 = arith.addi %mul3A_10, %add3A_183 : vector<16xi32>
        %gather3A_185 = tpu.vector_load_idx %arg12[%add3A_184] : memref<256xf32, #tpu.memory_space<vmem>>[vector<16xi32>], vector<16xf32>,
        %add3A_186 = arith.addf %add3A_179, %gather3A_185 : vector<16xf32>
        %gather3A_187 = tpu.vector_load_idx %arg13[%add3A_184] : memref<256xf32, #tpu.memory_space<vmem>>[vector<16xi32>], vector<16xf32>,
        %add3A_188 = arith.addf %add3A_181, %gather3A_187 : vector<16xf32>
        %add3A_189 = arith.constant 8 : i32
        %add3A_190 = vector.broadcast %add3A_189 : i32 to vector<16xi32>
        %add3A_191 = arith.addi %mul3A_10, %add3A_190 : vector<16xi32>
        %gather3A_192 = tpu.vector_load_idx %arg12[%add3A_191] : memref<256xf32, #tpu.memory_space<vmem>>[vector<16xi32>], vector<16xf32>,
        %add3A_193 = arith.addf %add3A_186, %gather3A_192 : vector<16xf32>
        %gather3A_194 = tpu.vector_load_idx %arg13[%add3A_191] : memref<256xf32, #tpu.memory_space<vmem>>[vector<16xi32>], vector<16xf32>,
        %add3A_195 = arith.addf %add3A_188, %gather3A_194 : vector<16xf32>
        %add3A_196 = arith.constant 9 : i32
        %add3A_197 = vector.broadcast %add3A_196 : i32 to vector<16xi32>
        %add3A_198 = arith.addi %mul3A_10, %add3A_197 : vector<16xi32>
        %gather3A_199 = tpu.vector_load_idx %arg12[%add3A_198] : memref<256xf32, #tpu.memory_space<vmem>>[vector<16xi32>], vector<16xf32>,
        %add3A_200 = arith.addf %add3A_193, %gather3A_199 : vector<16xf32>
        %gather3A_201 = tpu.vector_load_idx %arg13[%add3A_198] : memref<256xf32, #tpu.memory_space<vmem>>[vector<16xi32>], vector<16xf32>,
        %add3A_202 = arith.addf %add3A_195, %gather3A_201 : vector<16xf32>
        %add3A_203 = arith.constant 10 : i32
        %add3A_204 = vector.broadcast %add3A_203 : i32 to vector<16xi32>
        %add3A_205 = arith.addi %mul3A_10, %add3A_204 : vector<16xi32>
        %gather3A_206 = tpu.vector_load_idx %arg12[%add3A_205] : memref<256xf32, #tpu.memory_space<vmem>>[vector<16xi32>], vector<16xf32>,
        %add3A_207 = arith.addf %add3A_200, %gather3A_206 : vector<16xf32>
        %gather3A_208 = tpu.vector_load_idx %arg13[%add3A_205] : memref<256xf32, #tpu.memory_space<vmem>>[vector<16xi32>], vector<16xf32>,
        %add3A_209 = arith.addf %add3A_202, %gather3A_208 : vector<16xf32>
        %add3A_210 = arith.constant 11 : i32
        %add3A_211 = vector.broadcast %add3A_210 : i32 to vector<16xi32>
        %add3A_212 = arith.addi %mul3A_10, %add3A_211 : vector<16xi32>
        %gather3A_213 = tpu.vector_load_idx %arg12[%add3A_212] : memref<256xf32, #tpu.memory_space<vmem>>[vector<16xi32>], vector<16xf32>,
        %add3A_214 = arith.addf %add3A_207, %gather3A_213 : vector<16xf32>
        %gather3A_215 = tpu.vector_load_idx %arg13[%add3A_212] : memref<256xf32, #tpu.memory_space<vmem>>[vector<16xi32>], vector<16xf32>,
        %add3A_216 = arith.addf %add3A_209, %gather3A_215 : vector<16xf32>
        %add3A_217 = arith.constant 12 : i32
        %add3A_218 = vector.broadcast %add3A_217 : i32 to vector<16xi32>
        %add3A_219 = arith.addi %mul3A_10, %add3A_218 : vector<16xi32>
        %gather3A_220 = tpu.vector_load_idx %arg12[%add3A_219] : memref<256xf32, #tpu.memory_space<vmem>>[vector<16xi32>], vector<16xf32>,
        %add3A_221 = arith.addf %add3A_214, %gather3A_220 : vector<16xf32>
        %gather3A_222 = tpu.vector_load_idx %arg13[%add3A_219] : memref<256xf32, #tpu.memory_space<vmem>>[vector<16xi32>], vector<16xf32>,
        %add3A_223 = arith.addf %add3A_216, %gather3A_222 : vector<16xf32>
        %add3A_224 = arith.constant 13 : i32
        %add3A_225 = vector.broadcast %add3A_224 : i32 to vector<16xi32>
        %add3A_226 = arith.addi %mul3A_10, %add3A_225 : vector<16xi32>
        %gather3A_227 = tpu.vector_load_idx %arg12[%add3A_226] : memref<256xf32, #tpu.memory_space<vmem>>[vector<16xi32>], vector<16xf32>,
        %add3A_228 = arith.addf %add3A_221, %gather3A_227 : vector<16xf32>
        %gather3A_229 = tpu.vector_load_idx %arg13[%add3A_226] : memref<256xf32, #tpu.memory_space<vmem>>[vector<16xi32>], vector<16xf32>,
        %add3A_230 = arith.addf %add3A_223, %gather3A_229 : vector<16xf32>
        %add3A_231 = arith.constant 14 : i32
        %add3A_232 = vector.broadcast %add3A_231 : i32 to vector<16xi32>
        %add3A_233 = arith.addi %mul3A_10, %add3A_232 : vector<16xi32>
        %gather3A_234 = tpu.vector_load_idx %arg12[%add3A_233] : memref<256xf32, #tpu.memory_space<vmem>>[vector<16xi32>], vector<16xf32>,
        %add3A_235 = arith.addf %add3A_228, %gather3A_234 : vector<16xf32>
        %gather3A_236 = tpu.vector_load_idx %arg13[%add3A_233] : memref<256xf32, #tpu.memory_space<vmem>>[vector<16xi32>], vector<16xf32>,
        %add3A_237 = arith.addf %add3A_230, %gather3A_236 : vector<16xf32>
        %add3A_238 = arith.constant 15 : i32
        %add3A_239 = vector.broadcast %add3A_238 : i32 to vector<16xi32>
        %add3A_240 = arith.addi %mul3A_10, %add3A_239 : vector<16xi32>
        %gather3A_241 = tpu.vector_load_idx %arg12[%add3A_240] : memref<256xf32, #tpu.memory_space<vmem>>[vector<16xi32>], vector<16xf32>,
        %add3A_242 = arith.addf %add3A_235, %gather3A_241 : vector<16xf32>
        %gather3A_243 = tpu.vector_load_idx %arg13[%add3A_240] : memref<256xf32, #tpu.memory_space<vmem>>[vector<16xi32>], vector<16xf32>,
        %add3A_244 = arith.addf %add3A_237, %gather3A_243 : vector<16xf32>
        %jit3A = arith.constant -8.700000e+01 : f32
        %jit3A_245 = arith.constant 8.700000e+01 : f32
        %max3A = vector.broadcast %jit3A : f32 to vector<16xf32>
        %max3A_246 = arith.maximumf %max3A, %add3A_242 : vector<16xf32>
        %min3A = vector.broadcast %jit3A_245 : f32 to vector<16xf32>
        %min3A_247 = arith.minimumf %min3A, %max3A_246 : vector<16xf32>
        %mul3A_248 = arith.constant -1.44269502 : f32
        %mul3A_249 = vector.broadcast %mul3A_248 : f32 to vector<16xf32>
        %mul3A_250 = arith.mulf %min3A_247, %mul3A_249 : vector<16xf32>
        %add3A_251 = arith.constant 1.925000e+02 : f32
        %add3A_252 = vector.broadcast %add3A_251 : f32 to vector<16xf32>
        %add3A_253 = arith.addf %mul3A_250, %add3A_252 : vector<16xf32>
        %convert_element_type3A_254 = arith.fptosi %add3A_253 : vector<16xf32> to vector<16xi32>
        %sub3A = arith.constant 192 : i32
        %sub3A_255 = vector.broadcast %sub3A : i32 to vector<16xi32>
        %sub3A_256 = arith.subi %convert_element_type3A_254, %sub3A_255 : vector<16xi32>
        %convert_element_type3A_257 = arith.sitofp %sub3A_256 : vector<16xi32> to vector<16xf32>
        %sub3A_258 = arith.subf %mul3A_250, %convert_element_type3A_257 : vector<16xf32>
        %mul3A_259 = arith.constant 0.693147182 : f32
        %mul3A_260 = vector.broadcast %mul3A_259 : f32 to vector<16xf32>
        %mul3A_261 = arith.mulf %sub3A_258, %mul3A_260 : vector<16xf32>
        %broadcast_in_dim3A_262 = arith.constant 1.98412701E-4 : f32
        %broadcast_in_dim3A_263 = vector.broadcast %broadcast_in_dim3A_262 : f32 to vector<16xf32>
        %mul3A_264 = arith.mulf %broadcast_in_dim3A_263, %mul3A_261 : vector<16xf32>
        %add3A_265 = arith.constant 0.00138888892 : f32
        %add3A_266 = vector.broadcast %add3A_265 : f32 to vector<16xf32>
        %add3A_267 = arith.addf %mul3A_264, %add3A_266 : vector<16xf32>
        %mul3A_268 = arith.mulf %add3A_267, %mul3A_261 : vector<16xf32>
        %add3A_269 = arith.constant 0.00833333377 : f32
        %add3A_270 = vector.broadcast %add3A_269 : f32 to vector<16xf32>
        %add3A_271 = arith.addf %mul3A_268, %add3A_270 : vector<16xf32>
        %mul3A_272 = arith.mulf %add3A_271, %mul3A_261 : vector<16xf32>
        %add3A_273 = arith.constant 0.0416666679 : f32
        %add3A_274 = vector.broadcast %add3A_273 : f32 to vector<16xf32>
        %add3A_275 = arith.addf %mul3A_272, %add3A_274 : vector<16xf32>
        %mul3A_276 = arith.mulf %add3A_275, %mul3A_261 : vector<16xf32>
        %add3A_277 = arith.constant 0.166666672 : f32
        %add3A_278 = vector.broadcast %add3A_277 : f32 to vector<16xf32>
        %add3A_279 = arith.addf %mul3A_276, %add3A_278 : vector<16xf32>
        %mul3A_280 = arith.mulf %add3A_279, %mul3A_261 : vector<16xf32>
        %add3A_281 = arith.constant 5.000000e-01 : f32
        %add3A_282 = vector.broadcast %add3A_281 : f32 to vector<16xf32>
        %add3A_283 = arith.addf %mul3A_280, %add3A_282 : vector<16xf32>
        %mul3A_284 = arith.mulf %add3A_283, %mul3A_261 : vector<16xf32>
        %add3A_285 = arith.constant 1.000000e+00 : f32
        %add3A_286 = vector.broadcast %add3A_285 : f32 to vector<16xf32>
        %add3A_287 = arith.addf %mul3A_284, %add3A_286 : vector<16xf32>
        %mul3A_288 = arith.mulf %add3A_287, %mul3A_261 : vector<16xf32>
        %add3A_289 = arith.constant 1.000000e+00 : f32
        %add3A_290 = vector.broadcast %add3A_289 : f32 to vector<16xf32>
        %add3A_291 = arith.addf %mul3A_288, %add3A_290 : vector<16xf32>
        %add3A_292 = arith.constant 127 : i32
        %add3A_293 = vector.broadcast %add3A_292 : i32 to vector<16xi32>
        %add3A_294 = arith.addi %sub3A_256, %add3A_293 : vector<16xi32>
        %shift_left3A = arith.constant 23 : i32
        %shift_left3A_295 = vector.broadcast %shift_left3A : i32 to vector<16xi32>
        %shift_left3A_296 = arith.shli %add3A_294, %shift_left3A_295 : vector<16xi32>
        %bitcast_convert_type3A = tpu.bitcast %shift_left3A_296 : vector<16xi32> -> vector<16xf32>
        %mul3A_297 = arith.mulf %bitcast_convert_type3A, %add3A_291 : vector<16xf32>
        %add3A_298 = arith.constant 1.000000e+00 : f32
        %add3A_299 = vector.broadcast %add3A_298 : f32 to vector<16xf32>
        %add3A_300 = arith.addf %add3A_299, %mul3A_297 : vector<16xf32>
        %div3A = arith.constant 1.000000e+00 : f32
        %div3A_301 = vector.broadcast %div3A : f32 to vector<16xf32>
        %div3A_302 = arith.divf %div3A_301, %add3A_300 : vector<16xf32>
        %mul3A_303 = arith.mulf %add3A_300, %div3A_302 : vector<16xf32>
        %sub3A_304 = arith.constant 2.000000e+00 : f32
        %sub3A_305 = vector.broadcast %sub3A_304 : f32 to vector<16xf32>
        %sub3A_306 = arith.subf %sub3A_305, %mul3A_303 : vector<16xf32>
        %mul3A_307 = arith.mulf %div3A_302, %sub3A_306 : vector<16xf32>
        %mul3A_308 = arith.mulf %add3A_300, %mul3A_307 : vector<16xf32>
        %sub3A_309 = arith.constant 2.000000e+00 : f32
        %sub3A_310 = vector.broadcast %sub3A_309 : f32 to vector<16xf32>
        %sub3A_311 = arith.subf %sub3A_310, %mul3A_308 : vector<16xf32>
        %mul3A_312 = arith.mulf %mul3A_307, %sub3A_311 : vector<16xf32>
        %add3A_313 = arith.addf %mul3A_312, %get3A_5 : vector<16xf32>
        %jit3A_314 = arith.constant -8.700000e+01 : f32
        %jit3A_315 = arith.constant 8.700000e+01 : f32
        %max3A_316 = vector.broadcast %jit3A_314 : f32 to vector<16xf32>
        %max3A_317 = arith.maximumf %max3A_316, %add3A_244 : vector<16xf32>
        %min3A_318 = vector.broadcast %jit3A_315 : f32 to vector<16xf32>
        %min3A_319 = arith.minimumf %min3A_318, %max3A_317 : vector<16xf32>
        %mul3A_320 = arith.constant -1.44269502 : f32
        %mul3A_321 = vector.broadcast %mul3A_320 : f32 to vector<16xf32>
        %mul3A_322 = arith.mulf %min3A_319, %mul3A_321 : vector<16xf32>
        %add3A_323 = arith.constant 1.925000e+02 : f32
        %add3A_324 = vector.broadcast %add3A_323 : f32 to vector<16xf32>
        %add3A_325 = arith.addf %mul3A_322, %add3A_324 : vector<16xf32>
        %convert_element_type3A_326 = arith.fptosi %add3A_325 : vector<16xf32> to vector<16xi32>
        %sub3A_327 = arith.constant 192 : i32
        %sub3A_328 = vector.broadcast %sub3A_327 : i32 to vector<16xi32>
        %sub3A_329 = arith.subi %convert_element_type3A_326, %sub3A_328 : vector<16xi32>
        %convert_element_type3A_330 = arith.sitofp %sub3A_329 : vector<16xi32> to vector<16xf32>
        %sub3A_331 = arith.subf %mul3A_322, %convert_element_type3A_330 : vector<16xf32>
        %mul3A_332 = arith.constant 0.693147182 : f32
        %mul3A_333 = vector.broadcast %mul3A_332 : f32 to vector<16xf32>
        %mul3A_334 = arith.mulf %sub3A_331, %mul3A_333 : vector<16xf32>
        %broadcast_in_dim3A_335 = arith.constant 1.98412701E-4 : f32
        %broadcast_in_dim3A_336 = vector.broadcast %broadcast_in_dim3A_335 : f32 to vector<16xf32>
        %mul3A_337 = arith.mulf %broadcast_in_dim3A_336, %mul3A_334 : vector<16xf32>
        %add3A_338 = arith.constant 0.00138888892 : f32
        %add3A_339 = vector.broadcast %add3A_338 : f32 to vector<16xf32>
        %add3A_340 = arith.addf %mul3A_337, %add3A_339 : vector<16xf32>
        %mul3A_341 = arith.mulf %add3A_340, %mul3A_334 : vector<16xf32>
        %add3A_342 = arith.constant 0.00833333377 : f32
        %add3A_343 = vector.broadcast %add3A_342 : f32 to vector<16xf32>
        %add3A_344 = arith.addf %mul3A_341, %add3A_343 : vector<16xf32>
        %mul3A_345 = arith.mulf %add3A_344, %mul3A_334 : vector<16xf32>
        %add3A_346 = arith.constant 0.0416666679 : f32
        %add3A_347 = vector.broadcast %add3A_346 : f32 to vector<16xf32>
        %add3A_348 = arith.addf %mul3A_345, %add3A_347 : vector<16xf32>
        %mul3A_349 = arith.mulf %add3A_348, %mul3A_334 : vector<16xf32>
        %add3A_350 = arith.constant 0.166666672 : f32
        %add3A_351 = vector.broadcast %add3A_350 : f32 to vector<16xf32>
        %add3A_352 = arith.addf %mul3A_349, %add3A_351 : vector<16xf32>
        %mul3A_353 = arith.mulf %add3A_352, %mul3A_334 : vector<16xf32>
        %add3A_354 = arith.constant 5.000000e-01 : f32
        %add3A_355 = vector.broadcast %add3A_354 : f32 to vector<16xf32>
        %add3A_356 = arith.addf %mul3A_353, %add3A_355 : vector<16xf32>
        %mul3A_357 = arith.mulf %add3A_356, %mul3A_334 : vector<16xf32>
        %add3A_358 = arith.constant 1.000000e+00 : f32
        %add3A_359 = vector.broadcast %add3A_358 : f32 to vector<16xf32>
        %add3A_360 = arith.addf %mul3A_357, %add3A_359 : vector<16xf32>
        %mul3A_361 = arith.mulf %add3A_360, %mul3A_334 : vector<16xf32>
        %add3A_362 = arith.constant 1.000000e+00 : f32
        %add3A_363 = vector.broadcast %add3A_362 : f32 to vector<16xf32>
        %add3A_364 = arith.addf %mul3A_361, %add3A_363 : vector<16xf32>
        %add3A_365 = arith.constant 127 : i32
        %add3A_366 = vector.broadcast %add3A_365 : i32 to vector<16xi32>
        %add3A_367 = arith.addi %sub3A_329, %add3A_366 : vector<16xi32>
        %shift_left3A_368 = arith.constant 23 : i32
        %shift_left3A_369 = vector.broadcast %shift_left3A_368 : i32 to vector<16xi32>
        %shift_left3A_370 = arith.shli %add3A_367, %shift_left3A_369 : vector<16xi32>
        %bitcast_convert_type3A_371 = tpu.bitcast %shift_left3A_370 : vector<16xi32> -> vector<16xf32>
        %mul3A_372 = arith.mulf %bitcast_convert_type3A_371, %add3A_364 : vector<16xf32>
        %add3A_373 = arith.constant 1.000000e+00 : f32
        %add3A_374 = vector.broadcast %add3A_373 : f32 to vector<16xf32>
        %add3A_375 = arith.addf %add3A_374, %mul3A_372 : vector<16xf32>
        %div3A_376 = arith.constant 1.000000e+00 : f32
        %div3A_377 = vector.broadcast %div3A_376 : f32 to vector<16xf32>
        %div3A_378 = arith.divf %div3A_377, %add3A_375 : vector<16xf32>
        %mul3A_379 = arith.mulf %add3A_375, %div3A_378 : vector<16xf32>
        %sub3A_380 = arith.constant 2.000000e+00 : f32
        %sub3A_381 = vector.broadcast %sub3A_380 : f32 to vector<16xf32>
        %sub3A_382 = arith.subf %sub3A_381, %mul3A_379 : vector<16xf32>
        %mul3A_383 = arith.mulf %div3A_378, %sub3A_382 : vector<16xf32>
        %mul3A_384 = arith.mulf %add3A_375, %mul3A_383 : vector<16xf32>
        %sub3A_385 = arith.constant 2.000000e+00 : f32
        %sub3A_386 = vector.broadcast %sub3A_385 : f32 to vector<16xf32>
        %sub3A_387 = arith.subf %sub3A_386, %mul3A_384 : vector<16xf32>
        %mul3A_388 = arith.mulf %mul3A_383, %sub3A_387 : vector<16xf32>
        %add3A_389 = arith.addf %mul3A_388, %get3A_7 : vector<16xf32>
        %gt3A = arith.cmpf ogt, %add3A_389, %add3A_313 : vector<16xf32>
        %convert_element_type3A_390 = arith.extui %gt3A : vector<16xi1> to vector<16xi32>
        %select_n3A = arith.select %gt3A, %add3A_389, %add3A_313 : vector<16xi1>, vector<16xf32>
        %add3A_391 = arith.addi %mul3A_45, %mul3A_63 : i32
        %swap3A_392 = arith.index_cast %add3A_391 : i32 to index
        %swap3A_393 = tpu.vector_load %arg14[%swap3A_392] {strides = array<i32>} : memref<512xi32, #tpu.memory_space<vmem>>, vector<16xi32>,
        tpu.vector_store %arg14[%swap3A_392], %convert_element_type3A_390 {strides = array<i32>} : memref<512xi32, #tpu.memory_space<vmem>>, vector<16xi32>,
        %swap3A_394 = arith.index_cast %add3A_391 : i32 to index
        %swap3A_395 = tpu.vector_load %arg15[%swap3A_394] {strides = array<i32>} : memref<512xf32, #tpu.memory_space<vmem>>, vector<16xf32>,
        tpu.vector_store %arg15[%swap3A_394], %select_n3A {strides = array<i32>} : memref<512xf32, #tpu.memory_space<vmem>>, vector<16xf32>,
      }
      %scan3A_53 = arith.constant 4 : i32
      %add3A_54 = arith.constant 2 : i32
      %add3A_55 = arith.addi %add3A_43, %add3A_54 : i32
      %lt3A_56 = arith.constant 8 : i32
      %lt3A_57 = arith.cmpi slt, %add3A_55, %lt3A_56 : i32
      %convert_element_type3A_58 = arith.extui %lt3A_57 : i1 to i32
      %cond3A_59 = arith.constant 0 : i32
      %cond3A_60 = arith.cmpi ne, %convert_element_type3A_58, %cond3A_59 : i32
      scf.if %cond3A_60 {
        %add3A_61 = arith.constant 2 : i32
        %add3A_62 = arith.addi %add3A_43, %add3A_61 : i32
        %mul3A_63 = arith.constant 49152 : i32
        %mul3A_64 = arith.muli %add3A_62, %mul3A_63 : i32
        %add3A_65 = arith.addi %mul3A_4, %mul3A_64 : i32
        %dma_start3A_66 = tpu.memref_slice %arg2[%add3A_65] : memref<12582912xf32, #tpu.memory_space<hbm>> -> memref<49152xf32, #tpu.memory_space<hbm>>
        %dma_start3A_67 = tpu.memref_slice %arg2[%add3A_65] : memref<12582912xf32, #tpu.memory_space<hbm>> -> memref<49152xf32, #tpu.memory_space<hbm>>
        tpu.enqueue_dma source(%dma_start3A_67 : memref<49152xf32, #tpu.memory_space<hbm>>) target(%arg8 : memref<49152xf32, #tpu.memory_space<vmem>>) target_semaphore(%arg17 : memref<!tpu.dma_semaphore, #tpu.memory_space<semaphore_mem>>)
      } else {
      }
    }
    %scan3A_21 = arith.constant 4 : i32
    "tpu.region"() ({
      %run_scoped3A = tpu.sem_alloc : memref<!tpu.dma_semaphore, #tpu.memory_space<semaphore_mem>>
      %dma_start3A_22 = tpu.memref_slice %arg5[%mul3A_2] : memref<16384xi32, #tpu.memory_space<hbm>> -> memref<512xi32, #tpu.memory_space<hbm>>
      %dma_start3A_23 = tpu.memref_slice %arg5[%mul3A_2] : memref<16384xi32, #tpu.memory_space<hbm>> -> memref<512xi32, #tpu.memory_space<hbm>>
      tpu.enqueue_dma source(%arg14 : memref<512xi32, #tpu.memory_space<vmem>>) target(%dma_start3A_23 : memref<512xi32, #tpu.memory_space<hbm>>) target_semaphore(%run_scoped3A : memref<!tpu.dma_semaphore, #tpu.memory_space<semaphore_mem>>)
      %dma_wait3A = tpu.memref_slice %arg5[%mul3A_2] : memref<16384xi32, #tpu.memory_space<hbm>> -> memref<512xi32, #tpu.memory_space<hbm>>
      %dma_wait3A_24 = tpu.memref_slice %arg5[%mul3A_2] : memref<16384xi32, #tpu.memory_space<hbm>> -> memref<512xi32, #tpu.memory_space<hbm>>
      tpu.wait_dma2 semaphore(%run_scoped3A : memref<!tpu.dma_semaphore, #tpu.memory_space<semaphore_mem>>) src(%arg14 : memref<512xi32, #tpu.memory_space<vmem>>) dst(%dma_wait3A_24 : memref<512xi32, #tpu.memory_space<hbm>>)
      tpu.yield
    }) : () -> ()
    "tpu.region"() ({
      %run_scoped3A = tpu.sem_alloc : memref<!tpu.dma_semaphore, #tpu.memory_space<semaphore_mem>>
      %dma_start3A_22 = tpu.memref_slice %arg6[%mul3A_2] : memref<16384xf32, #tpu.memory_space<hbm>> -> memref<512xf32, #tpu.memory_space<hbm>>
      %dma_start3A_23 = tpu.memref_slice %arg6[%mul3A_2] : memref<16384xf32, #tpu.memory_space<hbm>> -> memref<512xf32, #tpu.memory_space<hbm>>
      tpu.enqueue_dma source(%arg15 : memref<512xf32, #tpu.memory_space<vmem>>) target(%dma_start3A_23 : memref<512xf32, #tpu.memory_space<hbm>>) target_semaphore(%run_scoped3A : memref<!tpu.dma_semaphore, #tpu.memory_space<semaphore_mem>>)
      %dma_wait3A = tpu.memref_slice %arg6[%mul3A_2] : memref<16384xf32, #tpu.memory_space<hbm>> -> memref<512xf32, #tpu.memory_space<hbm>>
      %dma_wait3A_24 = tpu.memref_slice %arg6[%mul3A_2] : memref<16384xf32, #tpu.memory_space<hbm>> -> memref<512xf32, #tpu.memory_space<hbm>>
      tpu.wait_dma2 semaphore(%run_scoped3A : memref<!tpu.dma_semaphore, #tpu.memory_space<semaphore_mem>>) src(%arg15 : memref<512xf32, #tpu.memory_space<vmem>>) dst(%dma_wait3A_24 : memref<512xf32, #tpu.memory_space<hbm>>)
      tpu.yield
    }) : () -> ()
    return
  }
}

module attributes {stable_mosaic.version = 14 : i64} {
  func.func @_tc_body(%arg0: i32, %arg1: memref<2048x768xf32, #tpu.memory_space<vmem>>, %arg2: memref<2x768xf32, #tpu.memory_space<vmem>>, %arg3: memref<1x2xf32, #tpu.memory_space<smem>>, %arg4: memref<2048xi32, #tpu.memory_space<vmem>>, %arg5: memref<2048xf32, #tpu.memory_space<vmem>>) attributes {dimension_semantics = [#tpu.dimension_semantics<arbitrary>], iteration_bounds = array<i64: 8>, scalar_prefetch = 0 : i64, scratch_operands = 0 : i64, tpu.core_type = #tpu.core_type<tc>, window_params = [{transform_indices = @transform_0, window_bounds = array<i64: 2048, 768>}, {pipeline_mode = #tpu.pipeline_mode<synchronous>, transform_indices = @transform_1, window_bounds = array<i64: 2, 768>}, {transform_indices = @transform_2, window_bounds = array<i64: 1, 2>}, {transform_indices = @transform_3, window_bounds = array<i64: 2048>}, {transform_indices = @transform_4, window_bounds = array<i64: 2048>}]} {
    %get3A = arith.constant 0 : index
    %get3A_0 = arith.constant 0 : index
    %get3A_1 = vector.load %arg1[%get3A, %get3A_0] : memref<2048x768xf32, #tpu.memory_space<vmem>>, vector<2048x768xf32>
    %convert_element_type3A = arith.truncf %get3A_1 : vector<2048x768xf32> to vector<2048x768xbf16>
    %get3A_2 = arith.constant 0 : index
    %get3A_3 = arith.constant 0 : index
    %get3A_4 = vector.load %arg2[%get3A_2, %get3A_3] : memref<2x768xf32, #tpu.memory_space<vmem>>, vector<2x768xf32>
    %convert_element_type3A_5 = arith.truncf %get3A_4 : vector<2x768xf32> to vector<2x768xbf16>
    %dot_general3A = arith.constant dense<0.000000e+00> : vector<2048x2xf32>
    %dot_general3A_6 = tpu.matmul %convert_element_type3A, %convert_element_type3A_5, %dot_general3A {dimension_numbers = #tpu.dot_dimension_numbers<[1], [1], [0], [0], [0, 0, 1, 0], [], []>, transpose_lhs_hint = false} : vector<2048x768xbf16>, vector<2x768xbf16>, vector<2048x2xf32> -> vector<2048x2xf32>
    %slice3A = vector.extract_strided_slice %dot_general3A_6 {offsets = [0, 0], sizes = [2048, 1], strides = [1, 1]} : vector<2048x2xf32> to vector<2048x1xf32>
    %squeeze3A = vector.shape_cast %slice3A : vector<2048x1xf32> to vector<2048xf32>
    %jit3A = arith.constant -8.700000e+01 : f32
    %jit3A_7 = arith.constant 8.700000e+01 : f32
    %max3A = vector.broadcast %jit3A : f32 to vector<2048xf32>
    %max3A_8 = arith.maximumf %max3A, %squeeze3A : vector<2048xf32>
    %min3A = vector.broadcast %jit3A_7 : f32 to vector<2048xf32>
    %min3A_9 = arith.minimumf %min3A, %max3A_8 : vector<2048xf32>
    %mul3A = arith.constant -1.44269502 : f32
    %mul3A_10 = vector.broadcast %mul3A : f32 to vector<2048xf32>
    %mul3A_11 = arith.mulf %min3A_9, %mul3A_10 : vector<2048xf32>
    %add3A = arith.constant 1.925000e+02 : f32
    %add3A_12 = vector.broadcast %add3A : f32 to vector<2048xf32>
    %add3A_13 = arith.addf %mul3A_11, %add3A_12 : vector<2048xf32>
    %convert_element_type3A_14 = arith.fptosi %add3A_13 : vector<2048xf32> to vector<2048xi32>
    %sub3A = arith.constant 192 : i32
    %sub3A_15 = vector.broadcast %sub3A : i32 to vector<2048xi32>
    %sub3A_16 = arith.subi %convert_element_type3A_14, %sub3A_15 : vector<2048xi32>
    %convert_element_type3A_17 = arith.sitofp %sub3A_16 : vector<2048xi32> to vector<2048xf32>
    %sub3A_18 = arith.subf %mul3A_11, %convert_element_type3A_17 : vector<2048xf32>
    %mul3A_19 = arith.constant 0.693147182 : f32
    %mul3A_20 = vector.broadcast %mul3A_19 : f32 to vector<2048xf32>
    %mul3A_21 = arith.mulf %sub3A_18, %mul3A_20 : vector<2048xf32>
    %broadcast_in_dim3A = arith.constant 1.98412701E-4 : f32
    %broadcast_in_dim3A_22 = vector.broadcast %broadcast_in_dim3A : f32 to vector<2048xf32>
    %mul3A_23 = arith.mulf %broadcast_in_dim3A_22, %mul3A_21 : vector<2048xf32>
    %add3A_24 = arith.constant 0.00138888892 : f32
    %add3A_25 = vector.broadcast %add3A_24 : f32 to vector<2048xf32>
    %add3A_26 = arith.addf %mul3A_23, %add3A_25 : vector<2048xf32>
    %mul3A_27 = arith.mulf %add3A_26, %mul3A_21 : vector<2048xf32>
    %add3A_28 = arith.constant 0.00833333377 : f32
    %add3A_29 = vector.broadcast %add3A_28 : f32 to vector<2048xf32>
    %add3A_30 = arith.addf %mul3A_27, %add3A_29 : vector<2048xf32>
    %mul3A_31 = arith.mulf %add3A_30, %mul3A_21 : vector<2048xf32>
    %add3A_32 = arith.constant 0.0416666679 : f32
    %add3A_33 = vector.broadcast %add3A_32 : f32 to vector<2048xf32>
    %add3A_34 = arith.addf %mul3A_31, %add3A_33 : vector<2048xf32>
    %mul3A_35 = arith.mulf %add3A_34, %mul3A_21 : vector<2048xf32>
    %add3A_36 = arith.constant 0.166666672 : f32
    %add3A_37 = vector.broadcast %add3A_36 : f32 to vector<2048xf32>
    %add3A_38 = arith.addf %mul3A_35, %add3A_37 : vector<2048xf32>
    %mul3A_39 = arith.mulf %add3A_38, %mul3A_21 : vector<2048xf32>
    %add3A_40 = arith.constant 5.000000e-01 : f32
    %add3A_41 = vector.broadcast %add3A_40 : f32 to vector<2048xf32>
    %add3A_42 = arith.addf %mul3A_39, %add3A_41 : vector<2048xf32>
    %mul3A_43 = arith.mulf %add3A_42, %mul3A_21 : vector<2048xf32>
    %add3A_44 = arith.constant 1.000000e+00 : f32
    %add3A_45 = vector.broadcast %add3A_44 : f32 to vector<2048xf32>
    %add3A_46 = arith.addf %mul3A_43, %add3A_45 : vector<2048xf32>
    %mul3A_47 = arith.mulf %add3A_46, %mul3A_21 : vector<2048xf32>
    %add3A_48 = arith.constant 1.000000e+00 : f32
    %add3A_49 = vector.broadcast %add3A_48 : f32 to vector<2048xf32>
    %add3A_50 = arith.addf %mul3A_47, %add3A_49 : vector<2048xf32>
    %add3A_51 = arith.constant 127 : i32
    %add3A_52 = vector.broadcast %add3A_51 : i32 to vector<2048xi32>
    %add3A_53 = arith.addi %sub3A_16, %add3A_52 : vector<2048xi32>
    %shift_left3A = arith.constant 23 : i32
    %shift_left3A_54 = vector.broadcast %shift_left3A : i32 to vector<2048xi32>
    %shift_left3A_55 = arith.shli %add3A_53, %shift_left3A_54 : vector<2048xi32>
    %bitcast_convert_type3A = tpu.bitcast %shift_left3A_55 : vector<2048xi32> -> vector<2048xf32>
    %mul3A_56 = arith.mulf %bitcast_convert_type3A, %add3A_50 : vector<2048xf32>
    %add3A_57 = arith.constant 1.000000e+00 : f32
    %add3A_58 = vector.broadcast %add3A_57 : f32 to vector<2048xf32>
    %add3A_59 = arith.addf %add3A_58, %mul3A_56 : vector<2048xf32>
    %div3A = arith.constant 1.000000e+00 : f32
    %div3A_60 = vector.broadcast %div3A : f32 to vector<2048xf32>
    %div3A_61 = arith.divf %div3A_60, %add3A_59 : vector<2048xf32>
    %mul3A_62 = arith.mulf %add3A_59, %div3A_61 : vector<2048xf32>
    %sub3A_63 = arith.constant 2.000000e+00 : f32
    %sub3A_64 = vector.broadcast %sub3A_63 : f32 to vector<2048xf32>
    %sub3A_65 = arith.subf %sub3A_64, %mul3A_62 : vector<2048xf32>
    %mul3A_66 = arith.mulf %div3A_61, %sub3A_65 : vector<2048xf32>
    %mul3A_67 = arith.mulf %add3A_59, %mul3A_66 : vector<2048xf32>
    %sub3A_68 = arith.constant 2.000000e+00 : f32
    %sub3A_69 = vector.broadcast %sub3A_68 : f32 to vector<2048xf32>
    %sub3A_70 = arith.subf %sub3A_69, %mul3A_67 : vector<2048xf32>
    %mul3A_71 = arith.mulf %mul3A_66, %sub3A_70 : vector<2048xf32>
    %get3A_72 = arith.constant 0 : index
    %get3A_73 = arith.constant 0 : index
    %get3A_74 = memref.load %arg3[%get3A_72, %get3A_73] : memref<1x2xf32, #tpu.memory_space<smem>>
    %add3A_75 = vector.broadcast %get3A_74 : f32 to vector<2048xf32>
    %add3A_76 = arith.addf %mul3A_71, %add3A_75 : vector<2048xf32>
    %slice3A_77 = vector.extract_strided_slice %dot_general3A_6 {offsets = [0, 1], sizes = [2048, 1], strides = [1, 1]} : vector<2048x2xf32> to vector<2048x1xf32>
    %squeeze3A_78 = vector.shape_cast %slice3A_77 : vector<2048x1xf32> to vector<2048xf32>
    %jit3A_79 = arith.constant -8.700000e+01 : f32
    %jit3A_80 = arith.constant 8.700000e+01 : f32
    %max3A_81 = vector.broadcast %jit3A_79 : f32 to vector<2048xf32>
    %max3A_82 = arith.maximumf %max3A_81, %squeeze3A_78 : vector<2048xf32>
    %min3A_83 = vector.broadcast %jit3A_80 : f32 to vector<2048xf32>
    %min3A_84 = arith.minimumf %min3A_83, %max3A_82 : vector<2048xf32>
    %mul3A_85 = arith.constant -1.44269502 : f32
    %mul3A_86 = vector.broadcast %mul3A_85 : f32 to vector<2048xf32>
    %mul3A_87 = arith.mulf %min3A_84, %mul3A_86 : vector<2048xf32>
    %add3A_88 = arith.constant 1.925000e+02 : f32
    %add3A_89 = vector.broadcast %add3A_88 : f32 to vector<2048xf32>
    %add3A_90 = arith.addf %mul3A_87, %add3A_89 : vector<2048xf32>
    %convert_element_type3A_91 = arith.fptosi %add3A_90 : vector<2048xf32> to vector<2048xi32>
    %sub3A_92 = arith.constant 192 : i32
    %sub3A_93 = vector.broadcast %sub3A_92 : i32 to vector<2048xi32>
    %sub3A_94 = arith.subi %convert_element_type3A_91, %sub3A_93 : vector<2048xi32>
    %convert_element_type3A_95 = arith.sitofp %sub3A_94 : vector<2048xi32> to vector<2048xf32>
    %sub3A_96 = arith.subf %mul3A_87, %convert_element_type3A_95 : vector<2048xf32>
    %mul3A_97 = arith.constant 0.693147182 : f32
    %mul3A_98 = vector.broadcast %mul3A_97 : f32 to vector<2048xf32>
    %mul3A_99 = arith.mulf %sub3A_96, %mul3A_98 : vector<2048xf32>
    %broadcast_in_dim3A_100 = arith.constant 1.98412701E-4 : f32
    %broadcast_in_dim3A_101 = vector.broadcast %broadcast_in_dim3A_100 : f32 to vector<2048xf32>
    %mul3A_102 = arith.mulf %broadcast_in_dim3A_101, %mul3A_99 : vector<2048xf32>
    %add3A_103 = arith.constant 0.00138888892 : f32
    %add3A_104 = vector.broadcast %add3A_103 : f32 to vector<2048xf32>
    %add3A_105 = arith.addf %mul3A_102, %add3A_104 : vector<2048xf32>
    %mul3A_106 = arith.mulf %add3A_105, %mul3A_99 : vector<2048xf32>
    %add3A_107 = arith.constant 0.00833333377 : f32
    %add3A_108 = vector.broadcast %add3A_107 : f32 to vector<2048xf32>
    %add3A_109 = arith.addf %mul3A_106, %add3A_108 : vector<2048xf32>
    %mul3A_110 = arith.mulf %add3A_109, %mul3A_99 : vector<2048xf32>
    %add3A_111 = arith.constant 0.0416666679 : f32
    %add3A_112 = vector.broadcast %add3A_111 : f32 to vector<2048xf32>
    %add3A_113 = arith.addf %mul3A_110, %add3A_112 : vector<2048xf32>
    %mul3A_114 = arith.mulf %add3A_113, %mul3A_99 : vector<2048xf32>
    %add3A_115 = arith.constant 0.166666672 : f32
    %add3A_116 = vector.broadcast %add3A_115 : f32 to vector<2048xf32>
    %add3A_117 = arith.addf %mul3A_114, %add3A_116 : vector<2048xf32>
    %mul3A_118 = arith.mulf %add3A_117, %mul3A_99 : vector<2048xf32>
    %add3A_119 = arith.constant 5.000000e-01 : f32
    %add3A_120 = vector.broadcast %add3A_119 : f32 to vector<2048xf32>
    %add3A_121 = arith.addf %mul3A_118, %add3A_120 : vector<2048xf32>
    %mul3A_122 = arith.mulf %add3A_121, %mul3A_99 : vector<2048xf32>
    %add3A_123 = arith.constant 1.000000e+00 : f32
    %add3A_124 = vector.broadcast %add3A_123 : f32 to vector<2048xf32>
    %add3A_125 = arith.addf %mul3A_122, %add3A_124 : vector<2048xf32>
    %mul3A_126 = arith.mulf %add3A_125, %mul3A_99 : vector<2048xf32>
    %add3A_127 = arith.constant 1.000000e+00 : f32
    %add3A_128 = vector.broadcast %add3A_127 : f32 to vector<2048xf32>
    %add3A_129 = arith.addf %mul3A_126, %add3A_128 : vector<2048xf32>
    %add3A_130 = arith.constant 127 : i32
    %add3A_131 = vector.broadcast %add3A_130 : i32 to vector<2048xi32>
    %add3A_132 = arith.addi %sub3A_94, %add3A_131 : vector<2048xi32>
    %shift_left3A_133 = arith.constant 23 : i32
    %shift_left3A_134 = vector.broadcast %shift_left3A_133 : i32 to vector<2048xi32>
    %shift_left3A_135 = arith.shli %add3A_132, %shift_left3A_134 : vector<2048xi32>
    %bitcast_convert_type3A_136 = tpu.bitcast %shift_left3A_135 : vector<2048xi32> -> vector<2048xf32>
    %mul3A_137 = arith.mulf %bitcast_convert_type3A_136, %add3A_129 : vector<2048xf32>
    %add3A_138 = arith.constant 1.000000e+00 : f32
    %add3A_139 = vector.broadcast %add3A_138 : f32 to vector<2048xf32>
    %add3A_140 = arith.addf %add3A_139, %mul3A_137 : vector<2048xf32>
    %div3A_141 = arith.constant 1.000000e+00 : f32
    %div3A_142 = vector.broadcast %div3A_141 : f32 to vector<2048xf32>
    %div3A_143 = arith.divf %div3A_142, %add3A_140 : vector<2048xf32>
    %mul3A_144 = arith.mulf %add3A_140, %div3A_143 : vector<2048xf32>
    %sub3A_145 = arith.constant 2.000000e+00 : f32
    %sub3A_146 = vector.broadcast %sub3A_145 : f32 to vector<2048xf32>
    %sub3A_147 = arith.subf %sub3A_146, %mul3A_144 : vector<2048xf32>
    %mul3A_148 = arith.mulf %div3A_143, %sub3A_147 : vector<2048xf32>
    %mul3A_149 = arith.mulf %add3A_140, %mul3A_148 : vector<2048xf32>
    %sub3A_150 = arith.constant 2.000000e+00 : f32
    %sub3A_151 = vector.broadcast %sub3A_150 : f32 to vector<2048xf32>
    %sub3A_152 = arith.subf %sub3A_151, %mul3A_149 : vector<2048xf32>
    %mul3A_153 = arith.mulf %mul3A_148, %sub3A_152 : vector<2048xf32>
    %get3A_154 = arith.constant 0 : index
    %get3A_155 = arith.constant 1 : index
    %get3A_156 = memref.load %arg3[%get3A_154, %get3A_155] : memref<1x2xf32, #tpu.memory_space<smem>>
    %add3A_157 = vector.broadcast %get3A_156 : f32 to vector<2048xf32>
    %add3A_158 = arith.addf %mul3A_153, %add3A_157 : vector<2048xf32>
    %gt3A = arith.cmpf ogt, %add3A_158, %add3A_76 : vector<2048xf32>
    %convert_element_type3A_159 = arith.extui %gt3A : vector<2048xi1> to vector<2048xi32>
    %swap3A = arith.constant 0 : index
    %swap3A_160 = vector.load %arg4[%swap3A] : memref<2048xi32, #tpu.memory_space<vmem>>, vector<2048xi32>
    tpu.vector_store %arg4[%swap3A], %convert_element_type3A_159 {strides = array<i32>} : memref<2048xi32, #tpu.memory_space<vmem>>, vector<2048xi32>,
    %select_n3A = arith.select %gt3A, %add3A_158, %add3A_76 : vector<2048xi1>, vector<2048xf32>
    %swap3A_161 = arith.constant 0 : index
    %swap3A_162 = vector.load %arg5[%swap3A_161] : memref<2048xf32, #tpu.memory_space<vmem>>, vector<2048xf32>
    tpu.vector_store %arg5[%swap3A_161], %select_n3A {strides = array<i32>} : memref<2048xf32, #tpu.memory_space<vmem>>, vector<2048xf32>,
    return
  }
  func.func @transform_0(%arg0: i32) -> (i32, i32) {
    %c0_i32 = arith.constant 0 : i32
    %c0_i32_0 = arith.constant 0 : i32
    return %arg0, %c0_i32 : i32, i32
  }
  func.func @transform_1(%arg0: i32) -> (i32, i32) {
    %c0_i32 = arith.constant 0 : i32
    %c0_i32_0 = arith.constant 0 : i32
    %c0_i32_1 = arith.constant 0 : i32
    return %c0_i32, %c0_i32_0 : i32, i32
  }
  func.func @transform_2(%arg0: i32) -> (i32, i32) {
    %c0_i32 = arith.constant 0 : i32
    %c0_i32_0 = arith.constant 0 : i32
    %c0_i32_1 = arith.constant 0 : i32
    return %c0_i32, %c0_i32_0 : i32, i32
  }
  func.func @transform_3(%arg0: i32) -> i32 {
    %c0_i32 = arith.constant 0 : i32
    return %arg0 : i32
  }
  func.func @transform_4(%arg0: i32) -> i32 {
    %c0_i32 = arith.constant 0 : i32
    return %arg0 : i32
  }
}

</mosaic_0001>

<sc_bundles>
// kernel: kernel.4.cloned.1.call-start
scs
__scs_entry_jumppad:
0x0: {  	(pc) =	sbr.rel $0x88, $3  }
0x1: {  	(tag) =	ssettag $0x0;
	lr =	simm.s32 $0x1  }
0x2: {  	[smem:$0x3F9E] =	sst lr;
	_ =	strace $0xD0000000  }
0x3: {  	_ = 	snop  }
0x4: {  	_ = 	snop  }
0x5: {  	_ = 	snop  }
0x6: {  	_ = 	snop  }
0x7: {  	_ = 	snop  }
__scs_overlays_trampoline_lowered:
0x8: {  	[smem:$0x3FAD] =	sst s0  }
0x9: {  	[smem:$0x3FAE] =	sst s1  }
0xa: {  	[smem:$0x3FAF] =	sst s2  }
0xb: {  	[smem:$0x3FB0] =	sst s3  }
0xc: {  	[smem:$0x3FB1] =	sst s4  }
0xd: {  	[smem:$0x3FB2] =	sst s5  }
0xe: {  	[smem:$0x3FB3] =	sst s6  }
0xf: {  	[smem:$0x3FB4] =	sst s7  }
0x10: {  	[smem:$0x3FB5] =	sst s8  }
0x11: {  	[smem:$0x3FB6] =	sst s9;
	s0 =	simm.s32 @!p0 $0x0  }
0x12: {  	s1 =	sld [smem:$0x3F9C];
	s0 =	simm.s32 @p0 $0x1  }
0x13: {  	[smem:$0x3FB7] =	sst s0;
	s0 =	simm.s32 @!p1 $0x0  }
0x14: {  	s2 =	sld [smem:$0x3F9B];
	s0 =	simm.s32 @p1 $0x1  }
0x15: {  	[smem:$0x3FB8] =	sst s0;
	s0 =	simm.s32 @!p2 $0x0  }
0x16: {  	s3 =	sld [smem:$0x3FDB];
	s0 =	simm.s32 @p2 $0x1  }
0x17: {  	s4 =	simm.s32 $0x1BF5;
	[smem:$0x3FBA] =	sst s0  }
0x18: {  	s0 =	sld [smem:$0x3F9D];
	_ =	swait.ge [sflag:s4], $0x0  }
0x19: {  	s7 =	sld [smem:$0x3F9E]  }
0x1a: {  	s8 =	sadd.s32 $0xFFFFE003, lr  }
0x1b: {  	s9 =	sadd.s32 $0xFFFFFEF7, lr;
	s5 =	simm.s32 $0xFFFFFFFF;
	p2 =	slt.u32 s8, $0xFFFFF086  }
0x1c: {  	p1 =	slt.u32 s9, $0xF7A;
	s5 =	simm.s32 @!p2 $0x0  }
0x1d: {  	s5 =	simm.s32 @p1 $0x1;
	p0 =	seq.s32 s7, s2  }
0x1e: {  	s7 =	smul.u32 @!p0 $0xF7A, s2;
	p2 =	seq.s32 @!p0 s5, $0x0  }
0x1f: {  	s9 =	smul.u32 $0xF7A, s1;
	s8 =	simm.s32 @!p0 $0x1BF5;
	p2 =	por !p2, p0  }
0x20: {  	[sflag:s8] =	ssyncset.s32 @!p0 $0xFFFFF086;
	s6 =	sadd.s32 @!p0 s3, s7;
	s7 =	simm.s32 @!p0 $0x108  }
0x21: {  	s3 =	sadd.s32 s3, s9;
	s6 =	sadd.s32 @!p0 $0x88, s6;
	s7 =	simm.s32 @p2 $0x1082  }
0x22: {  	[simem:s7], [sflag:s8] =	dma.local @!p0 [hbm:s6], $0xF7A  }
0x23: {  	s9 =	sor.u32 $0xD0000000, s2;
	s6 =	simm.s32 $0x108;
	_ =	swait.ge @!p0 [sflag:s8], $0x0  }
0x24: {  	s3 =	sadd.s32 $0x88, s3;
	s6 =	simm.s32 @!p1 $0x1082;
	[sflag:s4] =	ssyncset.s32 $0xFFFFF086  }
0x25: {  	[simem:s6], [sflag:s4] =	dma.local [hbm:s3], $0xF7A  }
0x26: {  	[smem:$0x3F9E] =	sst s1;
	(tag) =	ssettag s2;
	_ =	strace s9  }
0x27: {  	s1 =	sld [smem:$0x3FAE]  }
0x28: {  	s2 =	sld [smem:$0x3FAF]  }
0x29: {  	s4 =	sld [smem:$0x3FB1]  }
0x2a: {  	p0 =	seq.s32 s5, $0x0;
	s5 =	sld [smem:$0x3FB2]  }
0x2b: {  	s6 =	sld [smem:$0x3FB3]  }
0x2c: {  	s7 =	sld [smem:$0x3FB4]  }
0x2d: {  	s3 =	simm.s32 $0x108;
	s8 =	sld [smem:$0x3FB5]  }
0x2e: {  	s3 =	simm.s32 @!p0 $0x1082;
	s9 =	sld [smem:$0x3FB6]  }
0x2f: {  	lr =	sadd.s32 s0, s3;
	s0 =	sld [smem:$0x3FAD]  }
0x30: {  	s3 =	sld [smem:$0x3FB0]  }
0x31: {  	[smem:$0x3FB9] =	sst s10  }
0x32: {  	s10 =	sld [smem:$0x3FB7];
	_ =	sdelay $0x3  }
0x33: {  	p0 =	seq.s32 s10, $0x1;
	s10 =	sld [smem:$0x3FB9];
	_ =	sdelay $0x3  }
0x34: {  	[smem:$0x3FB9] =	sst s10  }
0x35: {  	s10 =	sld [smem:$0x3FB8];
	_ =	sdelay $0x3  }
0x36: {  	p1 =	seq.s32 s10, $0x1;
	s10 =	sld [smem:$0x3FB9];
	_ =	sdelay $0x3  }
0x37: {  	[smem:$0x3FB9] =	sst s10  }
0x38: {  	s10 =	sld [smem:$0x3FBA]  }
0x39: {  	_ = 	snop;
	(pc) =	sbr.ind lr, $3  }
0x3a: {  	_ = 	snop  }
0x3b: {  	_ = 	snop  }
0x3c: {  	p2 =	seq.s32 s10, $0x1;
	s10 =	sld [smem:$0x3FB9]  }
0x3d: {  	_ =	shalt  }
0x3e: {  	_ =	shalt  }
0x3f: {  	_ =	shalt  }
0x40: {  	_ =	shalt  }
0x41: {  	_ =	shalt  }
0x42: {  	_ =	shalt  }
0x43: {  	_ =	shalt  }
0x44: {  	_ =	shalt  }
0x45: {  	_ =	shalt  }
0x46: {  	_ =	shalt  }
0x47: {  	_ =	shalt  }
0x48: {  	_ =	shalt  }
0x49: {  	_ =	shalt  }
0x4a: {  	_ =	shalt  }
0x4b: {  	_ =	shalt  }
0x4c: {  	_ =	shalt  }
0x4d: {  	_ =	shalt  }
0x4e: {  	_ =	shalt  }
0x4f: {  	_ =	shalt  }
0x50: {  	_ =	shalt  }
0x51: {  	_ =	shalt  }
0x52: {  	_ =	shalt  }
0x53: {  	_ =	shalt  }
0x54: {  	_ =	shalt  }
0x55: {  	_ =	shalt  }
0x56: {  	_ =	shalt  }
0x57: {  	_ =	shalt  }
0x58: {  	_ =	shalt  }
0x59: {  	_ =	shalt  }
0x5a: {  	_ =	shalt  }
0x5b: {  	_ =	shalt  }
0x5c: {  	_ =	shalt  }
0x5d: {  	_ =	shalt  }
0x5e: {  	_ =	shalt  }
0x5f: {  	_ =	shalt  }
0x60: {  	_ =	shalt  }
0x61: {  	_ =	shalt  }
0x62: {  	_ =	shalt  }
0x63: {  	_ =	shalt  }
0x64: {  	_ =	shalt  }
0x65: {  	_ =	shalt  }
0x66: {  	_ =	shalt  }
0x67: {  	_ =	shalt  }
0x68: {  	_ =	shalt  }
0x69: {  	_ =	shalt  }
0x6a: {  	_ =	shalt  }
0x6b: {  	_ =	shalt  }
0x6c: {  	_ =	shalt  }
0x6d: {  	_ =	shalt  }
0x6e: {  	_ =	shalt  }
0x6f: {  	_ =	shalt  }
0x70: {  	_ =	shalt  }
0x71: {  	_ =	shalt  }
0x72: {  	_ =	shalt  }
0x73: {  	_ =	shalt  }
0x74: {  	_ =	shalt  }
0x75: {  	_ =	shalt  }
0x76: {  	_ =	shalt  }
0x77: {  	_ =	shalt  }
0x78: {  	_ =	shalt  }
0x79: {  	_ =	shalt  }
0x7a: {  	_ =	shalt  }
0x7b: {  	_ =	shalt  }
0x7c: {  	_ =	shalt  }
0x7d: {  	_ =	shalt  }
0x7e: {  	_ =	shalt  }
0x7f: {  	_ =	shalt  }
0x80: {  	_ =	shalt  }
0x81: {  	_ =	shalt  }
0x82: {  	_ =	shalt  }
0x83: {  	_ =	shalt  }
0x84: {  	_ =	shalt  }
0x85: {  	_ =	shalt  }
0x86: {  	_ =	shalt  }
0x87: {  	_ =	shalt  }
.Lfunc_end0:
.L_simem_size_0:
called_computation_lowered:
.L_overlay_start_0:
0x88: {  	s2 =	sld [smem:$0x3FD9]  }
0x89: {  	s3 =	sld [smem:$0x3FFE];
	_ =	sdelay $0x1  }
0x8a: {  	s1 =	srdreg.scid  }
0x8b: {  	s0 =	sand.u32 $0x1, s1  }
0x8c: {  	s14 =	sshll.u32 s0, $0xA;
	s2 =	sadd.s32 s3, s2  }
0x8d: {  	s2 =	sadd.s32 s2, s14  }
0x8e: {  	[smem:$0x3FC5] =	sst s2  }
0x8f: {  	_ = 	snop  }
0x90: {  	s2 =	sld [smem:$0x3FD0];
	_ =	sdelay $0x2  }
0x91: {  	s15 =	simm.s32 $0xA;
	s4 =	simm.s32 $0x10  }
0x92: {  	[smem:s4], [sflag:s15] =	dma.local [hbm:s2], $0x1  }
0x93: {  	_ =	swait.eq [sflag:s15], $0x1  }
0x94: {  	[sflag:s15] =	ssyncset.done $0x0  }
0x95: {  	s16 =	sld [smem:$0x10];
	[sflag:s15] =	ssyncadd.s32 $0xFFFFFFFF  }
0x96: {  	s17 =	sld [smem:$0x11];
	(tm) =	ssettm $0x1  }
0x97: {  	s18 =	sld [smem:$0x3FFB];
	_ =	sdelay $0x3  }
0x98: {  	_ =	strace s18  }
0x99: {  	s4 =	sld [smem:$0x3FFC];
	_ =	sdelay $0x3  }
0x9a: {  	_ =	strace s4  }
0x9b: {  	s4 =	sld [smem:$0x3FFD];
	_ =	sdelay $0x3  }
0x9c: {  	_ =	strace s4  }
0x9d: {  	_ =	strace $0x8FFFFFFF  }
0x9e: {  	s19 =	sld [smem:$0x3FDB];
	_ =	sdelay $0x1  }
0x9f: {  	s5 =	simm.s32 $_scs_section_size  }
0xa0: {  	s6 =	simm.s32 $_size__tile_overlayer_lowered;
	s7 =	simm.s32 $_tile_overlayer_lowered  }
0xa1: {  	s22 =	simm.s32 $0x1BFF;
	s21 =	sshll.u32 s7, $0x1;
	s4 =	sadd.s32 s5, s19  }
0xa2: {  	s8 =	simm.s32 $0x0;
	s20 =	sshll.u32 s6, $0x1;
	s6 =	sadd.s32 s21, s4  }
0xa3: {  	[timem:s8], [sflag:s22] =	dma.local [hbm:s6], s20  }
0xa4: {  	_ =	swait.ge [sflag:s22], s20  }
0xa5: {  	s5 =	ssub.s32 $0x0, s20;
	[sflag:s22] =	ssyncset.done $0x0  }
0xa6: {  	[sflag:s22] =	ssyncadd.s32 s5;
	_ =	sdelay $0x1  }
0xa7: {  	s23 =	simm.s32 $0x1B8B  }
0xa8: {  	_ =	swait.ge [sflag:s23], $0x1  }
0xa9: {  	[sflag:s23] =	ssyncset.done $0x0  }
0xaa: {  	s25 =	simm.s32 $0x1B8E;
	s24 =	sld [smem:$0x3FFE];
	[sflag:s23] =	ssyncadd.s32 $0xFFFFFFFF  }
0xab: {  	s26 =	simm.s32 $execute0_lowered;
	[smem:$0x3FD2] =	sst s25  }
0xac: {  	s6 =	sshll.u32 s26, $0x1;
	_ =	strace $0x80000046;
	[dreg:$0x1] =	wrdreg $0xFFFFFFFF  }
0xad: {  	s28 =	simm.s32 $_size_execute0_lowered;
	s4 =	sadd.s32 s4, s6;
	[dreg:$0x0] =	wrdreg $0x0  }
0xae: {  	s6 =	sshll.u32 s28, $0x1;
	[dreg:$0x2] =	wrdreg s4  }
0xaf: {  	[dreg:$0x3] =	wrdreg s6  }
0xb0: {  	[dreg:$0x4] =	wrdreg $0xC0  }
0xb1: {  	_ =	task [dreg:s8], $0x5FFFF  }
0xb2: {  	[dreg:$0x1] =	wrdreg $0xFFFFFFFF  }
0xb3: {  	[dreg:$0x0] =	wrdreg $0x60  }
0xb4: {  	[dreg:$0x2] =	wrdreg s24  }
0xb5: {  	[dreg:$0x3] =	wrdreg s16  }
0xb6: {  	[dreg:$0x4] =	wrdreg s17  }
0xb7: {  	[dreg:$0x5] =	wrdreg $0x9  }
0xb8: {  	_ =	task.clear_ibuf [dreg:s8], $0x6FFFF;
	_ =	strace $0x90000046  }
0xb9: {  	s29 =	simm.s32 $0x9;
	_ =	strace $0x80000048  }
0xba: {  	_ =	swait.ge [sflag:s29], $0x1  }
0xbb: {  	[sflag:s29] =	ssyncadd.s32 $0xFFFFFFFF  }
0xbc: {  	_ =	strace $0x90000048  }
0xbd: {  	_ =	sfence  }
0xbe: {  	s30 =	sld [smem:$0x0];
	_ =	sdelay $0x2  }
0xbf: {  	s31 =	sshll.u32 s1, $0xD;
	s1 =	sshrl.u32 s1, $0x2  }
0xc0: {  	s3 =	sand.u32 $0x4000, s31;
	s1 =	sadd.s32 s1, s30  }
0xc1: {  	s0 =	sor.u32 s3, s0;
	s1 =	sshll.u32 s1, $0x11  }
0xc2: {  	s0 =	sor.u32 s1, s0  }
0xc3: {  	s0 =	sadd.s32 $0x8F2B, s0  }
0xc4: {  	[sflag:s0] =	ssyncadd.remote.s32 $0x1  }
0xc5: {  	_ =	sfence.sel $0xFFFF  }
0xc6: {  	[dreg:$0x0] =	wrdreg $0xFFFFFFFF;
	(pc) =	sbr.abs _section_cstart, $3  }
0xc7: {  	[dreg:$0x1] =	wrdreg $0xFFFFFFFF  }
0xc8: {  	_ =	task.clear_ibuf [dreg:s8], $0x2FFFF;
	_ =	strace $0x9FFFFFFF  }
0xc9: {  	(tm) =	ssettm $0x7FFFFFFF  }
tec
execute0_lowered:
.L_overlay_start_1:
0x0: {  	(tag) =	ssettag $0x1  }
0x1: {  	s0 =	rddreg [dreg:$0x0]  }
0x2: {  	s9 =	rddreg [dreg:$0x1]  }
0x3: {  	s1 =	rddreg [dreg:$0x2]  }
0x4: {  	s3 =	simm.s32 $0x0;
	s2 =	srdreg.scid;
	s4 =	stileid.u32  }
0x5: {  	s19 =	simm.s32 $0x1;
	s20 =	simm.s32 $0x18680;
	s21 =	simm.s32 $0x18780  }
0x6: {  	s22 =	simm.s32 $0x2;
	[smem:$0x7FF] =	sst s3;
	s2 =	sand.u32 $0x1, s2  }
0x7: {  	s4 =	sshll.u32 s4, $0x1;
	s7 =	sadd.s32 $0xE00, s0;
	s29 =	sadd.s32 $0x60, s9  }
0x8: {  	_ =	strace $0x80000047;
	s5 =	sor.u32 s2, s4;
	[dreg:$0xb] =	wrdreg s7  }
0x9: {  	s4 =	sadd.s32 $0x180E00, s0;
	s2 =	ssub.s32 $0x2, s2;
	[dreg:$0xc] =	wrdreg s29  }
0xa: {  	s6 =	smul.u32 $0x60000, s5;
	s5 =	sshll.u32 s5, $0x6;
	s28 =	sshrl.u32 s2, $0x1  }
0xb: {  	s0 =	sadd.s32 s5, s0;
	s2 =	ssub.s32 s2, s28;
	s1 =	sadd.s32 s1, s5  }
.Ltmp0:
0xc: {  	[dreg:$0xf] =	wrdreg s1;
	s0 =	sadd.s32 $0x1000, s0;
	(pc) =	sbr.rel .LBB2_1-.Ltmp0, $4  }
0xd: {  	s8 =	sshrl.u32 s6, $0x3;
	s31 =	smax.u32 s2, $0x1;
	[dreg:$0x10] =	wrdreg s0  }
0xe: {  	s9 =	sor.u32 $0x18000, s6;
	s30 =	sadd.s32 s4, s8;
	[dreg:$0x11] =	wrdreg s31  }
0xf: {  	v0 =	vlaneseq.u32;
	s10 =	sadd.s32 $0x24000, s6;
	[dreg:$0xd] =	wrdreg s30;
	s7 =	sadd.s32 $0x1800, s30  }
0x10: {  	v49 =	vimm.s32 $0x0;
	v0 =	vmul.u32 $0x10, v0;
	s2 =	simm.s32 $0x3;
	s1 =	simm.s32 $0x0;
	[dreg:$0xe] =	wrdreg s7  }
.LBB2_16:
0x11: {  	s0 =	rddreg [dreg:$0xf];
	s1 =	simm.s32 $0x18880;
	s2 =	simm.s32 $0x3  }
0x12: {  	[hbm4b:s0+s3] =	stream.linear.scatter [tilespmem:s1], [sflag:$0x3], $0x200, $0x38;
	[tilespmem:$0x18C80] =	vst v63  }
0x13: {  	_ =	swait.ge [sflag:s2], $0x200  }
0x14: {  	[sflag:s2] =	ssyncset.done $0x0  }
0x15: {  	s29 =	simm.s32 $0x18A80;
	s28 =	rddreg [dreg:$0x10];
	[sflag:s2] =	ssyncadd.s32 $0xFFFFFE00  }
0x16: {  	[hbm4b:s28+s3] =	stream.linear.scatter [tilespmem:s29], [sflag:$0x3], $0x200, $0x38;
	[tilespmem:$0x18C80] =	vst v63  }
0x17: {  	_ =	swait.ge [sflag:s2], $0x200  }
0x18: {  	s30 =	rddreg [dreg:$0x12]  }
0x19: {  	s31 =	rddreg [dreg:$0x11];
	s1 =	sadd.s32 $0x1, s30  }
0x1a: {  	p0 =	sne.s32 s1, s31  }
.Ltmp1:
0x1b: {  	_ = 	snop;
	(pc) =	sbr.rel @!p0 .LBB2_17-.Ltmp1, $3  }
0x1c: {  	_ =	sdelay $0x1  }
0x1d: {  	[sflag:s2] =	ssyncset.done $0x0  }
0x1e: {  	[sflag:s2] =	ssyncadd.s32 $0xFFFFFE00  }
.LBB2_1:
0x1f: {  	[dreg:$0x12] =	wrdreg s1  }
0x20: {  	s0 =	rddreg [dreg:$0x1];
	s23 =	simm.s32 $0x18000  }
0x21: {  	[tilespmem:s23], [sflag:$0x3] =	stream.linear.gather [hbm4b:s0+s3], $0x300, $0x38;
	[tilespmem:$0x18C80] =	vst v63  }
0x22: {  	_ =	swait.ge [sflag:s2], $0x300  }
0x23: {  	[sflag:s2] =	ssyncset.done $0x0  }
0x24: {  	s25 =	simm.s32 $0x18300;
	s24 =	rddreg [dreg:$0xc];
	[sflag:s2] =	ssyncadd.s32 $0xFFFFFD00  }
0x25: {  	[tilespmem:s25], [sflag:$0x3] =	stream.linear.gather [hbm4b:s24+s3], $0x300, $0x38;
	[tilespmem:$0x18C80] =	vst v63  }
0x26: {  	_ =	swait.ge [sflag:s2], $0x300  }
0x27: {  	[sflag:s2] =	ssyncset.done $0x0  }
0x28: {  	s28 =	simm.s32 $0x18600;
	s26 =	rddreg [dreg:$0xb];
	[sflag:s2] =	ssyncadd.s32 $0xFFFFFD00  }
0x29: {  	[tilespmem:s28], [sflag:$0x3] =	stream.linear.gather [hbm4b:s26+s3], $0x80, $0x38;
	[tilespmem:$0x18C80] =	vst v63  }
0x2a: {  	_ =	swait.ge [sflag:s2], $0x80  }
0x2b: {  	[sflag:s2] =	ssyncset.done $0x0  }
0x2c: {  	[sflag:s2] =	ssyncadd.s32 $0xFFFFFF80  }
0x2d: {  	s29 =	rddreg [dreg:$0xd];
	v50 =	vld [tilespmem:$0x18600]  }
0x2e: {  	v3 =	vld [tilespmem:$0x18610];
	[tilespmem:s3], [sflag:$0x1] =	stream.linear.gather [hbm4b:s29+s3], $0xC000, $0x38  }
0x2f: {  	s31 =	simm.s32 $0xC000;
	s26 =	simm.s32 $0x0;
	s30 =	rddreg [dreg:$0xe]  }
0x30: {  	[tilespmem:s31], [sflag:$0x2] =	stream.linear.gather [hbm4b:s30+s3], $0xC000, $0x38;
	[tilespmem:$0x18C80] =	vst v63  }
.LBB2_2:
0x31: {  	_ =	swait.ge [sflag:s19], $0xC000  }
0x32: {  	s28 =	sshll.u32 s26, $0x7;
	s29 =	simm.s32 $0x0;
	[sflag:s19] =	ssyncset.done $0x0  }
0x33: {  	s30 =	simm.s32 $0x0;
	s31 =	simm.s32 $0x0;
	v19 =	vmov s28;
	[sflag:s19] =	ssyncadd.s32 $0xFFFF4000  }
.LBB2_3:
0x34: {  	s0 =	smul.u32 $0x3000, s31;
	_ =	sdelay $0x1  }
0x35: {  	s1 =	sor.u32 $0xC00, s0  }
0x36: {  	[dreg:$0x4] =	wrdreg s1;
	s1 =	sadd.s32 $0x0, s30  }
0x37: {  	s14 =	simm.s32 $0x18310;
	s2 =	sand.u32 $0x60, s29;
	s16 =	sadd.s32 $0x900, s1  }
0x38: {  	s17 =	sand.u32 $0x380, s29;
	s5 =	rddreg [dreg:$0x4];
	s16 =	sand.u32 $0xFF80, s16  }
0x39: {  	s23 =	simm.s32 $0x10;
	v4 =	vld [tilespmem:s14+$0xFFFFFFF0];
	s5 =	sadd.s32 s17, s5;
	s24 =	sor.u32 s2, s16  }
0x3a: {  	s23 =	sand.u32 $0x70, s23;
	s13 =	sadd.s32 s2, s5;
	v5 =	vld [tilespmem:s24+$0x0]  }
0x3b: {  	s8 =	sadd.s32 $0xF00, s1;
	s16 =	sor.u32 s23, s16;
	v6 =	vld [tilespmem:s13+$0x0]  }
0x3c: {  	s8 =	sand.u32 $0x1FF80, s8;
	s5 =	sadd.s32 s23, s5;
	v9 =	vld [tilespmem:s16+$0x0]  }
0x3d: {  	s17 =	sadd.s32 s17, s0;
	s25 =	sor.u32 s23, s8;
	v10 =	vld [tilespmem:s5+$0x0]  }
0x3e: {  	s15 =	sadd.s32 $0x600, s1;
	s12 =	sadd.s32 s23, s17;
	v11 =	vld [tilespmem:s25+$0x0]  }
0x3f: {  	s6 =	simm.s32 $0x18010;
	s18 =	sadd.s32 $0x1200, s1;
	s24 =	sand.u32 $0xFF80, s15;
	v15 =	vld [tilespmem:s12+$0x0]  }
0x40: {  	v7 =	vld [tilespmem:s6+$0xFFFFFFF0];
	s16 =	sand.u32 $0x1F780, s18;
	s13 =	sadd.s32 $0x1500, s1;
	s11 =	sor.u32 s23, s24  }
0x41: {  	s1 =	sadd.s32 $0x300, s1;
	s7 =	sor.u32 s23, s16;
	s5 =	sand.u32 $0x1FF80, s13;
	v12 =	vld [tilespmem:s11+$0x0]  }
0x42: {  	v8 =	vimm.f32 $0.0e+00;
	s1 =	sand.u32 $0xF780, s1;
	v13 =	vld [tilespmem:s7+$0x0];
	s15 =	sor.u32 s23, s5;
	v14 =	vadd.s32 $0x8000, v5  }
0x43: {  	s18 =	sor.u32 s23, s1;
	v20 =	vld [tilespmem:s15+$0x0];
	v6 =	vadd.s32 $0x8000, v6;
	v9 =	vadd.s32 $0x8000, v9;
	v11 =	vadd.s32 $0x8000, v11  }
0x44: {  	v23 =	vld [tilespmem:s18+$0x0];
	v10 =	vadd.s32 $0x8000, v10;
	v15 =	vadd.s32 $0x8000, v15;
	v14 =	vand.u32 $0xFFFF0000, v14  }
0x45: {  	v5 =	vld [tilespmem:s14+$0x0];
	v16 =	vand.u32 $0xFFFF0000, v6;
	v10 =	vand.u32 $0xFFFF0000, v10;
	v15 =	vand.u32 $0xFFFF0000, v15  }
0x46: {  	v9 =	vand.u32 $0xFFFF0000, v9;
	v31 =	vand.u32 $0xFFFF0000, v11;
	v17 =	vmul.f32 v16, v7  }
0x47: {  	s17 =	sadd.s32 s2, s17;
	v6 =	vld [tilespmem:s6+$0x0];
	v18 =	vmul.f32 v14, v7;
	v12 =	vadd.s32 $0x8000, v12;
	v14 =	vmul.f32 v14, v4  }
0x48: {  	v21 =	vld [tilespmem:s17+$0x0];
	s25 =	sor.u32 s2, s16;
	v13 =	vadd.s32 $0x8000, v13;
	v16 =	vmul.f32 v16, v4;
	v12 =	vand.u32 $0xFFFF0000, v12  }
0x49: {  	s23 =	sor.u32 s2, s24;
	v25 =	vld [tilespmem:s25+$0x0];
	v28 =	vadd.s32 $0x8000, v20;
	v30 =	vadd.s32 $0x8000, v23;
	v39 =	vand.u32 $0xFFFF0000, v13  }
0x4a: {  	s24 =	sor.u32 s2, s8;
	v24 =	vld [tilespmem:s23+$0x0];
	v22 =	vadd.f32 v18, v8;
	v14 =	vadd.f32 v14, v8;
	v18 =	vmul.f32 v12, v5  }
0x4b: {  	v27 =	vadd.f32 v17, v8;
	v17 =	vld [tilespmem:s24+$0x0];
	v32 =	vmul.f32 v10, v5;
	v20 =	vmul.f32 v15, v5  }
0x4c: {  	v11 =	vadd.f32 v16, v8;
	v26 =	vmul.f32 v12, v6;
	v12 =	vmul.f32 v9, v5  }
0x4d: {  	v23 =	vand.u32 $0xFFFF0000, v28;
	v29 =	vmul.f32 v10, v6;
	v16 =	vmul.f32 v15, v6  }
0x4e: {  	v33 =	vmul.f32 v31, v6;
	v35 =	vmul.f32 v39, v6;
	v10 =	vadd.f32 v12, v14  }
0x4f: {  	s5 =	sor.u32 s2, s5;
	v14 =	vmul.f32 v9, v6;
	v9 =	vadd.f32 v32, v11;
	v11 =	vadd.s32 $0x8000, v21  }
0x50: {  	v12 =	vld [tilespmem:s5+$0x0];
	v21 =	vadd.s32 $0x8000, v24;
	v15 =	vadd.s32 $0x8000, v17;
	v17 =	vadd.s32 $0x8000, v25  }
0x51: {  	v38 =	vand.u32 $0xFFFF0000, v11;
	v17 =	vand.u32 $0xFFFF0000, v17;
	v14 =	vadd.f32 v14, v22  }
0x52: {  	v34 =	vand.u32 $0xFFFF0000, v15;
	v15 =	vand.u32 $0xFFFF0000, v21;
	v11 =	vmul.f32 v17, v7  }
0x53: {  	v21 =	vimm.f32 $0.0e+00;
	v17 =	vmul.f32 v17, v4;
	v13 =	vmul.f32 v34, v4  }
0x54: {  	v22 =	vimm.f32 $0.0e+00;
	v37 =	vmul.f32 v15, v4;
	v41 =	vmul.f32 v15, v7  }
0x55: {  	v15 =	vimm.f32 $0.0e+00;
	v32 =	vadd.f32 v11, v8;
	v11 =	vadd.s32 $0x8000, v12  }
0x56: {  	v12 =	vmul.f32 v38, v7;
	v25 =	vadd.f32 v17, v8;
	v24 =	vadd.f32 v13, v8  }
0x57: {  	s17 =	simm.s32 $0x18330;
	s1 =	sor.u32 s2, s1;
	v13 =	vimm.f32 $0.0e+00;
	v17 =	vimm.f32 $0.0e+00;
	v40 =	vand.u32 $0xFFFF0000, v11  }
0x58: {  	s16 =	simm.s32 $0x18030;
	s2 =	simm.s32 $0x0;
	v36 =	vld [tilespmem:s1+$0x0];
	s14 =	simm.s32 $0x20;
	v11 =	vimm.f32 $0.0e+00;
	v28 =	vadd.f32 v12, v8;
	v12 =	vimm.f32 $0.0e+00  }
.LBB2_4:
0x59: {  	s23 =	sand.u32 $0x60, s14;
	s5 =	sadd.s32 s14, s30;
	v42 =	vld [tilespmem:s17+$0x0];
	v43 =	vmul.f32 v40, v7  }
0x5a: {  	s6 =	rddreg [dreg:$0x4];
	v27 =	vadd.f32 v29, v27;
	v29 =	vmul.f32 v31, v5;
	s11 =	sadd.s32 $0x10, s14;
	v31 =	vld [tilespmem:s16+$0x0];
	v39 =	vmul.f32 v39, v5;
	s12 =	sand.u32 $0x380, s14  }
0x5b: {  	v53 =	vmul.f32 v23, v5;
	v44 =	vld [tilespmem:s17+$0xFFFFFFF0];
	v54 =	vmul.f32 v40, v4;
	s1 =	sadd.s32 $0x900, s5;
	s13 =	sadd.s32 s12, s6;
	s18 =	sadd.s32 $0x1200, s5  }
0x5c: {  	v34 =	vmul.f32 v34, v7;
	v38 =	vmul.f32 v38, v4;
	s12 =	sadd.s32 s12, s0;
	s24 =	sand.u32 $0xFF80, s1;
	v24 =	vadd.f32 v29, v24;
	v29 =	vld [tilespmem:s16+$0xFFFFFFF0];
	s15 =	sadd.s32 s23, s13  }
0x5d: {  	v30 =	vand.u32 $0xFFFF0000, v30;
	v8 =	vadd.f32 v41, v8;
	v15 =	vadd.f32 v37, v15;
	s1 =	sand.u32 $0x70, s11;
	s11 =	sand.u32 $0x1F780, s18;
	s18 =	sadd.s32 s23, s12;
	v55 =	vld [tilespmem:s15+$0x0]  }
0x5e: {  	v23 =	vmul.f32 v23, v6;
	s8 =	sadd.s32 $0x1500, s5;
	v32 =	vadd.f32 v35, v32;
	v11 =	vadd.f32 v43, v11;
	s25 =	sor.u32 s23, s24;
	v61 =	vld [tilespmem:s18+$0x0]  }
0x5f: {  	v58 =	vmul.f32 v30, v6;
	v28 =	vadd.f32 v16, v28;
	s8 =	sand.u32 $0x1FF80, s8;
	v8 =	vadd.f32 v26, v8;
	s13 =	sadd.s32 s1, s13;
	v26 =	vld [tilespmem:s25+$0x0]  }
0x60: {  	s7 =	sadd.s32 $0xF00, s5;
	v13 =	vadd.f32 v34, v13;
	s6 =	sor.u32 s23, s8;
	s8 =	sor.u32 s1, s8;
	v36 =	vadd.s32 $0x8000, v36;
	v11 =	vadd.f32 v23, v11;
	v23 =	vld [tilespmem:s13+$0x0]  }
0x61: {  	s7 =	sand.u32 $0x1FF80, s7;
	v12 =	vadd.f32 v54, v12;
	v21 =	vadd.f32 v38, v21;
	s25 =	sor.u32 s1, s24;
	v60 =	vld [tilespmem:s8+$0x0];
	v36 =	vand.u32 $0xFFFF0000, v36  }
0x62: {  	v25 =	vadd.f32 v39, v25;
	s15 =	sadd.s32 $0x600, s5;
	v15 =	vadd.f32 v18, v15;
	s24 =	sor.u32 s23, s7;
	s7 =	sor.u32 s1, s7;
	v56 =	vld [tilespmem:s25+$0x0];
	v1 =	vmul.f32 v36, v7  }
0x63: {  	s15 =	sand.u32 $0xFF80, s15;
	v13 =	vadd.f32 v33, v13;
	v21 =	vadd.f32 v20, v21;
	v18 =	vld [tilespmem:s7+$0x0];
	v57 =	vmul.f32 v36, v4  }
0x64: {  	v20 =	vmul.f32 v30, v5;
	v12 =	vadd.f32 v53, v12;
	s13 =	sor.u32 s23, s15;
	s15 =	sor.u32 s1, s15;
	v48 =	vld [tilespmem:s24+$0x0];
	v22 =	vadd.f32 v1, v22  }
0x65: {  	v6 =	vmovc v31;
	v31 =	vld [tilespmem:s15+$0x0];
	v30 =	vadd.s32 $0x8000, v55;
	v17 =	vadd.f32 v57, v17;
	v55 =	vadd.s32 $0x8000, v61  }
0x66: {  	s25 =	sor.u32 s1, s11;
	s11 =	sor.u32 s23, s11;
	v47 =	vld [tilespmem:s13+$0x0];
	v26 =	vadd.s32 $0x8000, v26;
	v30 =	vand.u32 $0xFFFF0000, v30;
	v23 =	vadd.s32 $0x8000, v23  }
0x67: {  	v51 =	vld [tilespmem:s11+$0x0];
	v7 =	vmovc v29;
	v34 =	vadd.s32 $0x8000, v60;
	v38 =	vand.u32 $0xFFFF0000, v55;
	v35 =	vadd.s32 $0x8000, v56  }
0x68: {  	v29 =	vld [tilespmem:s25+$0x0];
	v26 =	vand.u32 $0xFFFF0000, v26;
	v22 =	vadd.f32 v58, v22;
	v62 =	vmul.f32 v30, v7  }
0x69: {  	v4 =	vmovc v44;
	v17 =	vadd.f32 v20, v17;
	v63 =	vadd.s32 $0x8000, v18;
	v23 =	vand.u32 $0xFFFF0000, v23  }
0x6a: {  	v30 =	vmul.f32 v30, v4;
	v56 =	vadd.s32 $0x8000, v48;
	v16 =	vmul.f32 v26, v7  }
0x6b: {  	v5 =	vmovc v42;
	v31 =	vadd.s32 $0x8000, v31;
	v18 =	vmul.f32 v26, v4;
	v35 =	vand.u32 $0xFFFF0000, v35  }
0x6c: {  	v46 =	vld [tilespmem:s6+$0x0];
	v53 =	vmul.f32 v23, v5;
	v57 =	vadd.s32 $0x8000, v51;
	v33 =	vadd.s32 $0x8000, v47  }
0x6d: {  	s12 =	sadd.s32 s1, s12;
	v45 =	vadd.s32 $0x8000, v29;
	v27 =	vadd.f32 v62, v27;
	v26 =	vand.u32 $0xFFFF0000, v31  }
0x6e: {  	v59 =	vld [tilespmem:s12+$0x0];
	v29 =	vmul.f32 v23, v6;
	v52 =	vmul.f32 v35, v5;
	v31 =	vand.u32 $0xFFFF0000, v63  }
0x6f: {  	s5 =	sadd.s32 $0x300, s5;
	v9 =	vadd.f32 v30, v9;
	v23 =	vand.u32 $0xFFFF0000, v34;
	v54 =	vmul.f32 v35, v6  }
0x70: {  	s5 =	sand.u32 $0xF780, s5;
	v58 =	vand.u32 $0xFFFF0000, v57;
	v34 =	vand.u32 $0xFFFF0000, v56;
	v33 =	vand.u32 $0xFFFF0000, v33  }
0x71: {  	s1 =	sor.u32 s1, s5;
	v62 =	vadd.s32 $0x8000, v46;
	v63 =	vmul.f32 v38, v7;
	v14 =	vadd.f32 v16, v14  }
0x72: {  	v20 =	vld [tilespmem:s1+$0x0];
	v10 =	vadd.f32 v18, v10;
	v18 =	vmul.f32 v26, v5;
	v26 =	vmul.f32 v26, v6  }
0x73: {  	s2 =	sadd.s32 $0x2, s2;
	v16 =	vadd.s32 $0x8000, v59;
	v59 =	vmul.f32 v58, v7;
	v60 =	vmul.f32 v58, v4  }
0x74: {  	p0 =	slt.u32 s2, $0x2E;
	v39 =	vand.u32 $0xFFFF0000, v45;
	v61 =	vmul.f32 v34, v4;
	v37 =	vmul.f32 v33, v4  }
.Ltmp2:
0x75: {  	v41 =	vmul.f32 v33, v7;
	v40 =	vand.u32 $0xFFFF0000, v62;
	v33 =	vmul.f32 v31, v6;
	(pc) =	sbr.rel @p0 .LBB2_4-.Ltmp2, $4  }
0x76: {  	v16 =	vand.u32 $0xFFFF0000, v16;
	v9 =	vadd.f32 v53, v9;
	v28 =	vadd.f32 v63, v28  }
0x77: {  	v35 =	vmul.f32 v39, v6;
	v30 =	vadd.s32 $0x8000, v20;
	v10 =	vadd.f32 v52, v10  }
0x78: {  	s25 =	sor.u32 s23, s5;
	v20 =	vmul.f32 v16, v5;
	v14 =	vadd.f32 v54, v14;
	v32 =	vadd.f32 v59, v32  }
0x79: {  	s14 =	sadd.s32 $0x20, s14;
	s17 =	sadd.s32 $0x20, s17;
	s16 =	sadd.s32 $0x20, s16;
	v36 =	vld [tilespmem:s25+$0x0];
	v16 =	vmul.f32 v16, v6;
	v25 =	vadd.f32 v60, v25;
	v24 =	vadd.f32 v61, v24  }
0x7a: {  	_ =	sdelay $0x3  }
0x7b: {  	v38 =	vmul.f32 v38, v4;
	v36 =	vadd.s32 $0x8000, v36  }
0x7c: {  	v8 =	vadd.f32 v41, v8;
	[tilespmem:$0x187C0] =	vst v9;
	v9 =	vadd.f32 v35, v32;
	v36 =	vand.u32 $0xFFFF0000, v36  }
0x7d: {  	[tilespmem:$0x186B0] =	vst v14;
	v21 =	vadd.f32 v38, v21;
	v42 =	vmul.f32 v36, v7;
	v36 =	vmul.f32 v36, v4  }
0x7e: {  	v30 =	vand.u32 $0xFFFF0000, v30;
	[tilespmem:$0x187B0] =	vst v10;
	v16 =	vadd.f32 v16, v28;
	v8 =	vadd.f32 v26, v8  }
0x7f: {  	[tilespmem:$0x186E0] =	vst v9;
	v20 =	vadd.f32 v20, v21;
	v21 =	vmul.f32 v30, v5;
	v17 =	vadd.f32 v36, v17  }
0x80: {  	v15 =	vadd.f32 v37, v15;
	[tilespmem:$0x186A0] =	vst v8;
	v8 =	vadd.f32 v29, v27  }
0x81: {  	v14 =	vmul.f32 v31, v5;
	[tilespmem:$0x18680] =	vst v16;
	v16 =	vadd.f32 v21, v17  }
0x82: {  	v15 =	vadd.f32 v18, v15;
	[tilespmem:$0x186C0] =	vst v8;
	v8 =	vmul.f32 v39, v5;
	v4 =	vmul.f32 v40, v4  }
0x83: {  	v63 =	vmul.f32 v30, v6;
	v22 =	vadd.f32 v42, v22;
	[tilespmem:$0x18790] =	vst v16;
	v16 =	vmul.f32 v34, v7  }
0x84: {  	[tilespmem:$0x187A0] =	vst v15;
	v5 =	vmul.f32 v23, v5;
	v4 =	vadd.f32 v4, v12;
	v8 =	vadd.f32 v8, v25  }
0x85: {  	[tilespmem:$0x18780] =	vst v20;
	v22 =	vadd.f32 v63, v22;
	v7 =	vmul.f32 v40, v7;
	v13 =	vadd.f32 v16, v13  }
0x86: {  	v4 =	vadd.f32 v5, v4;
	[tilespmem:$0x187E0] =	vst v8  }
0x87: {  	s1 =	sadd.s32 $0x1800, s0;
	s13 =	sadd.s32 $0x2400, s0;
	v6 =	vmul.f32 v23, v6;
	[tilespmem:$0x18690] =	vst v22;
	v7 =	vadd.f32 v7, v11;
	v10 =	vadd.f32 v33, v13  }
0x88: {  	s5 =	simm.s32 $0x0;
	s2 =	sadd.s32 $0x0, s30;
	[dreg:$0x5] =	wrdreg s1;
	[tilespmem:$0x187F0] =	vst v4;
	v13 =	vadd.f32 v14, v24  }
0x89: {  	s7 =	simm.s32 $0x10;
	[dreg:$0x6] =	wrdreg s13;
	s15 =	sadd.s32 $0x2100, s2;
	v6 =	vadd.f32 v6, v7;
	[tilespmem:$0x186D0] =	vst v10  }
0x8a: {  	s0 =	sand.u32 $0x70, s7;
	s1 =	sand.u32 $0x60, s5;
	s11 =	sand.u32 $0x1F780, s15;
	[tilespmem:$0x187D0] =	vst v13  }
0x8b: {  	s5 =	sand.u32 $0x380, s5;
	s6 =	rddreg [dreg:$0x5];
	s7 =	sor.u32 s0, s11;
	[tilespmem:$0x186F0] =	vst v6  }
0x8c: {  	s6 =	sadd.s32 s5, s6;
	s11 =	sor.u32 s1, s11;
	v8 =	vld [tilespmem:s7+$0x0]  }
0x8d: {  	s12 =	sadd.s32 $0x1B00, s2;
	s17 =	sadd.s32 s0, s6;
	v9 =	vld [tilespmem:s11+$0x0]  }
0x8e: {  	s16 =	rddreg [dreg:$0x6];
	s18 =	sand.u32 $0x1FF80, s12;
	s6 =	sadd.s32 s1, s6;
	v10 =	vld [tilespmem:s17+$0x0]  }
0x8f: {  	s24 =	sadd.s32 $0x2A00, s2;
	s5 =	sadd.s32 s5, s16;
	s23 =	sor.u32 s0, s18;
	v11 =	vld [tilespmem:s6+$0x0]  }
0x90: {  	s12 =	sand.u32 $0x1FF80, s24;
	s25 =	sadd.s32 s0, s5;
	v12 =	vld [tilespmem:s23+$0x0]  }
0x91: {  	s15 =	sor.u32 s0, s12;
	v14 =	vld [tilespmem:s25+$0x0]  }
0x92: {  	s14 =	simm.s32 $0x18310;
	v17 =	vld [tilespmem:s15+$0x0]  }
0x93: {  	s8 =	simm.s32 $0x18010;
	v5 =	vld [tilespmem:s14+$0xFFFFFFF0]  }
0x94: {  	v7 =	vld [tilespmem:s8+$0xFFFFFFF0]  }
0x95: {  	s16 =	sadd.s32 $0x2D00, s2;
	v6 =	vld [tilespmem:s8+$0x0];
	v13 =	vadd.s32 $0x8000, v8;
	v9 =	vadd.s32 $0x8000, v9  }
0x96: {  	v4 =	vld [tilespmem:s14+$0x0];
	s14 =	sadd.s32 $0x1E00, s2;
	s6 =	sor.u32 s1, s12;
	s17 =	sand.u32 $0x3FF80, s16;
	v8 =	vimm.f32 $0.0e+00;
	v10 =	vadd.s32 $0x8000, v10;
	v11 =	vadd.s32 $0x8000, v11  }
0x97: {  	s8 =	sand.u32 $0x3FF80, s14;
	v18 =	vld [tilespmem:s6+$0x0];
	s23 =	sor.u32 s0, s17;
	v12 =	vadd.s32 $0x8000, v12;
	v14 =	vadd.s32 $0x8000, v14;
	v17 =	vadd.s32 $0x8000, v17  }
0x98: {  	s13 =	sor.u32 s1, s18;
	s18 =	sor.u32 s0, s8;
	v24 =	vld [tilespmem:s23+$0x0];
	v15 =	vand.u32 $0xFFFF0000, v13;
	v9 =	vand.u32 $0xFFFF0000, v9;
	v10 =	vand.u32 $0xFFFF0000, v10  }
0x99: {  	s24 =	sor.u32 s1, s8;
	v21 =	vld [tilespmem:s18+$0x0];
	v11 =	vand.u32 $0xFFFF0000, v11;
	v16 =	vmul.f32 v9, v7;
	v9 =	vmul.f32 v9, v5  }
0x9a: {  	v27 =	vld [tilespmem:s24+$0x0];
	v25 =	vand.u32 $0xFFFF0000, v12;
	v22 =	vmul.f32 v10, v6;
	v23 =	vmul.f32 v11, v7  }
0x9b: {  	s5 =	sadd.s32 s1, s5;
	v13 =	vld [tilespmem:s13+$0x0];
	v28 =	vand.u32 $0xFFFF0000, v14;
	v26 =	vmul.f32 v15, v4;
	v10 =	vmul.f32 v10, v4  }
0x9c: {  	s25 =	sor.u32 s1, s17;
	v12 =	vld [tilespmem:s5+$0x0];
	v31 =	vand.u32 $0xFFFF0000, v17;
	v11 =	vmul.f32 v11, v5;
	v20 =	vmul.f32 v25, v4  }
0x9d: {  	v14 =	vld [tilespmem:s25+$0x0];
	v32 =	vadd.s32 $0x8000, v24;
	v35 =	vmul.f32 v28, v6;
	v15 =	vmul.f32 v15, v6  }
0x9e: {  	s2 =	sadd.s32 $0x2700, s2;
	v40 =	vmul.f32 v28, v4;
	v17 =	vadd.s32 $0x8000, v21;
	v11 =	vadd.f32 v11, v8  }
0x9f: {  	s2 =	sand.u32 $0x1FF80, s2;
	v28 =	vimm.f32 $0.0e+00;
	v16 =	vadd.f32 v16, v8;
	v38 =	vand.u32 $0xFFFF0000, v17  }
0xa0: {  	s1 =	sor.u32 s1, s2;
	v17 =	vimm.f32 $0.0e+00;
	v13 =	vadd.s32 $0x8000, v13;
	v10 =	vadd.f32 v10, v11  }
0xa1: {  	v11 =	vadd.s32 $0x8000, v27;
	v29 =	vand.u32 $0xFFFF0000, v13;
	v13 =	vadd.s32 $0x8000, v18;
	v18 =	vld [tilespmem:s1+$0x0]  }
0xa2: {  	v12 =	vadd.s32 $0x8000, v12;
	v14 =	vadd.s32 $0x8000, v14;
	v27 =	vadd.f32 v9, v8  }
0xa3: {  	v36 =	vand.u32 $0xFFFF0000, v11;
	v12 =	vand.u32 $0xFFFF0000, v12;
	v39 =	vand.u32 $0xFFFF0000, v14  }
0xa4: {  	v34 =	vmul.f32 v29, v7;
	v30 =	vand.u32 $0xFFFF0000, v13;
	v13 =	vmul.f32 v31, v4  }
0xa5: {  	v11 =	vadd.f32 v26, v27;
	v41 =	vmul.f32 v12, v7;
	v21 =	vmul.f32 v30, v5  }
0xa6: {  	v33 =	vmul.f32 v30, v7;
	v30 =	vmul.f32 v39, v7;
	v9 =	vadd.s32 $0x8000, v18  }
0xa7: {  	v27 =	vadd.f32 v21, v8;
	v21 =	vimm.f32 $0.0e+00;
	v37 =	vand.u32 $0xFFFF0000, v9  }
0xa8: {  	v9 =	vadd.f32 v15, v16;
	v15 =	vadd.f32 v23, v8;
	v16 =	vmul.f32 v12, v5  }
0xa9: {  	v18 =	vimm.f32 $0.0e+00;
	v12 =	vimm.f32 $0.0e+00;
	v23 =	vimm.f32 $0.0e+00  }
0xaa: {  	s16 =	simm.s32 $0x18330;
	s14 =	simm.s32 $0x18030;
	v24 =	vmul.f32 v37, v7;
	v14 =	vadd.f32 v22, v15;
	v26 =	vadd.f32 v16, v8  }
0xab: {  	s17 =	sor.u32 s0, s2;
	s0 =	simm.s32 $0x0;
	s2 =	simm.s32 $0x20;
	v22 =	vimm.f32 $0.0e+00;
	v15 =	vimm.f32 $0.0e+00;
	v16 =	vimm.f32 $0.0e+00  }
.LBB2_6:
0xac: {  	v63 =	vld [tilespmem:s17+$0x0]  }
0xad: {  	s1 =	rddreg [dreg:$0x5];
	s8 =	sadd.s32 $0x10, s2;
	v42 =	vld [tilespmem:s16+$0x0];
	s11 =	sand.u32 $0x380, s2  }
0xae: {  	s23 =	sand.u32 $0x60, s2;
	v31 =	vmul.f32 v31, v6;
	v32 =	vand.u32 $0xFFFF0000, v32;
	v12 =	vadd.f32 v33, v12;
	v46 =	vld [tilespmem:s16+$0xFFFFFFF0];
	s24 =	sand.u32 $0x70, s8;
	s1 =	sadd.s32 s11, s1  }
0xaf: {  	s5 =	sadd.s32 s2, s30;
	v45 =	vmul.f32 v38, v6;
	v43 =	vld [tilespmem:s14+$0xFFFFFFF0];
	v25 =	vmul.f32 v25, v6;
	v23 =	vadd.f32 v34, v23;
	s12 =	sadd.s32 s23, s1;
	s1 =	sadd.s32 s24, s1  }
0xb0: {  	v39 =	vmul.f32 v39, v5;
	v29 =	vmul.f32 v29, v5;
	v8 =	vadd.f32 v41, v8;
	s6 =	sadd.s32 $0x2100, s5;
	v58 =	vld [tilespmem:s1+$0x0]  }
0xb1: {  	s7 =	rddreg [dreg:$0x6];
	v51 =	vmul.f32 v38, v4;
	v26 =	vadd.f32 v40, v26;
	s13 =	sadd.s32 $0x2A00, s5;
	s6 =	sand.u32 $0x1F780, s6;
	v23 =	vadd.f32 v25, v23;
	v25 =	vld [tilespmem:s14+$0x0]  }
0xb2: {  	v59 =	vmul.f32 v36, v7;
	s15 =	sadd.s32 $0x2D00, s5;
	v15 =	vadd.f32 v30, v15;
	v27 =	vadd.f32 v13, v27;
	s17 =	sor.u32 s23, s6;
	s6 =	sor.u32 s24, s6;
	v61 =	vld [tilespmem:s12+$0x0]  }
0xb3: {  	v60 =	vmul.f32 v36, v5;
	s18 =	sadd.s32 $0x1E00, s5;
	s25 =	sadd.s32 $0x1B00, s5;
	v16 =	vadd.f32 v24, v16;
	v12 =	vadd.f32 v31, v12;
	s8 =	sand.u32 $0x3FF80, s15;
	v31 =	vld [tilespmem:s6+$0x0]  }
0xb4: {  	v47 =	vmul.f32 v32, v6;
	v28 =	vadd.f32 v39, v28;
	v18 =	vadd.f32 v29, v18;
	s15 =	sand.u32 $0x1FF80, s25;
	s25 =	sor.u32 s23, s8;
	s8 =	sor.u32 s24, s8;
	v48 =	vld [tilespmem:s17+$0x0]  }
0xb5: {  	s7 =	sadd.s32 s11, s7;
	v29 =	vmul.f32 v37, v5;
	v21 =	vadd.f32 v59, v21;
	v17 =	vadd.f32 v60, v17;
	s6 =	sand.u32 $0x3FF80, s18;
	s18 =	sor.u32 s24, s15;
	v55 =	vld [tilespmem:s8+$0x0]  }
0xb6: {  	v32 =	vmul.f32 v32, v4;
	v8 =	vadd.f32 v35, v8;
	v15 =	vadd.f32 v47, v15;
	s17 =	sadd.s32 $0x2700, s5;
	s5 =	sadd.s32 s23, s7;
	s7 =	sadd.s32 s24, s7;
	v30 =	vld [tilespmem:s18+$0x0]  }
0xb7: {  	v18 =	vadd.f32 v20, v18;
	v22 =	vadd.f32 v29, v22;
	v1 =	vadd.s32 $0x8000, v63;
	v62 =	vld [tilespmem:s7+$0x0]  }
0xb8: {  	v21 =	vadd.f32 v45, v21;
	v17 =	vadd.f32 v51, v17;
	s11 =	sand.u32 $0x1FF80, s17;
	s17 =	sor.u32 s23, s15;
	v57 =	vld [tilespmem:s5+$0x0];
	v20 =	vand.u32 $0xFFFF0000, v1  }
0xb9: {  	s13 =	sand.u32 $0x1FF80, s13;
	v28 =	vadd.f32 v32, v28;
	s1 =	sor.u32 s23, s6;
	v13 =	vld [tilespmem:s17+$0x0];
	v29 =	vmul.f32 v20, v6;
	v20 =	vmul.f32 v20, v4  }
0xba: {  	s18 =	sor.u32 s23, s11;
	s23 =	sor.u32 s23, s13;
	v47 =	vld [tilespmem:s1+$0x0];
	v1 =	vadd.s32 $0x8000, v58;
	v6 =	vadd.s32 $0x8000, v31;
	v31 =	vadd.s32 $0x8000, v48  }
0xbb: {  	v44 =	vld [tilespmem:s23+$0x0];
	v52 =	vand.u32 $0xFFFF0000, v1;
	v22 =	vadd.f32 v20, v22;
	v16 =	vadd.f32 v29, v16  }
0xbc: {  	v7 =	vmovc v43;
	v4 =	vmovc v42;
	v59 =	vld [tilespmem:s18+$0x0];
	v32 =	vadd.s32 $0x8000, v55;
	v39 =	vand.u32 $0xFFFF0000, v6;
	v31 =	vand.u32 $0xFFFF0000, v31  }
0xbd: {  	v5 =	vmovc v46;
	v46 =	vmul.f32 v52, v4;
	v20 =	vadd.s32 $0x8000, v30;
	v63 =	vmul.f32 v31, v7  }
0xbe: {  	v58 =	vadd.s32 $0x8000, v62;
	v54 =	vmul.f32 v31, v5;
	v45 =	vmul.f32 v39, v4  }
0xbf: {  	v13 =	vadd.s32 $0x8000, v13;
	v48 =	vand.u32 $0xFFFF0000, v58;
	v60 =	vadd.s32 $0x8000, v47  }
0xc0: {  	v6 =	vmovc v25;
	v25 =	vadd.s32 $0x8000, v61;
	v29 =	vand.u32 $0xFFFF0000, v13;
	v13 =	vadd.s32 $0x8000, v44  }
0xc1: {  	v61 =	vadd.s32 $0x8000, v57;
	v37 =	vadd.s32 $0x8000, v59;
	v36 =	vand.u32 $0xFFFF0000, v60  }
0xc2: {  	v40 =	vmul.f32 v48, v4;
	v24 =	vand.u32 $0xFFFF0000, v25;
	v56 =	vmul.f32 v52, v6  }
0xc3: {  	s6 =	sor.u32 s24, s6;
	s17 =	sor.u32 s24, s11;
	s24 =	sor.u32 s24, s13;
	v30 =	vld [tilespmem:s25+$0x0];
	v25 =	vand.u32 $0xFFFF0000, v20;
	v34 =	vmul.f32 v29, v7;
	v44 =	vand.u32 $0xFFFF0000, v13  }
0xc4: {  	v31 =	vld [tilespmem:s24+$0x0];
	v35 =	vmul.f32 v48, v6;
	v9 =	vadd.f32 v63, v9;
	v39 =	vmul.f32 v39, v6  }
0xc5: {  	v11 =	vadd.f32 v54, v11;
	v43 =	vmul.f32 v24, v7;
	v24 =	vmul.f32 v24, v5  }
0xc6: {  	v53 =	vld [tilespmem:s6+$0x0];
	v62 =	vand.u32 $0xFFFF0000, v61;
	v20 =	vmul.f32 v25, v4;
	v33 =	vmul.f32 v44, v7  }
0xc7: {  	s0 =	sadd.s32 $0x2, s0;
	v37 =	vand.u32 $0xFFFF0000, v37;
	v44 =	vmul.f32 v44, v5;
	v63 =	vmul.f32 v62, v5  }
0xc8: {  	p0 =	slt.u32 s0, $0x2E;
	v41 =	vmul.f32 v62, v7;
	v30 =	vadd.s32 $0x8000, v30;
	v9 =	vadd.f32 v39, v9  }
.Ltmp3:
0xc9: {  	v11 =	vadd.f32 v45, v11;
	v10 =	vadd.f32 v24, v10;
	v24 =	vadd.s32 $0x8000, v31;
	(pc) =	sbr.rel @p0 .LBB2_6-.Ltmp3, $4  }
0xca: {  	v14 =	vadd.f32 v43, v14;
	v39 =	vand.u32 $0xFFFF0000, v30;
	v27 =	vadd.f32 v44, v27  }
0xcb: {  	v26 =	vadd.f32 v63, v26;
	v31 =	vand.u32 $0xFFFF0000, v24;
	v24 =	vadd.s32 $0x8000, v53  }
0xcc: {  	v30 =	vmul.f32 v39, v7;
	v13 =	vmul.f32 v31, v4;
	v10 =	vadd.f32 v46, v10  }
0xcd: {  	s2 =	sadd.s32 $0x20, s2;
	s16 =	sadd.s32 $0x20, s16;
	s14 =	sadd.s32 $0x20, s14;
	v38 =	vand.u32 $0xFFFF0000, v24;
	v24 =	vmul.f32 v37, v7;
	v14 =	vadd.f32 v56, v14  }
0xce: {  	v29 =	vmul.f32 v29, v5;
	v23 =	vadd.f32 v34, v23;
	v25 =	vmul.f32 v25, v6  }
0xcf: {  	v7 =	vmul.f32 v36, v7;
	v61 =	vld [tilespmem:s17+$0x0];
	v8 =	vadd.f32 v41, v8;
	[tilespmem:$0x18730] =	vst v9;
	v9 =	vadd.f32 v40, v26  }
0xd0: {  	v62 =	vmul.f32 v36, v5;
	[tilespmem:$0x18800] =	vst v10;
	v12 =	vadd.f32 v33, v12;
	v16 =	vadd.f32 v24, v16  }
0xd1: {  	[tilespmem:$0x18830] =	vst v11;
	v11 =	vmul.f32 v31, v6;
	v18 =	vadd.f32 v29, v18;
	v23 =	vadd.f32 v25, v23  }
0xd2: {  	v63 =	vmul.f32 v38, v6;
	[tilespmem:$0x18700] =	vst v14;
	v7 =	vadd.f32 v7, v21;
	v17 =	vadd.f32 v62, v17  }
0xd3: {  	v14 =	vmul.f32 v38, v4;
	v8 =	vadd.f32 v35, v8;
	[tilespmem:$0x18840] =	vst v9;
	v9 =	vadd.f32 v11, v12  }
0xd4: {  	v11 =	vadd.f32 v30, v15;
	v7 =	vadd.f32 v63, v7;
	[tilespmem:$0x18710] =	vst v23  }
0xd5: {  	v18 =	vadd.f32 v20, v18;
	v10 =	vadd.f32 v14, v17;
	[tilespmem:$0x18740] =	vst v8;
	v14 =	vadd.s32 $0x8000, v61  }
0xd6: {  	[tilespmem:$0x18720] =	vst v7;
	v7 =	vmul.f32 v37, v5;
	v14 =	vand.u32 $0xFFFF0000, v14;
	v5 =	vmul.f32 v39, v5  }
0xd7: {  	v8 =	vand.u32 $0xFFFF0000, v32;
	[tilespmem:$0x18820] =	vst v10;
	v10 =	vmul.f32 v14, v6;
	v14 =	vmul.f32 v14, v4  }
0xd8: {  	[tilespmem:$0x18760] =	vst v9;
	v6 =	vmul.f32 v8, v6;
	v4 =	vmul.f32 v8, v4;
	v8 =	vadd.f32 v13, v27  }
0xd9: {  	[tilespmem:$0x18810] =	vst v18;
	v7 =	vadd.f32 v7, v22;
	v10 =	vadd.f32 v10, v16  }
0xda: {  	v5 =	vadd.f32 v5, v28;
	v6 =	vadd.f32 v6, v11;
	[tilespmem:$0x18860] =	vst v8  }
0xdb: {  	v7 =	vadd.f32 v14, v7;
	[tilespmem:$0x18750] =	vst v10  }
0xdc: {  	v5 =	vadd.f32 v4, v5;
	v4 =	vor.u32 $0x1, v0;
	[tilespmem:$0x18770] =	vst v6  }
0xdd: {  	[tilespmem:$0x18850] =	vst v7  }
0xde: {  	[tilespmem:$0x18870] =	vst v5;
	v5 =	vor.u32 $0x2, v0  }
0xdf: {  	v8 =	vld.idx.msk [tilespmem:v0+s20+$0x0], $0xffff  }
0xe0: {  	v6 =	vor.u32 $0x3, v0;
	v9 =	vld.idx.msk [tilespmem:v0+s21+$0x0], $0xffff  }
0xe1: {  	v10 =	vld.idx.msk [tilespmem:v4+s20+$0x0], $0xffff  }
0xe2: {  	v7 =	vor.u32 $0x4, v0;
	v11 =	vld.idx.msk [tilespmem:v4+s21+$0x0], $0xffff  }
0xe3: {  	v12 =	vld.idx.msk [tilespmem:v5+s20+$0x0], $0xffff  }
0xe4: {  	v14 =	vld.idx.msk [tilespmem:v5+s21+$0x0], $0xffff;
	v13 =	vadd.f32 $0.0e+00, v8;
	v8 =	vor.u32 $0x5, v0  }
0xe5: {  	v16 =	vld.idx.msk [tilespmem:v6+s20+$0x0], $0xffff;
	v15 =	vadd.f32 $0.0e+00, v9  }
0xe6: {  	v9 =	vor.u32 $0x6, v0;
	v10 =	vadd.f32 v10, v13;
	v13 =	vld.idx.msk [tilespmem:v6+s21+$0x0], $0xffff  }
0xe7: {  	v11 =	vadd.f32 v11, v15;
	v15 =	vld.idx.msk [tilespmem:v7+s20+$0x0], $0xffff  }
0xe8: {  	v17 =	vld.idx.msk [tilespmem:v7+s21+$0x0], $0xffff;
	v12 =	vadd.f32 v12, v10;
	v10 =	vor.u32 $0x7, v0  }
0xe9: {  	v14 =	vadd.f32 v14, v11;
	v18 =	vld.idx.msk [tilespmem:v8+s20+$0x0], $0xffff  }
0xea: {  	v11 =	vor.u32 $0x8, v0;
	v12 =	vadd.f32 v16, v12;
	v16 =	vld.idx.msk [tilespmem:v8+s21+$0x0], $0xffff  }
0xeb: {  	v13 =	vadd.f32 v13, v14;
	v14 =	vld.idx.msk [tilespmem:v9+s20+$0x0], $0xffff  }
0xec: {  	v20 =	vld.idx.msk [tilespmem:v9+s21+$0x0], $0xffff;
	v15 =	vadd.f32 v15, v12;
	v12 =	vor.u32 $0x9, v0  }
0xed: {  	v17 =	vadd.f32 v17, v13;
	v36 =	vld.idx.msk [tilespmem:v10+s20+$0x0], $0xffff  }
0xee: {  	v13 =	vor.u32 $0xA, v0;
	v15 =	vadd.f32 v18, v15;
	v18 =	vld.idx.msk [tilespmem:v10+s21+$0x0], $0xffff  }
0xef: {  	v16 =	vadd.f32 v16, v17;
	v17 =	vld.idx.msk [tilespmem:v11+s20+$0x0], $0xffff  }
0xf0: {  	v37 =	vld.idx.msk [tilespmem:v11+s21+$0x0], $0xffff;
	v15 =	vadd.f32 v14, v15;
	v14 =	vor.u32 $0xB, v0  }
0xf1: {  	v16 =	vadd.f32 v20, v16;
	v20 =	vld.idx.msk [tilespmem:v12+s20+$0x0], $0xffff  }
0xf2: {  	v23 =	vld.idx.msk [tilespmem:v12+s21+$0x0], $0xffff;
	v21 =	vadd.f32 v36, v15;
	v15 =	vor.u32 $0xC, v0  }
0xf3: {  	v38 =	vld.idx.msk [tilespmem:v13+s20+$0x0], $0xffff;
	v18 =	vadd.f32 v18, v16  }
0xf4: {  	v39 =	vld.idx.msk [tilespmem:v13+s21+$0x0], $0xffff;
	v16 =	vor.u32 $0xD, v0;
	v17 =	vadd.f32 v17, v21  }
0xf5: {  	v18 =	vadd.f32 v37, v18;
	v40 =	vld.idx.msk [tilespmem:v14+s20+$0x0], $0xffff  }
0xf6: {  	v41 =	vld.idx.msk [tilespmem:v14+s21+$0x0], $0xffff;
	v20 =	vadd.f32 v20, v17;
	v17 =	vor.u32 $0xE, v0  }
0xf7: {  	v23 =	vadd.f32 v23, v18;
	v42 =	vld.idx.msk [tilespmem:v15+s20+$0x0], $0xffff  }
0xf8: {  	v43 =	vld.idx.msk [tilespmem:v15+s21+$0x0], $0xffff;
	v18 =	vor.u32 $0xF, v0;
	v20 =	vadd.f32 v38, v20  }
0xf9: {  	v44 =	vld.idx.msk [tilespmem:v16+s20+$0x0], $0xffff;
	v21 =	vadd.f32 v39, v23  }
0xfa: {  	v45 =	vld.idx.msk [tilespmem:v16+s21+$0x0], $0xffff;
	v20 =	vadd.f32 v40, v20  }
0xfb: {  	v21 =	vadd.f32 v41, v21;
	v46 =	vld.idx.msk [tilespmem:v17+s20+$0x0], $0xffff  }
0xfc: {  	v47 =	vld.idx.msk [tilespmem:v17+s21+$0x0], $0xffff;
	v20 =	vadd.f32 v42, v20  }
0xfd: {  	v48 =	vld.idx.msk [tilespmem:v18+s20+$0x0], $0xffff;
	v21 =	vadd.f32 v43, v21  }
0xfe: {  	v51 =	vld.idx.msk [tilespmem:v18+s21+$0x0], $0xffff;
	v20 =	vadd.f32 v44, v20  }
0xff: {  	v21 =	vadd.f32 v45, v21  }
0x100: {  	v20 =	vadd.f32 v46, v20  }
0x101: {  	v21 =	vadd.f32 v47, v21  }
0x102: {  	v20 =	vadd.f32 v48, v20  }
0x103: {  	v21 =	vadd.f32 v51, v21  }
0x104: {  	v20 =	vmax.f32 v20, $-8.700000000e+01  }
0x105: {  	v20 =	vmin.f32 v20, $8.700000000e+01;
	v21 =	vmax.f32 v21, $-8.700000000e+01  }
0x106: {  	v20 =	vmul.f32 $-1.442695020e+00, v20;
	v21 =	vmin.f32 v21, $8.700000000e+01  }
0x107: {  	v21 =	vmul.f32 $-1.442695020e+00, v21  }
0x108: {  	v52 =	vadd.f32 $1.925000000e+02, v20  }
0x109: {  	v53 =	vadd.f32 $1.925000000e+02, v21  }
0x10a: {  	v22 =	vtrunc.f32 v52  }
0x10b: {  	v22 =	vcvt.f32.s32 v22;
	v23 =	vtrunc.f32 v53  }
0x10c: {  	v23 =	vcvt.f32.s32 v23  }
0x10d: {  	v54 =	vadd.s32 $0xFFFFFF40, v22  }
0x10e: {  	v24 =	vcvt.s32.f32 v54;
	v55 =	vadd.s32 $0xFFFFFF40, v23  }
0x10f: {  	v25 =	vcvt.s32.f32 v55  }
0x110: {  	v20 =	vsub.f32 v20, v24  }
0x111: {  	v21 =	vsub.f32 v21, v25  }
0x112: {  	v20 =	vmul.f32 $6.931471820e-01, v20  }
0x113: {  	v21 =	vmul.f32 $6.931471820e-01, v21  }
0x114: {  	v56 =	vmul.f32 $1.984127010e-04, v20  }
0x115: {  	v57 =	vmul.f32 $1.984127010e-04, v21  }
0x116: {  	v24 =	vadd.f32 $1.388888920e-03, v56  }
0x117: {  	v25 =	vadd.f32 $1.388888920e-03, v57  }
0x118: {  	v24 =	vmul.f32 v24, v20  }
0x119: {  	v25 =	vmul.f32 v25, v21  }
0x11a: {  	v24 =	vadd.f32 $8.333333770e-03, v24  }
0x11b: {  	v25 =	vadd.f32 $8.333333770e-03, v25  }
0x11c: {  	v24 =	vmul.f32 v24, v20  }
0x11d: {  	v25 =	vmul.f32 v25, v21  }
0x11e: {  	v24 =	vadd.f32 $4.166666790e-02, v24  }
0x11f: {  	v25 =	vadd.f32 $4.166666790e-02, v25  }
0x120: {  	v24 =	vmul.f32 v24, v20  }
0x121: {  	v25 =	vmul.f32 v25, v21  }
0x122: {  	v24 =	vadd.f32 $1.666666720e-01, v24  }
0x123: {  	v25 =	vadd.f32 $1.666666720e-01, v25  }
0x124: {  	v24 =	vmul.f32 v24, v20  }
0x125: {  	v25 =	vmul.f32 v25, v21  }
0x126: {  	v24 =	vadd.f32 $5.000000000e-01, v24  }
0x127: {  	v25 =	vadd.f32 $5.000000000e-01, v25  }
0x128: {  	v24 =	vmul.f32 v24, v20  }
0x129: {  	v25 =	vmul.f32 v25, v21  }
0x12a: {  	v24 =	vadd.f32 $1.000000000e+00, v24  }
0x12b: {  	v25 =	vadd.f32 $1.000000000e+00, v25  }
0x12c: {  	v20 =	vmul.f32 v24, v20  }
0x12d: {  	v21 =	vmul.f32 v25, v21  }
0x12e: {  	v22 =	vshll.u32 v22, $0x17;
	v20 =	vadd.f32 $1.000000000e+00, v20  }
0x12f: {  	v22 =	vadd.s32 $0xDF800000, v22;
	v23 =	vshll.u32 v23, $0x17;
	v21 =	vadd.f32 $1.000000000e+00, v21  }
0x130: {  	v58 =	vadd.s32 $0xDF800000, v23;
	v20 =	vmul.f32 v22, v20  }
0x131: {  	v21 =	vmul.f32 v58, v21  }
0x132: {  	v20 =	vadd.f32 $1.000000000e+00, v20  }
0x133: {  	v21 =	vadd.f32 $1.000000000e+00, v21  }
0x134: {  	(erf) = vrcp.f32 v20  }
0x135: {  	(erf) = vrcp.f32 v21;
	_ =	sdelay $0x7  }
0x136: {  	v59 =	vpop (erf)  }
0x137: {  	v60 =	vpop (erf)  }
0x138: {  	v61 =	vmul.f32 v59, v20;
	v62 =	vmul.f32 v60, v21;
	_ =	sdelay $0x1  }
0x139: {  	v24 =	vsub.f32 $2.000000000e+00, v61;
	v25 =	vsub.f32 $2.000000000e+00, v62;
	_ =	sdelay $0x1  }
0x13a: {  	v22 =	vmul.f32 v24, v59;
	v23 =	vmul.f32 v25, v60;
	_ =	sdelay $0x1  }
0x13b: {  	v20 =	vmul.f32 v22, v20;
	v21 =	vmul.f32 v23, v21;
	_ =	sdelay $0x1  }
0x13c: {  	v20 =	vsub.f32 $2.000000000e+00, v20;
	v21 =	vsub.f32 $2.000000000e+00, v21;
	_ =	sdelay $0x1  }
0x13d: {  	v20 =	vmul.f32 v20, v22;
	v21 =	vmul.f32 v21, v23  }
0x13e: {  	s0 =	sshll.u32 s31, $0x4;
	s31 =	sadd.s32 $0x1, s31  }
0x13f: {  	p0 =	sne.s32 s31, $0x4;
	v20 =	vadd.f32 v20, v50;
	v21 =	vadd.f32 v21, v3  }
.Ltmp4:
0x140: {  	_ = 	snop;
	(pc) =	sbr.rel @p0 .LBB2_3-.Ltmp4, $4  }
0x141: {  	vm0 =	vgt.f32 v21, v20  }
0x142: {  	v63 =	vsel vm0, $0x1, v49  }
0x143: {  	v20 =	vsel vm0, v21, v20;
	[tilespmem:v19+s0+$0x18880 ss:$0x1] =	vst.idx.msk $0xffff, v63  }
0x144: {  	s30 =	sadd.s32 $0x3000, s30;
	[tilespmem:v19+s0+$0x18A80 ss:$0x1] =	vst.idx.msk $0xffff, v20  }
0x145: {  	p0 =	seq.s32 s26, $0x3  }
0x146: {  	s0 =	smul.u32 @!p0 $0x18000, s26;
	_ =	sdelay $0x1  }
0x147: {  	s0 =	sadd.s32 @!p0 s0, s9  }
0x148: {  	s0 =	sshrl.u32 @!p0 s0, $0x3  }
0x149: {  	s1 =	simm.s32 @!p0 $0x0;
	s0 =	sadd.s32 @!p0 s4, s0  }
0x14a: {  	[tilespmem:s1], [sflag:$0x1] =	stream.linear.gather @!p0 [hbm4b:s0+s1], $0xC000, $0x38;
	[tilespmem:$0x18C80] =	vst v63  }
0x14b: {  	s31 =	sor.u32 $0x40, s28;
	_ =	swait.ge [sflag:s22], $0xC000  }
0x14c: {  	s28 =	simm.s32 $0x0;
	v1 =	vmov s31;
	[sflag:s22] =	ssyncset.done $0x0  }
0x14d: {  	s29 =	simm.s32 $0x0;
	s30 =	simm.s32 $0x0;
	[tilespmem:$0x1FFF0] =	vst v1;
	[sflag:s22] =	ssyncadd.s32 $0xFFFF4000  }
.LBB2_9:
0x14e: {  	s31 =	smul.u32 $0x3000, s30;
	_ =	sdelay $0x1  }
0x14f: {  	s1 =	simm.s32 $0x18010;
	s2 =	sadd.s32 $0x0, s29;
	s0 =	sadd.s32 $0xC000, s31  }
0x150: {  	s5 =	simm.s32 $0x18310;
	s16 =	sadd.s32 $0xCC00, s31;
	[dreg:$0x7] =	wrdreg s0  }
0x151: {  	s12 =	simm.s32 $0x10;
	s11 =	sadd.s32 $0x1500, s2;
	[dreg:$0x8] =	wrdreg s16  }
0x152: {  	s7 =	sadd.s32 $0x300, s2;
	s8 =	sadd.s32 $0x1200, s2;
	s11 =	sand.u32 $0x1FF80, s11;
	v20 =	vld [tilespmem:s1+$0xFFFFFFF0]  }
0x153: {  	s7 =	sand.u32 $0xF780, s7;
	s0 =	sand.u32 $0x70, s12;
	s11 =	sadd.s32 $0xC000, s11;
	v22 =	vld [tilespmem:s5+$0x0]  }
0x154: {  	s8 =	sand.u32 $0x1F780, s8;
	s7 =	sadd.s32 $0xC000, s7;
	v21 =	vld [tilespmem:s1+$0x0];
	s23 =	sor.u32 s0, s11  }
0x155: {  	s8 =	sadd.s32 $0xC000, s8;
	s12 =	sor.u32 s0, s7;
	v26 =	vld [tilespmem:s23+$0x0]  }
0x156: {  	s1 =	sand.u32 $0x60, s28;
	s14 =	sor.u32 s0, s8;
	v27 =	vld [tilespmem:s12+$0x0]  }
0x157: {  	s8 =	sor.u32 s1, s8;
	v29 =	vld [tilespmem:s14+$0x0]  }
0x158: {  	s6 =	sand.u32 $0x380, s28;
	s17 =	rddreg [dreg:$0x7];
	s11 =	sor.u32 s1, s11;
	v28 =	vld [tilespmem:s8+$0x0]  }
0x159: {  	s13 =	sadd.s32 s6, s17;
	s7 =	sor.u32 s1, s7;
	v30 =	vld [tilespmem:s11+$0x0]  }
0x15a: {  	s18 =	sadd.s32 s0, s13;
	v32 =	vld [tilespmem:s7+$0x0]  }
0x15b: {  	s25 =	sadd.s32 s1, s13;
	v25 =	vld [tilespmem:s18+$0x0]  }
0x15c: {  	v24 =	vimm.f32 $0.0e+00;
	v52 =	vimm.f32 $0.0e+00;
	v31 =	vld [tilespmem:s25+$0x0]  }
0x15d: {  	v47 =	vimm.f32 $0.0e+00;
	s14 =	rddreg [dreg:$0x8];
	v26 =	vadd.s32 $0x8000, v26;
	v27 =	vadd.s32 $0x8000, v27  }
0x15e: {  	s24 =	sadd.s32 $0x600, s2;
	s13 =	sadd.s32 $0xF00, s2;
	s6 =	sadd.s32 s6, s14;
	v29 =	vadd.s32 $0x8000, v29;
	v33 =	vand.u32 $0xFFFF0000, v27;
	v34 =	vand.u32 $0xFFFF0000, v26  }
0x15f: {  	v23 =	vld [tilespmem:s5+$0xFFFFFFF0];
	s2 =	sadd.s32 $0x900, s2;
	s15 =	sand.u32 $0x1FF80, s13;
	s18 =	sadd.s32 s1, s6;
	v26 =	vadd.s32 $0x8000, v28;
	v30 =	vadd.s32 $0x8000, v30;
	v29 =	vand.u32 $0xFFFF0000, v29  }
0x160: {  	s8 =	sand.u32 $0xFF80, s24;
	s2 =	sand.u32 $0xFF80, s2;
	s5 =	sadd.s32 $0xC000, s15;
	v36 =	vld [tilespmem:s18+$0x0];
	v32 =	vadd.s32 $0x8000, v32;
	v25 =	vadd.s32 $0x8000, v25;
	v28 =	vmul.f32 v33, v22  }
0x161: {  	s8 =	sadd.s32 $0xC000, s8;
	s2 =	sadd.s32 $0xC000, s2;
	s17 =	sor.u32 s0, s5;
	v31 =	vadd.s32 $0x8000, v31;
	v30 =	vand.u32 $0xFFFF0000, v30;
	v42 =	vmul.f32 v34, v21  }
0x162: {  	s16 =	sor.u32 s0, s8;
	s23 =	sor.u32 s0, s2;
	s0 =	sadd.s32 s0, s6;
	v35 =	vld [tilespmem:s17+$0x0];
	v49 =	vand.u32 $0xFFFF0000, v32;
	v32 =	vand.u32 $0xFFFF0000, v26;
	v26 =	vmul.f32 v29, v21  }
0x163: {  	v45 =	vld [tilespmem:s0+$0x0];
	v37 =	vmul.f32 v33, v21;
	v46 =	vmul.f32 v34, v22;
	v33 =	vimm.f32 $0.0e+00  }
0x164: {  	v27 =	vld [tilespmem:s16+$0x0];
	v34 =	vimm.f32 $0.0e+00;
	v25 =	vand.u32 $0xFFFF0000, v25;
	v53 =	vand.u32 $0xFFFF0000, v31  }
0x165: {  	v19 =	vmovc v3;
	v3 =	vmovc v50;
	s2 =	sor.u32 s1, s2;
	v38 =	vmul.f32 v30, v23;
	v54 =	vmul.f32 v49, v20;
	v50 =	vadd.s32 $0x8000, v36  }
0x166: {  	v31 =	vld [tilespmem:s2+$0x0];
	v30 =	vmul.f32 v30, v20;
	v36 =	vimm.f32 $0.0e+00;
	v39 =	vmul.f32 v25, v21  }
0x167: {  	s25 =	sor.u32 s1, s5;
	v41 =	vmul.f32 v25, v22;
	v25 =	vld [tilespmem:s23+$0x0];
	v57 =	vmul.f32 v53, v20;
	v35 =	vadd.s32 $0x8000, v35  }
0x168: {  	s24 =	sor.u32 s1, s8;
	v55 =	vld [tilespmem:s25+$0x0];
	v44 =	vadd.f32 v38, v24;
	v60 =	vadd.s32 $0x8000, v45;
	v30 =	vadd.f32 v30, v24  }
0x169: {  	v45 =	vimm.f32 $0.0e+00;
	v40 =	vadd.s32 $0x8000, v27;
	v27 =	vmul.f32 v29, v22;
	v29 =	vld [tilespmem:s24+$0x0]  }
0x16a: {  	v38 =	vimm.f32 $0.0e+00;
	v63 =	vand.u32 $0xFFFF0000, v40;
	v40 =	vand.u32 $0xFFFF0000, v35  }
0x16b: {  	v35 =	vimm.f32 $0.0e+00;
	v31 =	vadd.s32 $0x8000, v31;
	v43 =	vmul.f32 v63, v22  }
0x16c: {  	v48 =	vmul.f32 v63, v21;
	v25 =	vadd.s32 $0x8000, v25;
	v31 =	vand.u32 $0xFFFF0000, v31  }
0x16d: {  	v59 =	vand.u32 $0xFFFF0000, v25;
	v25 =	vadd.s32 $0x8000, v55;
	v56 =	vmul.f32 v31, v20  }
0x16e: {  	v29 =	vadd.s32 $0x8000, v29;
	v62 =	vand.u32 $0xFFFF0000, v25;
	v25 =	vadd.f32 v42, v30  }
0x16f: {  	v55 =	vmul.f32 v59, v22;
	v58 =	vand.u32 $0xFFFF0000, v29;
	v29 =	vmul.f32 v31, v23  }
0x170: {  	s14 =	simm.s32 $0x18030;
	v42 =	vimm.f32 $0.0e+00;
	v30 =	vimm.f32 $0.0e+00;
	v61 =	vmul.f32 v62, v23  }
0x171: {  	s0 =	simm.s32 $0x0;
	s16 =	simm.s32 $0x18330;
	s2 =	simm.s32 $0x20;
	v31 =	vimm.f32 $0.0e+00;
	v51 =	vadd.f32 v29, v24;
	v29 =	vimm.f32 $0.0e+00  }
.LBB2_10:
0x172: {  	s17 =	sand.u32 $0x380, s2;
	s7 =	sadd.s32 s2, s29  }
0x173: {  	s1 =	rddreg [dreg:$0x7];
	v53 =	vmul.f32 v53, v23;
	v62 =	vmul.f32 v62, v20;
	v60 =	vand.u32 $0xFFFF0000, v60;
	s12 =	sadd.s32 $0x10, s2;
	s5 =	sadd.s32 $0x300, s7  }
0x174: {  	v44 =	vadd.f32 v46, v44;
	v63 =	vmul.f32 v58, v23;
	s6 =	sadd.s32 $0x1200, s7;
	s8 =	sadd.s32 $0x1500, s7;
	s11 =	sadd.s32 $0xF00, s7;
	v46 =	vadd.f32 v54, v52;
	v52 =	vld [tilespmem:s14+$0xFFFFFFF0]  }
0x175: {  	v49 =	vmul.f32 v49, v23;
	v50 =	vand.u32 $0xFFFF0000, v50;
	v54 =	vld [tilespmem:s16+$0xFFFFFFF0];
	s23 =	sadd.s32 s17, s1;
	s6 =	sand.u32 $0x1F780, s6;
	v36 =	vadd.f32 v53, v36;
	s25 =	sand.u32 $0x1FF80, s11  }
0x176: {  	v24 =	vadd.f32 v57, v24;
	v57 =	vmul.f32 v58, v20;
	v45 =	vadd.f32 v61, v45;
	v58 =	vld [tilespmem:s16+$0x0];
	s11 =	sand.u32 $0x1FF80, s8;
	s15 =	sadd.s32 $0xC000, s6;
	s6 =	sand.u32 $0x70, s12  }
0x177: {  	v42 =	vadd.f32 v56, v42;
	v56 =	vmul.f32 v40, v22;
	s5 =	sand.u32 $0xF780, s5;
	s11 =	sadd.s32 $0xC000, s11;
	v36 =	vadd.f32 v41, v36;
	v41 =	vld [tilespmem:s14+$0x0];
	s18 =	sadd.s32 s6, s23  }
0x178: {  	v51 =	vadd.f32 v55, v51;
	v40 =	vmul.f32 v40, v21;
	v34 =	vadd.f32 v63, v34;
	s8 =	sadd.s32 $0xC000, s5;
	s5 =	sand.u32 $0x60, s2;
	s1 =	sor.u32 s6, s11;
	v55 =	vld [tilespmem:s18+$0x0]  }
0x179: {  	v47 =	vadd.f32 v62, v47;
	v35 =	vadd.f32 v49, v35;
	v49 =	vmul.f32 v60, v21;
	s24 =	sor.u32 s5, s15;
	s15 =	sor.u32 s6, s15;
	v53 =	vld [tilespmem:s1+$0x0]  }
0x17a: {  	v62 =	vmul.f32 v32, v23;
	v24 =	vadd.f32 v39, v24;
	v34 =	vadd.f32 v43, v34;
	s11 =	sor.u32 s5, s11;
	v43 =	vld [tilespmem:s15+$0x0]  }
0x17b: {  	s13 =	sadd.s32 $0x600, s7;
	s7 =	sadd.s32 $0x900, s7;
	v39 =	vmul.f32 v59, v21;
	v33 =	vadd.f32 v57, v33;
	v57 =	vmul.f32 v50, v20;
	s23 =	sadd.s32 s5, s23;
	v63 =	vld [tilespmem:s11+$0x0]  }
0x17c: {  	s7 =	sand.u32 $0xFF80, s7;
	v59 =	vmul.f32 v32, v20;
	v45 =	vadd.f32 v56, v45;
	v35 =	vadd.f32 v28, v35;
	s18 =	sor.u32 s6, s8;
	v32 =	vld [tilespmem:s23+$0x0]  }
0x17d: {  	s13 =	sand.u32 $0xFF80, s13;
	s12 =	sadd.s32 $0xC000, s25;
	s25 =	rddreg [dreg:$0x8];
	v29 =	vadd.f32 v62, v29;
	v33 =	vadd.f32 v48, v33;
	v48 =	vmul.f32 v60, v22;
	v60 =	vld [tilespmem:s18+$0x0]  }
0x17e: {  	s7 =	sadd.s32 $0xC000, s7;
	v50 =	vmul.f32 v50, v23;
	v47 =	vadd.f32 v40, v47;
	s1 =	sor.u32 s5, s12;
	s12 =	sor.u32 s6, s12;
	v28 =	vadd.f32 v57, v38;
	v23 =	vmovc v54;
	v54 =	vld [tilespmem:s24+$0x0]  }
0x17f: {  	s17 =	sadd.s32 s17, s25;
	v30 =	vadd.f32 v59, v30;
	s15 =	sor.u32 s5, s7;
	v42 =	vadd.f32 v39, v42;
	s7 =	sor.u32 s6, s7;
	v22 =	vmov v58;
	v58 =	vld [tilespmem:s12+$0x0]  }
0x180: {  	s13 =	sadd.s32 $0xC000, s13;
	s25 =	sadd.s32 s5, s17;
	v31 =	vadd.f32 v50, v31;
	v20 =	vmov v52;
	v52 =	vadd.f32 v37, v46;
	v56 =	vld [tilespmem:s7+$0x0]  }
0x181: {  	s8 =	sor.u32 s5, s8;
	s5 =	sor.u32 s5, s13;
	v29 =	vadd.f32 v27, v29;
	v40 =	vld [tilespmem:s25+$0x0];
	v30 =	vadd.f32 v26, v30  }
0x182: {  	v1 =	vld [tilespmem:s5+$0x0];
	v38 =	vadd.f32 v49, v28;
	v31 =	vadd.f32 v48, v31;
	v59 =	vadd.s32 $0x8000, v55  }
0x183: {  	v61 =	vadd.s32 $0x8000, v53;
	v63 =	vadd.s32 $0x8000, v63;
	v43 =	vadd.s32 $0x8000, v43  }
0x184: {  	s24 =	sor.u32 s6, s13;
	v26 =	vld [tilespmem:s8+$0x0];
	v32 =	vadd.s32 $0x8000, v32;
	v37 =	vand.u32 $0xFFFF0000, v59;
	v62 =	vadd.s32 $0x8000, v60  }
0x185: {  	v27 =	vld [tilespmem:s24+$0x0];
	v55 =	vand.u32 $0xFFFF0000, v61;
	v54 =	vadd.s32 $0x8000, v54;
	v53 =	vand.u32 $0xFFFF0000, v32  }
0x186: {  	v21 =	vmovc v41;
	v59 =	vand.u32 $0xFFFF0000, v63;
	v50 =	vadd.s32 $0x8000, v40;
	v56 =	vadd.s32 $0x8000, v56  }
0x187: {  	v58 =	vadd.s32 $0x8000, v58;
	v1 =	vadd.s32 $0x8000, v1;
	v39 =	vmul.f32 v37, v21  }
0x188: {  	v46 =	vand.u32 $0xFFFF0000, v62;
	v41 =	vmul.f32 v37, v22;
	v37 =	vand.u32 $0xFFFF0000, v43  }
0x189: {  	v61 =	vld [tilespmem:s1+$0x0];
	v26 =	vadd.s32 $0x8000, v26;
	v48 =	vmul.f32 v59, v23;
	v63 =	vmul.f32 v55, v21  }
0x18a: {  	s6 =	sadd.s32 s6, s17;
	v43 =	vld [tilespmem:s15+$0x0];
	v60 =	vadd.s32 $0x8000, v27;
	v57 =	vmul.f32 v53, v20;
	v28 =	vmul.f32 v46, v22  }
0x18b: {  	v62 =	vld [tilespmem:s6+$0x0];
	v49 =	vand.u32 $0xFFFF0000, v26;
	v26 =	vmul.f32 v37, v21;
	v27 =	vmul.f32 v37, v22  }
0x18c: {  	v32 =	vand.u32 $0xFFFF0000, v54;
	v37 =	vmul.f32 v46, v21;
	v46 =	vmul.f32 v55, v22  }
0x18d: {  	s0 =	sadd.s32 $0x2, s0;
	v55 =	vmul.f32 v59, v20;
	v60 =	vand.u32 $0xFFFF0000, v60;
	v59 =	vand.u32 $0xFFFF0000, v56  }
0x18e: {  	p1 =	slt.u32 s0, $0x2E;
	v54 =	vmul.f32 v49, v20;
	v44 =	vadd.f32 v48, v44;
	v48 =	vmul.f32 v60, v21  }
.Ltmp5:
0x18f: {  	v25 =	vadd.f32 v55, v25;
	v40 =	vadd.s32 $0x8000, v43;
	v43 =	vmul.f32 v60, v22;
	(pc) =	sbr.rel @p1 .LBB2_10-.Ltmp5, $4  }
0x190: {  	v60 =	vadd.s32 $0x8000, v62;
	v62 =	vadd.s32 $0x8000, v61;
	v2 =	vand.u32 $0xFFFF0000, v40  }
0x191: {  	v40 =	vand.u32 $0xFFFF0000, v58;
	v58 =	vand.u32 $0xFFFF0000, v1;
	v1 =	vmul.f32 v2, v23  }
0x192: {  	v55 =	vmul.f32 v59, v22;
	v25 =	vadd.f32 v63, v25;
	v62 =	vand.u32 $0xFFFF0000, v62  }
0x193: {  	s16 =	sadd.s32 $0x20, s16;
	s2 =	sadd.s32 $0x20, s2;
	s14 =	sadd.s32 $0x20, s14;
	v56 =	vmul.f32 v2, v20;
	v61 =	vmul.f32 v62, v23;
	v51 =	vadd.f32 v1, v51  }
0x194: {  	v1 =	vmul.f32 v53, v23;
	v2 =	vadd.f32 v57, v24;
	v24 =	vmul.f32 v58, v20  }
0x195: {  	v53 =	vmul.f32 v62, v20;
	v57 =	vmul.f32 v49, v23  }
0x196: {  	v52 =	vadd.f32 v54, v52;
	v60 =	vand.u32 $0xFFFF0000, v60;
	v1 =	vadd.f32 v1, v36  }
0x197: {  	v62 =	vmul.f32 v58, v23;
	v2 =	vadd.f32 v39, v2;
	v35 =	vadd.f32 v57, v35  }
0x198: {  	v63 =	vmul.f32 v59, v21;
	[tilespmem:$0x186F0] =	vst v25;
	v24 =	vadd.f32 v24, v33;
	v37 =	vadd.f32 v37, v52  }
0x199: {  	v34 =	vadd.f32 v62, v34;
	v1 =	vadd.f32 v41, v1;
	[tilespmem:$0x18680] =	vst v2;
	v2 =	vand.u32 $0xFFFF0000, v50  }
0x19a: {  	v28 =	vadd.f32 v28, v35;
	v24 =	vadd.f32 v48, v24;
	[tilespmem:$0x18690] =	vst v37;
	v41 =	vmul.f32 v2, v20  }
0x19b: {  	v34 =	vadd.f32 v43, v34;
	v2 =	vmul.f32 v2, v23;
	v20 =	vmul.f32 v32, v20;
	[tilespmem:$0x18780] =	vst v1  }
0x19c: {  	v1 =	vadd.f32 v56, v42;
	v42 =	vadd.f32 v53, v47;
	[tilespmem:$0x18790] =	vst v28;
	v28 =	vmul.f32 v60, v21  }
0x19d: {  	[tilespmem:$0x186A0] =	vst v24;
	v24 =	vadd.f32 v55, v51;
	v21 =	vmul.f32 v40, v21;
	v35 =	vadd.f32 v41, v38  }
0x19e: {  	v43 =	vmul.f32 v60, v22;
	[tilespmem:$0x187A0] =	vst v34;
	v2 =	vadd.f32 v2, v31;
	v1 =	vadd.f32 v63, v1  }
0x19f: {  	v20 =	vadd.f32 v20, v30;
	[tilespmem:$0x187B0] =	vst v24;
	v21 =	vadd.f32 v21, v42  }
0x1a0: {  	v2 =	vadd.f32 v43, v2;
	[tilespmem:$0x186B0] =	vst v1;
	v1 =	vmul.f32 v40, v22;
	v22 =	vmul.f32 v32, v23  }
0x1a1: {  	v61 =	vadd.f32 v61, v45;
	v28 =	vadd.f32 v28, v35;
	[tilespmem:$0x186D0] =	vst v21  }
0x1a2: {  	[tilespmem:$0x187C0] =	vst v2;
	v2 =	vadd.f32 v26, v20;
	v22 =	vadd.f32 v22, v29  }
0x1a3: {  	s0 =	sadd.s32 $0xD800, s31;
	s17 =	sadd.s32 $0xE400, s31;
	[tilespmem:$0x186C0] =	vst v28;
	v1 =	vadd.f32 v1, v61  }
0x1a4: {  	s1 =	simm.s32 $0x0;
	s2 =	simm.s32 $0x18010;
	s5 =	sadd.s32 $0x0, s29;
	[tilespmem:$0x186E0] =	vst v2;
	v20 =	vadd.f32 v27, v22  }
0x1a5: {  	s6 =	simm.s32 $0x18310;
	s13 =	simm.s32 $0x10;
	[dreg:$0x9] =	wrdreg s0;
	[tilespmem:$0x187D0] =	vst v1;
	v1 =	vadd.f32 v46, v44  }
0x1a6: {  	[dreg:$0xa] =	wrdreg s17;
	s7 =	sand.u32 $0x380, s1;
	s8 =	sadd.s32 $0x1B00, s5;
	[tilespmem:$0x187E0] =	vst v20  }
0x1a7: {  	s11 =	sadd.s32 $0x2A00, s5;
	s12 =	sadd.s32 $0x2D00, s5;
	s18 =	rddreg [dreg:$0x9];
	[tilespmem:$0x187F0] =	vst v1  }
0x1a8: {  	s0 =	sand.u32 $0x70, s13;
	s12 =	sand.u32 $0x3FF80, s12;
	s14 =	sadd.s32 s7, s18;
	v22 =	vld [tilespmem:s6+$0x0]  }
0x1a9: {  	s8 =	sand.u32 $0x1FF80, s8;
	s12 =	sadd.s32 $0xC000, s12;
	s23 =	sadd.s32 s0, s14;
	v21 =	vld [tilespmem:s2+$0x0]  }
0x1aa: {  	s11 =	sand.u32 $0x1FF80, s11;
	s8 =	sadd.s32 $0xC000, s8;
	s24 =	sor.u32 s0, s12;
	v1 =	vld [tilespmem:s23+$0x0]  }
0x1ab: {  	s11 =	sadd.s32 $0xC000, s11;
	s13 =	sor.u32 s0, s8;
	v2 =	vld [tilespmem:s24+$0x0]  }
0x1ac: {  	s1 =	sand.u32 $0x60, s1;
	s25 =	sor.u32 s0, s11;
	v25 =	vld [tilespmem:s13+$0x0]  }
0x1ad: {  	s11 =	sor.u32 s1, s11;
	v26 =	vld [tilespmem:s25+$0x0]  }
0x1ae: {  	s31 =	sor.u32 s1, s12;
	v27 =	vld [tilespmem:s11+$0x0]  }
0x1af: {  	s13 =	sadd.s32 s1, s14;
	v29 =	vld [tilespmem:s31+$0x0]  }
0x1b0: {  	s15 =	rddreg [dreg:$0xa];
	s16 =	sor.u32 s1, s8;
	v30 =	vld [tilespmem:s13+$0x0]  }
0x1b1: {  	v36 =	vimm.f32 $0.0e+00;
	s7 =	sadd.s32 s7, s15;
	v24 =	vimm.f32 $0.0e+00;
	v31 =	vld [tilespmem:s16+$0x0]  }
0x1b2: {  	v42 =	vimm.f32 $0.0e+00;
	v35 =	vimm.f32 $0.0e+00;
	v23 =	vld [tilespmem:s6+$0xFFFFFFF0];
	s23 =	sadd.s32 s1, s7;
	v1 =	vadd.s32 $0x8000, v1  }
0x1b3: {  	s12 =	sadd.s32 $0x1E00, s5;
	v46 =	vld [tilespmem:s23+$0x0];
	v2 =	vadd.s32 $0x8000, v2;
	v25 =	vadd.s32 $0x8000, v25;
	v27 =	vadd.s32 $0x8000, v27  }
0x1b4: {  	s14 =	sadd.s32 $0x2700, s5;
	s11 =	sand.u32 $0x3FF80, s12;
	v29 =	vadd.s32 $0x8000, v29;
	v26 =	vadd.s32 $0x8000, v26;
	v1 =	vand.u32 $0xFFFF0000, v1  }
0x1b5: {  	v20 =	vld [tilespmem:s2+$0xFFFFFFF0];
	s5 =	sadd.s32 $0x2100, s5;
	s2 =	sand.u32 $0x1FF80, s14;
	s17 =	sadd.s32 $0xC000, s11;
	v25 =	vand.u32 $0xFFFF0000, v25;
	v2 =	vand.u32 $0xFFFF0000, v2;
	v30 =	vadd.s32 $0x8000, v30  }
0x1b6: {  	s5 =	sand.u32 $0x1F780, s5;
	s2 =	sadd.s32 $0xC000, s2;
	s11 =	sor.u32 s0, s17;
	v47 =	vand.u32 $0xFFFF0000, v26;
	v29 =	vand.u32 $0xFFFF0000, v29;
	v26 =	vadd.s32 $0x8000, v31  }
0x1b7: {  	s5 =	sadd.s32 $0xC000, s5;
	s18 =	sor.u32 s0, s2;
	v45 =	vld [tilespmem:s11+$0x0];
	v32 =	vand.u32 $0xFFFF0000, v27;
	v39 =	vmul.f32 v1, v21;
	v28 =	vmul.f32 v25, v22  }
0x1b8: {  	s24 =	sor.u32 s0, s5;
	s0 =	sadd.s32 s0, s7;
	v34 =	vld [tilespmem:s18+$0x0];
	v50 =	vadd.s32 $0x8000, v46;
	v41 =	vmul.f32 v1, v22;
	v31 =	vmul.f32 v29, v23  }
0x1b9: {  	v52 =	vld [tilespmem:s0+$0x0];
	v38 =	vmul.f32 v2, v21;
	v49 =	vand.u32 $0xFFFF0000, v26;
	v26 =	vmul.f32 v47, v21  }
0x1ba: {  	s5 =	sor.u32 s1, s5;
	v1 =	vld [tilespmem:s24+$0x0];
	v53 =	vand.u32 $0xFFFF0000, v30;
	v27 =	vmul.f32 v47, v22;
	v37 =	vmul.f32 v25, v21  }
0x1bb: {  	s31 =	sor.u32 s1, s2;
	v30 =	vld [tilespmem:s5+$0x0];
	v46 =	vmul.f32 v2, v22;
	v25 =	vmul.f32 v29, v20;
	v47 =	vimm.f32 $0.0e+00  }
0x1bc: {  	v2 =	vld [tilespmem:s31+$0x0];
	v54 =	vmul.f32 v49, v20;
	v33 =	vadd.s32 $0x8000, v45;
	v57 =	vmul.f32 v53, v20  }
0x1bd: {  	s25 =	sor.u32 s1, s17;
	v45 =	vimm.f32 $0.0e+00;
	v59 =	vadd.s32 $0x8000, v34;
	v44 =	vadd.f32 v31, v24  }
0x1be: {  	v55 =	vld [tilespmem:s25+$0x0];
	v60 =	vadd.s32 $0x8000, v52;
	v25 =	vadd.f32 v25, v24;
	v52 =	vimm.f32 $0.0e+00  }
0x1bf: {  	v34 =	vimm.f32 $0.0e+00;
	v31 =	vimm.f32 $0.0e+00;
	v40 =	vand.u32 $0xFFFF0000, v59  }
0x1c0: {  	v25 =	vadd.f32 v38, v25;
	v38 =	vimm.f32 $0.0e+00;
	v1 =	vadd.s32 $0x8000, v1  }
0x1c1: {  	v29 =	vadd.s32 $0x8000, v30;
	v30 =	vand.u32 $0xFFFF0000, v33;
	v2 =	vadd.s32 $0x8000, v2  }
0x1c2: {  	v33 =	vimm.f32 $0.0e+00;
	v29 =	vand.u32 $0xFFFF0000, v29;
	v43 =	vmul.f32 v30, v22  }
0x1c3: {  	v48 =	vmul.f32 v30, v21;
	v30 =	vadd.s32 $0x8000, v55;
	v59 =	vand.u32 $0xFFFF0000, v1  }
0x1c4: {  	v62 =	vand.u32 $0xFFFF0000, v2;
	v1 =	vmul.f32 v29, v23;
	v56 =	vmul.f32 v29, v20  }
0x1c5: {  	s16 =	simm.s32 $0x18330;
	v58 =	vand.u32 $0xFFFF0000, v30;
	v61 =	vmul.f32 v62, v23;
	v55 =	vmul.f32 v59, v22  }
0x1c6: {  	s14 =	simm.s32 $0x18030;
	s2 =	simm.s32 $0x20;
	s0 =	simm.s32 $0x0;
	v30 =	vimm.f32 $0.0e+00;
	v29 =	vimm.f32 $0.0e+00;
	v51 =	vadd.f32 v1, v24  }
.LBB2_12:
0x1c7: {  	s17 =	sand.u32 $0x380, s2;
	s7 =	sadd.s32 s2, s29;
	v2 =	vmul.f32 v53, v23;
	v53 =	vmul.f32 v58, v20;
	v60 =	vand.u32 $0xFFFF0000, v60  }
0x1c8: {  	s1 =	rddreg [dreg:$0x9];
	s12 =	sadd.s32 $0x10, s2;
	v63 =	vmul.f32 v58, v23;
	v1 =	vadd.f32 v57, v24;
	s5 =	sadd.s32 $0x1B00, s7;
	v44 =	vadd.f32 v46, v44  }
0x1c9: {  	v49 =	vmul.f32 v49, v23;
	v58 =	vld [tilespmem:s16+$0x0];
	s6 =	sadd.s32 $0x2A00, s7;
	s8 =	sadd.s32 $0x2D00, s7;
	s11 =	sadd.s32 $0x2700, s7;
	v46 =	vadd.f32 v54, v52;
	v45 =	vadd.f32 v61, v45  }
0x1ca: {  	v50 =	vand.u32 $0xFFFF0000, v50;
	v54 =	vld [tilespmem:s16+$0xFFFFFFF0];
	s23 =	sadd.s32 s17, s1;
	v42 =	vadd.f32 v56, v42;
	s6 =	sand.u32 $0x1FF80, s6;
	s5 =	sand.u32 $0x1FF80, s5;
	v2 =	vadd.f32 v2, v36  }
0x1cb: {  	v57 =	vmul.f32 v62, v20;
	v51 =	vadd.f32 v55, v51;
	s24 =	sand.u32 $0x3FF80, s8;
	v24 =	vadd.f32 v39, v1;
	v39 =	vld [tilespmem:s14+$0xFFFFFFF0];
	s15 =	sadd.s32 $0xC000, s6;
	s6 =	sand.u32 $0x70, s12  }
0x1cc: {  	v62 =	vmul.f32 v32, v20;
	s18 =	sand.u32 $0x1FF80, s11;
	v33 =	vadd.f32 v53, v33;
	s11 =	sadd.s32 $0xC000, s24;
	v36 =	vadd.f32 v41, v2;
	v2 =	vld [tilespmem:s14+$0x0];
	s25 =	sadd.s32 s6, s23  }
0x1cd: {  	v56 =	vmul.f32 v40, v22;
	v35 =	vadd.f32 v49, v35;
	v34 =	vadd.f32 v63, v34;
	s8 =	sadd.s32 $0xC000, s5;
	s5 =	sand.u32 $0x60, s2;
	s31 =	sor.u32 s6, s11;
	v53 =	vld [tilespmem:s25+$0x0]  }
0x1ce: {  	v63 =	vmul.f32 v32, v23;
	v47 =	vadd.f32 v57, v47;
	s12 =	sadd.s32 $0xC000, s18;
	v30 =	vadd.f32 v62, v30;
	s18 =	sor.u32 s5, s15;
	s15 =	sor.u32 s6, s15;
	v55 =	vld [tilespmem:s31+$0x0]  }
0x1cf: {  	v1 =	vmul.f32 v59, v21;
	v45 =	vadd.f32 v56, v45;
	v34 =	vadd.f32 v43, v34;
	v43 =	vld [tilespmem:s15+$0x0]  }
0x1d0: {  	v52 =	vadd.f32 v37, v46;
	v41 =	vmul.f32 v50, v20;
	v33 =	vadd.f32 v48, v33;
	s11 =	sor.u32 s5, s11;
	v59 =	vld [tilespmem:s18+$0x0]  }
0x1d1: {  	s1 =	sor.u32 s5, s12;
	s12 =	sor.u32 s6, s12;
	v29 =	vadd.f32 v63, v29;
	v42 =	vadd.f32 v1, v42;
	v1 =	vmul.f32 v40, v21;
	v40 =	vld [tilespmem:s11+$0x0]  }
0x1d2: {  	s13 =	sadd.s32 $0x1E00, s7;
	v49 =	vmul.f32 v60, v21;
	v35 =	vadd.f32 v28, v35;
	s25 =	sor.u32 s6, s8;
	v56 =	vld [tilespmem:s12+$0x0];
	v28 =	vadd.f32 v41, v38  }
0x1d3: {  	s13 =	sand.u32 $0x3FF80, s13;
	s8 =	sor.u32 s5, s8;
	v30 =	vadd.f32 v26, v30;
	v61 =	vld [tilespmem:s25+$0x0];
	v41 =	vmul.f32 v50, v23;
	v29 =	vadd.f32 v27, v29  }
0x1d4: {  	s13 =	sadd.s32 $0xC000, s13;
	v48 =	vmul.f32 v60, v22;
	v26 =	vld [tilespmem:s8+$0x0];
	v47 =	vadd.f32 v1, v47;
	v38 =	vadd.f32 v49, v28  }
0x1d5: {  	s7 =	sadd.s32 $0x2100, s7;
	s25 =	sor.u32 s6, s13;
	v31 =	vadd.f32 v41, v31;
	v62 =	vadd.s32 $0x8000, v53;
	v60 =	vadd.s32 $0x8000, v55  }
0x1d6: {  	s7 =	sand.u32 $0x1F780, s7;
	s23 =	sadd.s32 s5, s23;
	v27 =	vld [tilespmem:s25+$0x0];
	v37 =	vadd.s32 $0x8000, v59;
	v40 =	vadd.s32 $0x8000, v40;
	v43 =	vadd.s32 $0x8000, v43  }
0x1d7: {  	s24 =	rddreg [dreg:$0xa];
	s7 =	sadd.s32 $0xC000, s7;
	v21 =	vmovc v2;
	v2 =	vld [tilespmem:s23+$0x0];
	v31 =	vadd.f32 v48, v31;
	v56 =	vadd.s32 $0x8000, v56;
	v63 =	vand.u32 $0xFFFF0000, v62  }
0x1d8: {  	s17 =	sadd.s32 s17, s24;
	s15 =	sor.u32 s5, s7;
	v22 =	vmovc v58;
	s7 =	sor.u32 s6, s7;
	v61 =	vadd.s32 $0x8000, v61;
	v55 =	vand.u32 $0xFFFF0000, v60;
	v43 =	vand.u32 $0xFFFF0000, v43  }
0x1d9: {  	s31 =	sadd.s32 s5, s17;
	s5 =	sor.u32 s5, s13;
	v23 =	vmovc v54;
	v58 =	vld [tilespmem:s7+$0x0];
	v20 =	vmovc v39;
	v40 =	vand.u32 $0xFFFF0000, v40;
	v26 =	vadd.s32 $0x8000, v26;
	v39 =	vmul.f32 v63, v21  }
0x1da: {  	s6 =	sadd.s32 s6, s17;
	v62 =	vld [tilespmem:s5+$0x0];
	v46 =	vand.u32 $0xFFFF0000, v61;
	v41 =	vmul.f32 v63, v22;
	v48 =	vmul.f32 v40, v23  }
0x1db: {  	v60 =	vld [tilespmem:s6+$0x0];
	v63 =	vmul.f32 v55, v21;
	v49 =	vand.u32 $0xFFFF0000, v26;
	v26 =	vmul.f32 v43, v21  }
0x1dc: {  	v59 =	vadd.s32 $0x8000, v27;
	v27 =	vmul.f32 v43, v22;
	v1 =	vadd.s32 $0x8000, v2;
	v2 =	vld [tilespmem:s31+$0x0]  }
0x1dd: {  	v28 =	vmul.f32 v46, v22;
	v54 =	vmul.f32 v49, v20;
	v53 =	vand.u32 $0xFFFF0000, v1;
	v1 =	vld [tilespmem:s15+$0x0]  }
0x1de: {  	v32 =	vand.u32 $0xFFFF0000, v37;
	v37 =	vmul.f32 v46, v21;
	v46 =	vmul.f32 v55, v22  }
0x1df: {  	v61 =	vld [tilespmem:s1+$0x0];
	v55 =	vadd.s32 $0x8000, v58;
	v44 =	vadd.f32 v48, v44;
	v62 =	vadd.s32 $0x8000, v62  }
0x1e0: {  	s0 =	sadd.s32 $0x2, s0;
	v57 =	vmul.f32 v53, v20;
	v60 =	vadd.s32 $0x8000, v60;
	v58 =	vand.u32 $0xFFFF0000, v62  }
0x1e1: {  	p1 =	slt.u32 s0, $0x2E;
	v50 =	vadd.s32 $0x8000, v2;
	v2 =	vmul.f32 v40, v20;
	v40 =	vand.u32 $0xFFFF0000, v59  }
.Ltmp6:
0x1e2: {  	v59 =	vand.u32 $0xFFFF0000, v55;
	v1 =	vadd.s32 $0x8000, v1;
	v43 =	vmul.f32 v40, v22;
	(pc) =	sbr.rel @p1 .LBB2_12-.Ltmp6, $4  }
0x1e3: {  	v48 =	vmul.f32 v40, v21;
	v1 =	vand.u32 $0xFFFF0000, v1;
	v2 =	vadd.f32 v2, v25  }
0x1e4: {  	v40 =	vand.u32 $0xFFFF0000, v56;
	v25 =	vadd.s32 $0x8000, v61;
	v55 =	vmul.f32 v1, v23  }
0x1e5: {  	v56 =	vmul.f32 v1, v20;
	v62 =	vand.u32 $0xFFFF0000, v25;
	v25 =	vadd.f32 v63, v2  }
0x1e6: {  	s16 =	sadd.s32 $0x20, s16;
	s2 =	sadd.s32 $0x20, s2;
	s14 =	sadd.s32 $0x20, s14;
	v61 =	vmul.f32 v62, v23;
	v51 =	vadd.f32 v55, v51;
	v55 =	vmul.f32 v59, v22  }
0x1e7: {  	v1 =	vmul.f32 v53, v23;
	v2 =	vadd.f32 v57, v24  }
0x1e8: {  	v24 =	vmul.f32 v58, v20;
	v52 =	vadd.f32 v54, v52;
	v57 =	vmul.f32 v49, v23  }
0x1e9: {  	v53 =	vmul.f32 v62, v20;
	v1 =	vadd.f32 v1, v36;
	v2 =	vadd.f32 v39, v2  }
0x1ea: {  	v63 =	vmul.f32 v58, v23;
	v39 =	vadd.f32 v61, v45;
	v35 =	vadd.f32 v57, v35  }
0x1eb: {  	v62 =	vand.u32 $0xFFFF0000, v60;
	[tilespmem:$0x18770] =	vst v25;
	v24 =	vadd.f32 v24, v33;
	v57 =	vadd.f32 v37, v52  }
0x1ec: {  	v54 =	vmul.f32 v59, v21;
	v34 =	vadd.f32 v63, v34;
	v61 =	vadd.f32 v55, v51;
	[tilespmem:$0x18700] =	vst v2  }
0x1ed: {  	v60 =	vmul.f32 v62, v21;
	v59 =	vadd.f32 v53, v47;
	v1 =	vadd.f32 v41, v1;
	[tilespmem:$0x18710] =	vst v57  }
0x1ee: {  	v63 =	vmul.f32 v40, v21;
	v2 =	vand.u32 $0xFFFF0000, v50;
	v28 =	vadd.f32 v28, v35;
	[tilespmem:$0x18830] =	vst v61  }
0x1ef: {  	v24 =	vadd.f32 v48, v24;
	v58 =	vmul.f32 v2, v20;
	v2 =	vmul.f32 v2, v23;
	[tilespmem:$0x18800] =	vst v1  }
0x1f0: {  	v62 =	vmul.f32 v62, v22;
	v34 =	vadd.f32 v43, v34;
	v1 =	vadd.f32 v56, v42;
	[tilespmem:$0x18810] =	vst v28  }
0x1f1: {  	v21 =	vadd.f32 v63, v59;
	v20 =	vmul.f32 v32, v20;
	[tilespmem:$0x18720] =	vst v24;
	v2 =	vadd.f32 v2, v31  }
0x1f2: {  	[tilespmem:$0x18820] =	vst v34;
	v35 =	vadd.f32 v58, v38;
	v1 =	vadd.f32 v54, v1  }
0x1f3: {  	v32 =	vmul.f32 v32, v23;
	[tilespmem:$0x18750] =	vst v21;
	v20 =	vadd.f32 v20, v30;
	v2 =	vadd.f32 v62, v2  }
0x1f4: {  	v28 =	vadd.f32 v60, v35;
	[tilespmem:$0x18730] =	vst v1;
	v1 =	vmul.f32 v40, v22  }
0x1f5: {  	v22 =	vadd.f32 v32, v29;
	[tilespmem:$0x18840] =	vst v2;
	v2 =	vadd.f32 v26, v20  }
0x1f6: {  	[tilespmem:$0x18740] =	vst v28;
	v1 =	vadd.f32 v1, v39  }
0x1f7: {  	v20 =	vadd.f32 v27, v22;
	[tilespmem:$0x18760] =	vst v2  }
0x1f8: {  	[tilespmem:$0x18850] =	vst v1;
	v1 =	vadd.f32 v46, v44  }
0x1f9: {  	[tilespmem:$0x18860] =	vst v20  }
0x1fa: {  	[tilespmem:$0x18870] =	vst v1  }
0x1fb: {  	v1 =	vld.idx.msk [tilespmem:v0+s20+$0x0], $0xffff  }
0x1fc: {  	v2 =	vld.idx.msk [tilespmem:v0+s21+$0x0], $0xffff  }
0x1fd: {  	v20 =	vld.idx.msk [tilespmem:v4+s20+$0x0], $0xffff  }
0x1fe: {  	v21 =	vld.idx.msk [tilespmem:v4+s21+$0x0], $0xffff  }
0x1ff: {  	v34 =	vld.idx.msk [tilespmem:v5+s20+$0x0], $0xffff  }
0x200: {  	v35 =	vld.idx.msk [tilespmem:v5+s21+$0x0], $0xffff;
	v1 =	vadd.f32 $0.0e+00, v1  }
0x201: {  	v24 =	vld.idx.msk [tilespmem:v6+s20+$0x0], $0xffff;
	v2 =	vadd.f32 $0.0e+00, v2  }
0x202: {  	v1 =	vadd.f32 v20, v1;
	v20 =	vld.idx.msk [tilespmem:v6+s21+$0x0], $0xffff  }
0x203: {  	v36 =	vld.idx.msk [tilespmem:v7+s20+$0x0], $0xffff;
	v2 =	vadd.f32 v21, v2  }
0x204: {  	v37 =	vld.idx.msk [tilespmem:v7+s21+$0x0], $0xffff;
	v1 =	vadd.f32 v34, v1  }
0x205: {  	v38 =	vld.idx.msk [tilespmem:v8+s20+$0x0], $0xffff;
	v2 =	vadd.f32 v35, v2  }
0x206: {  	v39 =	vld.idx.msk [tilespmem:v8+s21+$0x0], $0xffff;
	v1 =	vadd.f32 v24, v1  }
0x207: {  	v2 =	vadd.f32 v20, v2;
	v20 =	vld.idx.msk [tilespmem:v9+s20+$0x0], $0xffff  }
0x208: {  	v40 =	vld.idx.msk [tilespmem:v9+s21+$0x0], $0xffff;
	v1 =	vadd.f32 v36, v1  }
0x209: {  	v41 =	vld.idx.msk [tilespmem:v10+s20+$0x0], $0xffff;
	v2 =	vadd.f32 v37, v2  }
0x20a: {  	v42 =	vld.idx.msk [tilespmem:v10+s21+$0x0], $0xffff;
	v1 =	vadd.f32 v38, v1  }
0x20b: {  	v43 =	vld.idx.msk [tilespmem:v11+s20+$0x0], $0xffff;
	v2 =	vadd.f32 v39, v2  }
0x20c: {  	v1 =	vadd.f32 v20, v1;
	v20 =	vld.idx.msk [tilespmem:v11+s21+$0x0], $0xffff  }
0x20d: {  	v44 =	vld.idx.msk [tilespmem:v12+s20+$0x0], $0xffff;
	v2 =	vadd.f32 v40, v2  }
0x20e: {  	v45 =	vld.idx.msk [tilespmem:v12+s21+$0x0], $0xffff;
	v1 =	vadd.f32 v41, v1  }
0x20f: {  	v46 =	vld.idx.msk [tilespmem:v13+s20+$0x0], $0xffff;
	v2 =	vadd.f32 v42, v2  }
0x210: {  	v47 =	vld.idx.msk [tilespmem:v13+s21+$0x0], $0xffff;
	v1 =	vadd.f32 v43, v1  }
0x211: {  	v2 =	vadd.f32 v20, v2;
	v20 =	vld.idx.msk [tilespmem:v14+s20+$0x0], $0xffff  }
0x212: {  	v48 =	vld.idx.msk [tilespmem:v14+s21+$0x0], $0xffff;
	v1 =	vadd.f32 v44, v1  }
0x213: {  	v49 =	vld.idx.msk [tilespmem:v15+s20+$0x0], $0xffff;
	v2 =	vadd.f32 v45, v2  }
0x214: {  	v50 =	vld.idx.msk [tilespmem:v15+s21+$0x0], $0xffff;
	v1 =	vadd.f32 v46, v1  }
0x215: {  	v51 =	vld.idx.msk [tilespmem:v16+s20+$0x0], $0xffff;
	v2 =	vadd.f32 v47, v2  }
0x216: {  	v1 =	vadd.f32 v20, v1;
	v20 =	vld.idx.msk [tilespmem:v16+s21+$0x0], $0xffff  }
0x217: {  	v52 =	vld.idx.msk [tilespmem:v17+s20+$0x0], $0xffff;
	v2 =	vadd.f32 v48, v2  }
0x218: {  	v53 =	vld.idx.msk [tilespmem:v17+s21+$0x0], $0xffff;
	v1 =	vadd.f32 v49, v1  }
0x219: {  	v54 =	vld.idx.msk [tilespmem:v18+s20+$0x0], $0xffff;
	v2 =	vadd.f32 v50, v2  }
0x21a: {  	v55 =	vld.idx.msk [tilespmem:v18+s21+$0x0], $0xffff;
	v1 =	vadd.f32 v51, v1  }
0x21b: {  	v2 =	vadd.f32 v20, v2  }
0x21c: {  	v1 =	vadd.f32 v52, v1  }
0x21d: {  	v2 =	vadd.f32 v53, v2  }
0x21e: {  	v1 =	vadd.f32 v54, v1  }
0x21f: {  	v2 =	vadd.f32 v55, v2  }
0x220: {  	v1 =	vmax.f32 v1, $-8.700000000e+01  }
0x221: {  	v1 =	vmin.f32 v1, $8.700000000e+01;
	v2 =	vmax.f32 v2, $-8.700000000e+01  }
0x222: {  	v1 =	vmul.f32 $-1.442695020e+00, v1;
	v2 =	vmin.f32 v2, $8.700000000e+01  }
0x223: {  	v2 =	vmul.f32 $-1.442695020e+00, v2  }
0x224: {  	v20 =	vadd.f32 $1.925000000e+02, v1  }
0x225: {  	v56 =	vadd.f32 $1.925000000e+02, v2  }
0x226: {  	v20 =	vtrunc.f32 v20  }
0x227: {  	v20 =	vcvt.f32.s32 v20;
	v21 =	vtrunc.f32 v56  }
0x228: {  	v21 =	vcvt.f32.s32 v21  }
0x229: {  	v57 =	vadd.s32 $0xFFFFFF40, v20  }
0x22a: {  	v22 =	vcvt.s32.f32 v57;
	v58 =	vadd.s32 $0xFFFFFF40, v21  }
0x22b: {  	v23 =	vcvt.s32.f32 v58  }
0x22c: {  	v1 =	vsub.f32 v1, v22  }
0x22d: {  	v2 =	vsub.f32 v2, v23  }
0x22e: {  	v1 =	vmul.f32 $6.931471820e-01, v1  }
0x22f: {  	v2 =	vmul.f32 $6.931471820e-01, v2  }
0x230: {  	v59 =	vmul.f32 $1.984127010e-04, v1  }
0x231: {  	v60 =	vmul.f32 $1.984127010e-04, v2  }
0x232: {  	v22 =	vadd.f32 $1.388888920e-03, v59  }
0x233: {  	v23 =	vadd.f32 $1.388888920e-03, v60  }
0x234: {  	v22 =	vmul.f32 v22, v1  }
0x235: {  	v23 =	vmul.f32 v23, v2  }
0x236: {  	v22 =	vadd.f32 $8.333333770e-03, v22  }
0x237: {  	v23 =	vadd.f32 $8.333333770e-03, v23  }
0x238: {  	v22 =	vmul.f32 v22, v1  }
0x239: {  	v23 =	vmul.f32 v23, v2  }
0x23a: {  	v22 =	vadd.f32 $4.166666790e-02, v22  }
0x23b: {  	v23 =	vadd.f32 $4.166666790e-02, v23  }
0x23c: {  	v22 =	vmul.f32 v22, v1  }
0x23d: {  	v23 =	vmul.f32 v23, v2  }
0x23e: {  	v22 =	vadd.f32 $1.666666720e-01, v22  }
0x23f: {  	v23 =	vadd.f32 $1.666666720e-01, v23  }
0x240: {  	v22 =	vmul.f32 v22, v1  }
0x241: {  	v23 =	vmul.f32 v23, v2  }
0x242: {  	v22 =	vadd.f32 $5.000000000e-01, v22  }
0x243: {  	v23 =	vadd.f32 $5.000000000e-01, v23  }
0x244: {  	v22 =	vmul.f32 v22, v1  }
0x245: {  	v23 =	vmul.f32 v23, v2  }
0x246: {  	v22 =	vadd.f32 $1.000000000e+00, v22  }
0x247: {  	v23 =	vadd.f32 $1.000000000e+00, v23  }
0x248: {  	v1 =	vmul.f32 v22, v1  }
0x249: {  	v2 =	vmul.f32 v23, v2  }
0x24a: {  	v20 =	vshll.u32 v20, $0x17;
	v1 =	vadd.f32 $1.000000000e+00, v1  }
0x24b: {  	v20 =	vadd.s32 $0xDF800000, v20;
	v21 =	vshll.u32 v21, $0x17;
	v2 =	vadd.f32 $1.000000000e+00, v2  }
0x24c: {  	v1 =	vmul.f32 v20, v1;
	v20 =	vadd.s32 $0xDF800000, v21  }
0x24d: {  	v2 =	vmul.f32 v20, v2  }
0x24e: {  	v1 =	vadd.f32 $1.000000000e+00, v1  }
0x24f: {  	v2 =	vadd.f32 $1.000000000e+00, v2  }
0x250: {  	(erf) = vrcp.f32 v1  }
0x251: {  	(erf) = vrcp.f32 v2;
	_ =	sdelay $0x7  }
0x252: {  	v20 =	vpop (erf)  }
0x253: {  	v61 =	vpop (erf)  }
0x254: {  	v62 =	vmul.f32 v20, v1;
	v63 =	vmul.f32 v61, v2;
	_ =	sdelay $0x1  }
0x255: {  	v22 =	vsub.f32 $2.000000000e+00, v62;
	v23 =	vsub.f32 $2.000000000e+00, v63;
	_ =	sdelay $0x1  }
0x256: {  	v20 =	vmul.f32 v22, v20;
	v21 =	vmul.f32 v23, v61;
	_ =	sdelay $0x1  }
0x257: {  	v1 =	vmul.f32 v20, v1;
	v2 =	vmul.f32 v21, v2;
	_ =	sdelay $0x1  }
0x258: {  	v1 =	vsub.f32 $2.000000000e+00, v1;
	v2 =	vsub.f32 $2.000000000e+00, v2;
	_ =	sdelay $0x1  }
0x259: {  	v1 =	vmul.f32 v1, v20;
	v2 =	vmul.f32 v2, v21;
	_ =	sdelay $0x1  }
0x25a: {  	v1 =	vadd.f32 v1, v3;
	v2 =	vadd.f32 v2, v19;
	_ =	sdelay $0x1  }
0x25b: {  	vm0 =	vgt.f32 v2, v1  }
0x25c: {  	v1 =	vsel vm0, v2, v1;
	v2 =	vld [tilespmem:$0x1FFF0];
	_ =	sdelay $0x2  }
0x25d: {  	s0 =	sshll.u32 s30, $0x4;
	s30 =	sadd.s32 $0x1, s30  }
0x25e: {  	p1 =	sne.s32 s30, $0x4  }
.Ltmp7:
0x25f: {  	_ = 	snop;
	(pc) =	sbr.rel @p1 .LBB2_9-.Ltmp7, $4  }
0x260: {  	v49 =	vimm.s32 $0x0  }
0x261: {  	v20 =	vsel vm0, $0x1, v49  }
0x262: {  	[tilespmem:v2+s0+$0x18880 ss:$0x1] =	vst.idx.msk $0xffff, v20  }
0x263: {  	s29 =	sadd.s32 $0x3000, s29;
	v50 =	vmov v3;
	v3 =	vmov v19;
	[tilespmem:v2+s0+$0x18A80 ss:$0x1] =	vst.idx.msk $0xffff, v1  }
.Ltmp8:
0x264: {  	(pc) =	sbr.rel @p0 .LBB2_16-.Ltmp8, $1  }
0x265: {  	_ =	sdelay $0x3  }
0x266: {  	s0 =	smul.u32 $0x18000, s26  }
.Ltmp9:
0x267: {  	_ = 	snop;
	(pc) =	sbr.rel .LBB2_2-.Ltmp9, $4  }
0x268: {  	s0 =	sadd.s32 s0, s10  }
0x269: {  	s0 =	sshrl.u32 s0, $0x3  }
0x26a: {  	s1 =	simm.s32 $0xC000;
	s26 =	sadd.s32 $0x1, s26;
	s0 =	sadd.s32 s4, s0  }
0x26b: {  	[tilespmem:s1], [sflag:$0x2] =	stream.linear.gather [hbm4b:s0+s3], $0xC000, $0x38;
	[tilespmem:$0x18C80] =	vst v63  }
.LBB2_17:
0x26c: {  	_ =	sfence.sel $0x180000  }
0x26d: {  	[bflag:$0x0] =	sbarrier.arrive $0xFFFF  }
0x26e: {  	_ =	strace $0x90000047  }
0x26f: {  	s0 =	stileid.u32;
	[bflag:$0x2] =	sbarrier.arrive $0xFFFF  }
0x270: {  	p0 =	sne.s32 s0, $0x0;
	s0 =	rddreg [dreg:$0x3]  }
0x271: {  	s0 =	sadd.s32 @!p0 $0x100000, s0  }
0x272: {  	[sflag:s0] =	ssyncadd.tile.s32 @!p0 $0x1;
	_ =	shalt  }
.Lfunc_end2:
_tile_overlayer_lowered:
.L_overlay_start_2:
0x273: {  	(tag) =	ssettag $0x2  }
0x274: {  	s0 =	rddreg [dreg:$0x0];
	s2 =	stileid.u32  }
0x275: {  	s1 =	rddreg [dreg:$0x1];
	p0 =	sne.s32 s2, $0x0  }
0x276: {  	s3 =	rddreg [dreg:$0x2];
	[bflag:$0x3] =	sbarrier.arrive $0xFFFF;
	s2 =	simm.s32 @!p0 $0x1C03  }
0x277: {  	[timem:s3], [sflag:s2] =	dma.local @!p0 [hbm:s0], s1  }
0x278: {  	s0 =	simm.s32 @!p0 $0x3  }
0x279: {  	_ =	swait.ge @!p0 [sflag:s0], s1  }
0x27a: {  	s1 =	ssub.s32 @!p0 $0x0, s1;
	[sflag:s0] =	ssyncset.done @!p0 $0x0  }
0x27b: {  	[sflag:s0] =	ssyncadd.s32 @!p0 s1  }
0x27c: {  	[bflag:$0x3] =	sbarrier.arrive $0xFFFF  }
0x27d: {  	_ =	shalt  }

</sc_bundles>
